<compile_context>
chip_gen: v7x
topology: tpu7x:2x2x1
jax: 0.10.2.dev20260603
libtpu: 0.0.44.dev20260713+nightly
codegen_flags: <defaults>
</compile_context>

<pallas_src>
import functools

import jax
import jax.numpy as jnp
from jax import lax
from jax.experimental import pallas as pl
from jax.experimental.pallas import tpu as pltpu
from jax.experimental.pallas import tpu_sc as plsc

_NC = 2
_NS = 16
_NW = _NC * _NS
_LANES = 16

_DIM = 64
_HALF = 100
_CHB = 128
_NBUF = 8


def _sc_embed_sum(text2, table):
  hb, half = text2.shape
  assert half == _HALF
  assert table.dtype == jnp.int32 and table.shape[1] == _DIM // 2
  nbags = hb // 2
  hb_per_w = hb // _NW
  assert hb_per_w % _CHB == 0
  n_chunks = hb_per_w // _CHB
  ncol = _DIM // _LANES

  mesh = plsc.VectorSubcoreMesh(core_axis_name="c", subcore_axis_name="s")

  @functools.partial(
      pl.kernel,
      mesh=mesh,
      compiler_params=pltpu.CompilerParams(use_tc_tiling_on_sc=False),
      out_type=jax.ShapeDtypeStruct((nbags, _DIM), jnp.float32),
      scratch_types=[
          pltpu.VMEM((_CHB, _HALF), jnp.int32),
          [pltpu.VMEM((_HALF, _DIM // 2), jnp.int32) for _ in range(_NBUF)],
          pltpu.VMEM((_CHB // 2, _DIM), jnp.float32),
          [pltpu.SemaphoreType.DMA for _ in range(_NBUF)],
      ],
  )
  def k(text2_hbm, table_hbm, out_hbm, idx_v, rows, sums_v, sems):
    wid = lax.axis_index("s") * _NC + lax.axis_index("c")
    hb_base = wid * hb_per_w
    def gather(j, u):
      return pltpu.make_async_copy(table_hbm.at[idx_v.at[j]], rows[u], sems[u])

    himask = jnp.full((_LANES,), -65536, jnp.int32)

    def accum(u, t_local):
      def row_body(i, a):
        accs = list(a)
        for r in range(4):
          for w in range(2):
            xi = rows[u][i * 4 + r, pl.ds(w * _LANES, _LANES)]
            lo = lax.bitcast_convert_type(
                lax.shift_left(xi, 16), jnp.float32
            )
            hi = lax.bitcast_convert_type(
                jnp.bitwise_and(xi, himask), jnp.float32
            )
            accs[2 * w] = accs[2 * w] + lo
            accs[2 * w + 1] = accs[2 * w + 1] + hi
        return tuple(accs)

      return lax.fori_loop(
          0, _HALF // 4, row_body,
          tuple(t_local[c] for c in range(ncol)),
      )

    def chunk_body(ci, _):
      chunk_hb = pl.multiple_of(hb_base + ci * _CHB, _CHB)
      pltpu.sync_copy(text2_hbm.at[pl.ds(chunk_hb, _CHB)], idx_v)
      for u in range(_NBUF):
        gather(u, u).start()

      def group_body(g, _):
        for bag in range(_NBUF // 2):
          accs = tuple(jnp.zeros((_LANES,), jnp.float32) for _ in range(ncol))
          for h in range(2):
            u = 2 * bag + h
            j = _NBUF * g + u
            gather(j, u).wait()
            accs = accum(u, accs)

            @pl.when(j + _NBUF < _CHB)
            def _():
              gather(j + _NBUF, u).start()

          t = (_NBUF // 2) * g + bag
          for c in range(ncol):
            sums_v[t, pl.ds(c * _LANES, _LANES)] = accs[c]
        return 0

      lax.fori_loop(0, _CHB // _NBUF, group_body, 0)
      pltpu.sync_copy(
          sums_v,
          out_hbm.at[pl.ds(pl.multiple_of(chunk_hb // 2, _CHB // 2), _CHB // 2)],
      )
      return 0

    lax.fori_loop(0, n_chunks, chunk_body, 0)

  return k(text2, table)


_RBLK = 4096


def _tc_relayout(table_t, interpret=False):
  dim, nvocab = table_t.shape
  hw = dim // 2
  g = 4 * _RBLK
  nclean = (nvocab // g) * g
  nfull = nclean // g
  tail = nvocab - nclean
  qt = tail // 4

  def packT(z):
    y16 = jnp.transpose(z.astype(jnp.bfloat16), (1, 0))
    ti = lax.bitcast_convert_type(y16, jnp.int16).astype(jnp.int32)
    lo = jnp.bitwise_and(ti[:, :hw], jnp.int32(0xFFFF))
    hi = lax.shift_left(ti[:, hw:], 16)
    return jnp.bitwise_or(lo, hi)

  def body(in_a, in_b, in_c, in_d, out_ref):
    i = pl.program_id(0)
    ins = (in_a, in_b, in_c, in_d)

    @pl.when(i < nfull)
    def _():
      for m in range(4):
        out_ref[:, m * hw : (m + 1) * hw] = packT(ins[m][...])

    @pl.when(i == nfull)
    def _():
      z = in_a[...]
      for m in range(4):
        out_ref[0:qt, m * hw : (m + 1) * hw] = packT(z[:, m * qt : (m + 1) * qt])

  def mk_spec(m):
    if m == 0:
      return pl.BlockSpec((dim, _RBLK), lambda i: (0, 4 * i))
    return pl.BlockSpec(
        (dim, _RBLK),
        lambda i: (0, jnp.minimum(4 * i + m, 4 * nfull - 1)),
    )

  return pl.pallas_call(
      body,
      grid=(nfull + 1,),
      in_specs=[mk_spec(m) for m in range(4)],
      out_specs=pl.BlockSpec((_RBLK, 2 * dim), lambda i: (i, 0)),
      out_shape=jax.ShapeDtypeStruct((nvocab // 4, 2 * dim), jnp.int32),
      interpret=interpret,
  )(table_t, table_t, table_t, table_t)


def _remap_indices(text, nvocab):
  g = 4 * _RBLK
  nclean = (nvocab // g) * g
  qt = (nvocab - nclean) // 4
  i = text // g
  rem = text % g
  m = rem // _RBLK
  p = rem % _RBLK
  r_clean = 4 * (i * _RBLK + p) + m
  t = text - nclean
  r_tail = nclean + 4 * (t % qt) + t // qt
  return jnp.where(text < nclean, r_clean, r_tail)


def _tc_linear(summed, text, wt, bias):
  nbags, seq = text.shape
  out_dim = wt.shape[1]
  blk = 1024
  grid = (nbags // blk,)

  def body(summed_ref, text_ref, wt_ref, b_ref, out_ref):
    cnt = jnp.sum(
        (text_ref[...] != 0).astype(jnp.float32), axis=1, keepdims=True
    )
    pooled = summed_ref[...] / jnp.maximum(cnt, 1.0)
    out_ref[...] = (
        jnp.dot(pooled, wt_ref[...], preferred_element_type=jnp.float32)
        + b_ref[...]
    )

  return pl.pallas_call(
      body,
      grid=grid,
      in_specs=[
          pl.BlockSpec((blk, _DIM), lambda i: (i, 0)),
          pl.BlockSpec((blk, seq), lambda i: (i, 0)),
          pl.BlockSpec((_DIM, out_dim), lambda i: (0, 0)),
          pl.BlockSpec((1, out_dim), lambda i: (0, 0)),
      ],
      out_specs=pl.BlockSpec((blk, out_dim), lambda i: (i, 0)),
      out_shape=jax.ShapeDtypeStruct((nbags, out_dim), jnp.float32),
  )(summed, text, wt, bias)


_COL_PERM = (
    tuple(range(0, 16))
    + tuple(range(32, 48))
    + tuple(range(16, 32))
    + tuple(range(48, 64))
)


def kernel(text, table, W, b):
  nbags, seq = text.shape
  nvocab = table.shape[0]
  text = text.astype(jnp.int32)
  text_r = _remap_indices(text, nvocab)
  text2 = text_r.reshape(nbags * 2, seq // 2)
  table_i32 = _tc_relayout(table.T).reshape(nvocab, _DIM // 2)
  summed = _sc_embed_sum(text2, table_i32)
  wt = W.T[jnp.array(_COL_PERM, jnp.int32)]
  return _tc_linear(summed, text, wt, b.reshape(1, -1))

# --- scband reference (transcript-rebuilt; emitter-appended) ---
"""Pipeline reference for scband-nbo-wmodel-44624710205586 (READ-ONLY COPY).

The authoritative reference and input builder live on the scoring server;
editing this copy changes nothing except your own understanding.
"""

import jax, jax.numpy as jnp
import numpy as np

VOCAB = 1000000
DIM = 64
OUT = 128
PAD = 0
B = 16384
L = 200


def setup_inputs(seed: int = 0) -> dict:
    key = jax.random.key(seed)
    k1, k2, k3, k4 = jax.random.split(key, 4)
    text = jax.random.randint(k1, (B, L), 0, VOCAB)
    table = jax.random.normal(k2, (VOCAB, DIM), dtype=jnp.float32)
    table = table.at[PAD].set(0.0)  # padding_idx row is zero-initialized in torch
    W = jax.random.normal(k3, (OUT, DIM), dtype=jnp.float32) * 0.05
    b = jax.random.normal(k4, (OUT,), dtype=jnp.float32) * 0.05
    return {"text": text, "table": table, "W": W, "b": b}


def reference(text, table, W, b):
    # nn.EmbeddingBag(mode='mean', padding_idx=PAD): mean over non-pad tokens per bag
    emb = jnp.take(table, text, axis=0)          # [B, L, D] gather
    mask = (text != PAD).astype(emb.dtype)[..., None]  # [B, L, 1]
    summed = jnp.sum(emb * mask, axis=1)          # [B, D]
    count = jnp.maximum(jnp.sum(mask, axis=1), 1.0)  # [B, 1]; empty bag -> 0 output
    pooled = summed / count
    # nn.Linear
    return pooled @ W.T + b

if __name__ == "__main__":
    import jax
    _d = setup_inputs()
    print(jax.jit(kernel)(*tuple(_d.values())))

</pallas_src>

<mosaic_0001>
#map = affine_map<(d0, d1) -> (0, 0)>
module attributes {stable_mosaic.version = 14 : i64} {
  func.func @k(%arg0: i32, %arg1: i32, %arg2: memref<32768x100xi32, #tpu.memory_space<hbm>>, %arg3: memref<1000000x32xi32, #tpu.memory_space<hbm>>, %arg4: memref<16384x64xf32, #tpu.memory_space<hbm>>, %arg5: memref<128x100xi32, #tpu.memory_space<vmem>>, %arg6: memref<100x32xi32, #tpu.memory_space<vmem>>, %arg7: memref<100x32xi32, #tpu.memory_space<vmem>>, %arg8: memref<100x32xi32, #tpu.memory_space<vmem>>, %arg9: memref<100x32xi32, #tpu.memory_space<vmem>>, %arg10: memref<100x32xi32, #tpu.memory_space<vmem>>, %arg11: memref<100x32xi32, #tpu.memory_space<vmem>>, %arg12: memref<100x32xi32, #tpu.memory_space<vmem>>, %arg13: memref<100x32xi32, #tpu.memory_space<vmem>>, %arg14: memref<64x64xf32, #tpu.memory_space<vmem>>, %arg15: memref<!tpu.dma_semaphore, #tpu.memory_space<semaphore_mem>>, %arg16: memref<!tpu.dma_semaphore, #tpu.memory_space<semaphore_mem>>, %arg17: memref<!tpu.dma_semaphore, #tpu.memory_space<semaphore_mem>>, %arg18: memref<!tpu.dma_semaphore, #tpu.memory_space<semaphore_mem>>, %arg19: memref<!tpu.dma_semaphore, #tpu.memory_space<semaphore_mem>>, %arg20: memref<!tpu.dma_semaphore, #tpu.memory_space<semaphore_mem>>, %arg21: memref<!tpu.dma_semaphore, #tpu.memory_space<semaphore_mem>>, %arg22: memref<!tpu.dma_semaphore, #tpu.memory_space<semaphore_mem>>) attributes {dimension_semantics = [#tpu.dimension_semantics<core_parallel>, #tpu.dimension_semantics<subcore_parallel>], iteration_bounds = array<i64: 2, 16>, scalar_prefetch = 0 : i64, scratch_operands = 18 : i64, tpu.core_type = #tpu.core_type<sc_vector_subcore>, window_params = [{transform_indices = #map}, {transform_indices = #map}, {transform_indices = #map}]} {
    %mul3A = arith.constant 2 : i32
    %mul3A_0 = arith.muli %arg1, %mul3A : i32
    %add3A = arith.addi %mul3A_0, %arg0 : i32
    %mul3A_1 = arith.constant 1024 : i32
    %mul3A_2 = arith.muli %add3A, %mul3A_1 : i32
    %broadcast_in_dim3A = arith.constant -65536 : i32
    %broadcast_in_dim3A_3 = vector.broadcast %broadcast_in_dim3A : i32 to vector<16xi32>
    %scan3A = arith.constant 0 : i32
    %scan3A_4 = arith.constant 0 : i32
    %scan3A_5 = arith.constant 8 : i32
    %scan3A_6 = arith.addi %scan3A_4, %scan3A_5 : i32
    %scan3A_7 = arith.constant 1 : i32
    %scan3A_8 = scf.for %scan3A_10 = %scan3A_4 to %scan3A_6 step %scan3A_7 iter_args(%scan3A_11 = %scan3A) -> (i32)  : i32 {
      %mul3A_12 = arith.constant 128 : i32
      %mul3A_13 = arith.muli %scan3A_10, %mul3A_12 : i32
      %add3A_14 = arith.addi %mul3A_2, %mul3A_13 : i32
      %multiple_of3A = tpu.assume_multiple %add3A_14, 128 : i32
      "tpu.region"() ({
        %run_scoped3A = tpu.sem_alloc : memref<!tpu.dma_semaphore, #tpu.memory_space<semaphore_mem>>
        %dma_start3A_95 = arith.constant 0 : i32
        %dma_start3A_96 = tpu.memref_slice %arg2[%multiple_of3A, %dma_start3A_95] : memref<32768x100xi32, #tpu.memory_space<hbm>> -> memref<128x100xi32, #tpu.memory_space<hbm>>
        %dma_start3A_97 = arith.constant 0 : i32
        %dma_start3A_98 = tpu.memref_slice %arg2[%multiple_of3A, %dma_start3A_97] : memref<32768x100xi32, #tpu.memory_space<hbm>> -> memref<128x100xi32, #tpu.memory_space<hbm>>
        tpu.enqueue_dma source(%dma_start3A_98 : memref<128x100xi32, #tpu.memory_space<hbm>>) target(%arg5 : memref<128x100xi32, #tpu.memory_space<vmem>>) target_semaphore(%run_scoped3A : memref<!tpu.dma_semaphore, #tpu.memory_space<semaphore_mem>>)
        %dma_wait3A = arith.constant 0 : i32
        %dma_wait3A_99 = tpu.memref_slice %arg2[%multiple_of3A, %dma_wait3A] : memref<32768x100xi32, #tpu.memory_space<hbm>> -> memref<128x100xi32, #tpu.memory_space<hbm>>
        %dma_wait3A_100 = arith.constant 0 : i32
        %dma_wait3A_101 = tpu.memref_slice %arg2[%multiple_of3A, %dma_wait3A_100] : memref<32768x100xi32, #tpu.memory_space<hbm>> -> memref<128x100xi32, #tpu.memory_space<hbm>>
        tpu.wait_dma2 semaphore(%run_scoped3A : memref<!tpu.dma_semaphore, #tpu.memory_space<semaphore_mem>>) src(%dma_wait3A_101 : memref<128x100xi32, #tpu.memory_space<hbm>>) dst(%arg5 : memref<128x100xi32, #tpu.memory_space<vmem>>)
        tpu.yield
      }) : () -> ()
      %dma_start3A = arith.constant 0 : i32
      %dma_start3A_15 = arith.constant 0 : i32
      %dma_start3A_16 = tpu.memref_slice %arg5[%dma_start3A, %dma_start3A_15] : memref<128x100xi32, #tpu.memory_space<vmem>> -> memref<1x100xi32, #tpu.memory_space<vmem>>
      %dma_start3A_17 = tpu.memref_squeeze %dma_start3A_16 : memref<1x100xi32, #tpu.memory_space<vmem>> -> memref<100xi32, #tpu.memory_space<vmem>>
      %dma_start3A_18 = arith.constant 0 : i32
      %dma_start3A_19 = arith.constant 0 : i32
      %dma_start3A_20 = tpu.memref_slice %arg3[%dma_start3A_18, %dma_start3A_19] : memref<1000000x32xi32, #tpu.memory_space<hbm>> -> memref<1000000x32xi32, #tpu.memory_space<hbm>>
      tpu.enqueue_indirect_dma source(%dma_start3A_20 : memref<1000000x32xi32, #tpu.memory_space<hbm>>) target(%arg6 : memref<100x32xi32, #tpu.memory_space<vmem>>) offsets(%dma_start3A_17 : memref<100xi32, #tpu.memory_space<vmem>>) semaphore(%arg15 : memref<!tpu.dma_semaphore, #tpu.memory_space<semaphore_mem>>)
      %dma_start3A_21 = arith.constant 1 : i32
      %dma_start3A_22 = arith.constant 0 : i32
      %dma_start3A_23 = tpu.memref_slice %arg5[%dma_start3A_21, %dma_start3A_22] : memref<128x100xi32, #tpu.memory_space<vmem>> -> memref<1x100xi32, #tpu.memory_space<vmem>>
      %dma_start3A_24 = tpu.memref_squeeze %dma_start3A_23 : memref<1x100xi32, #tpu.memory_space<vmem>> -> memref<100xi32, #tpu.memory_space<vmem>>
      %dma_start3A_25 = arith.constant 0 : i32
      %dma_start3A_26 = arith.constant 0 : i32
      %dma_start3A_27 = tpu.memref_slice %arg3[%dma_start3A_25, %dma_start3A_26] : memref<1000000x32xi32, #tpu.memory_space<hbm>> -> memref<1000000x32xi32, #tpu.memory_space<hbm>>
      tpu.enqueue_indirect_dma source(%dma_start3A_27 : memref<1000000x32xi32, #tpu.memory_space<hbm>>) target(%arg7 : memref<100x32xi32, #tpu.memory_space<vmem>>) offsets(%dma_start3A_24 : memref<100xi32, #tpu.memory_space<vmem>>) semaphore(%arg16 : memref<!tpu.dma_semaphore, #tpu.memory_space<semaphore_mem>>)
      %dma_start3A_28 = arith.constant 2 : i32
      %dma_start3A_29 = arith.constant 0 : i32
      %dma_start3A_30 = tpu.memref_slice %arg5[%dma_start3A_28, %dma_start3A_29] : memref<128x100xi32, #tpu.memory_space<vmem>> -> memref<1x100xi32, #tpu.memory_space<vmem>>
      %dma_start3A_31 = tpu.memref_squeeze %dma_start3A_30 : memref<1x100xi32, #tpu.memory_space<vmem>> -> memref<100xi32, #tpu.memory_space<vmem>>
      %dma_start3A_32 = arith.constant 0 : i32
      %dma_start3A_33 = arith.constant 0 : i32
      %dma_start3A_34 = tpu.memref_slice %arg3[%dma_start3A_32, %dma_start3A_33] : memref<1000000x32xi32, #tpu.memory_space<hbm>> -> memref<1000000x32xi32, #tpu.memory_space<hbm>>
      tpu.enqueue_indirect_dma source(%dma_start3A_34 : memref<1000000x32xi32, #tpu.memory_space<hbm>>) target(%arg8 : memref<100x32xi32, #tpu.memory_space<vmem>>) offsets(%dma_start3A_31 : memref<100xi32, #tpu.memory_space<vmem>>) semaphore(%arg17 : memref<!tpu.dma_semaphore, #tpu.memory_space<semaphore_mem>>)
      %dma_start3A_35 = arith.constant 3 : i32
      %dma_start3A_36 = arith.constant 0 : i32
      %dma_start3A_37 = tpu.memref_slice %arg5[%dma_start3A_35, %dma_start3A_36] : memref<128x100xi32, #tpu.memory_space<vmem>> -> memref<1x100xi32, #tpu.memory_space<vmem>>
      %dma_start3A_38 = tpu.memref_squeeze %dma_start3A_37 : memref<1x100xi32, #tpu.memory_space<vmem>> -> memref<100xi32, #tpu.memory_space<vmem>>
      %dma_start3A_39 = arith.constant 0 : i32
      %dma_start3A_40 = arith.constant 0 : i32
      %dma_start3A_41 = tpu.memref_slice %arg3[%dma_start3A_39, %dma_start3A_40] : memref<1000000x32xi32, #tpu.memory_space<hbm>> -> memref<1000000x32xi32, #tpu.memory_space<hbm>>
      tpu.enqueue_indirect_dma source(%dma_start3A_41 : memref<1000000x32xi32, #tpu.memory_space<hbm>>) target(%arg9 : memref<100x32xi32, #tpu.memory_space<vmem>>) offsets(%dma_start3A_38 : memref<100xi32, #tpu.memory_space<vmem>>) semaphore(%arg18 : memref<!tpu.dma_semaphore, #tpu.memory_space<semaphore_mem>>)
      %dma_start3A_42 = arith.constant 4 : i32
      %dma_start3A_43 = arith.constant 0 : i32
      %dma_start3A_44 = tpu.memref_slice %arg5[%dma_start3A_42, %dma_start3A_43] : memref<128x100xi32, #tpu.memory_space<vmem>> -> memref<1x100xi32, #tpu.memory_space<vmem>>
      %dma_start3A_45 = tpu.memref_squeeze %dma_start3A_44 : memref<1x100xi32, #tpu.memory_space<vmem>> -> memref<100xi32, #tpu.memory_space<vmem>>
      %dma_start3A_46 = arith.constant 0 : i32
      %dma_start3A_47 = arith.constant 0 : i32
      %dma_start3A_48 = tpu.memref_slice %arg3[%dma_start3A_46, %dma_start3A_47] : memref<1000000x32xi32, #tpu.memory_space<hbm>> -> memref<1000000x32xi32, #tpu.memory_space<hbm>>
      tpu.enqueue_indirect_dma source(%dma_start3A_48 : memref<1000000x32xi32, #tpu.memory_space<hbm>>) target(%arg10 : memref<100x32xi32, #tpu.memory_space<vmem>>) offsets(%dma_start3A_45 : memref<100xi32, #tpu.memory_space<vmem>>) semaphore(%arg19 : memref<!tpu.dma_semaphore, #tpu.memory_space<semaphore_mem>>)
      %dma_start3A_49 = arith.constant 5 : i32
      %dma_start3A_50 = arith.constant 0 : i32
      %dma_start3A_51 = tpu.memref_slice %arg5[%dma_start3A_49, %dma_start3A_50] : memref<128x100xi32, #tpu.memory_space<vmem>> -> memref<1x100xi32, #tpu.memory_space<vmem>>
      %dma_start3A_52 = tpu.memref_squeeze %dma_start3A_51 : memref<1x100xi32, #tpu.memory_space<vmem>> -> memref<100xi32, #tpu.memory_space<vmem>>
      %dma_start3A_53 = arith.constant 0 : i32
      %dma_start3A_54 = arith.constant 0 : i32
      %dma_start3A_55 = tpu.memref_slice %arg3[%dma_start3A_53, %dma_start3A_54] : memref<1000000x32xi32, #tpu.memory_space<hbm>> -> memref<1000000x32xi32, #tpu.memory_space<hbm>>
      tpu.enqueue_indirect_dma source(%dma_start3A_55 : memref<1000000x32xi32, #tpu.memory_space<hbm>>) target(%arg11 : memref<100x32xi32, #tpu.memory_space<vmem>>) offsets(%dma_start3A_52 : memref<100xi32, #tpu.memory_space<vmem>>) semaphore(%arg20 : memref<!tpu.dma_semaphore, #tpu.memory_space<semaphore_mem>>)
      %dma_start3A_56 = arith.constant 6 : i32
      %dma_start3A_57 = arith.constant 0 : i32
      %dma_start3A_58 = tpu.memref_slice %arg5[%dma_start3A_56, %dma_start3A_57] : memref<128x100xi32, #tpu.memory_space<vmem>> -> memref<1x100xi32, #tpu.memory_space<vmem>>
      %dma_start3A_59 = tpu.memref_squeeze %dma_start3A_58 : memref<1x100xi32, #tpu.memory_space<vmem>> -> memref<100xi32, #tpu.memory_space<vmem>>
      %dma_start3A_60 = arith.constant 0 : i32
      %dma_start3A_61 = arith.constant 0 : i32
      %dma_start3A_62 = tpu.memref_slice %arg3[%dma_start3A_60, %dma_start3A_61] : memref<1000000x32xi32, #tpu.memory_space<hbm>> -> memref<1000000x32xi32, #tpu.memory_space<hbm>>
      tpu.enqueue_indirect_dma source(%dma_start3A_62 : memref<1000000x32xi32, #tpu.memory_space<hbm>>) target(%arg12 : memref<100x32xi32, #tpu.memory_space<vmem>>) offsets(%dma_start3A_59 : memref<100xi32, #tpu.memory_space<vmem>>) semaphore(%arg21 : memref<!tpu.dma_semaphore, #tpu.memory_space<semaphore_mem>>)
      %dma_start3A_63 = arith.constant 7 : i32
      %dma_start3A_64 = arith.constant 0 : i32
      %dma_start3A_65 = tpu.memref_slice %arg5[%dma_start3A_63, %dma_start3A_64] : memref<128x100xi32, #tpu.memory_space<vmem>> -> memref<1x100xi32, #tpu.memory_space<vmem>>
      %dma_start3A_66 = tpu.memref_squeeze %dma_start3A_65 : memref<1x100xi32, #tpu.memory_space<vmem>> -> memref<100xi32, #tpu.memory_space<vmem>>
      %dma_start3A_67 = arith.constant 0 : i32
      %dma_start3A_68 = arith.constant 0 : i32
      %dma_start3A_69 = tpu.memref_slice %arg3[%dma_start3A_67, %dma_start3A_68] : memref<1000000x32xi32, #tpu.memory_space<hbm>> -> memref<1000000x32xi32, #tpu.memory_space<hbm>>
      tpu.enqueue_indirect_dma source(%dma_start3A_69 : memref<1000000x32xi32, #tpu.memory_space<hbm>>) target(%arg13 : memref<100x32xi32, #tpu.memory_space<vmem>>) offsets(%dma_start3A_66 : memref<100xi32, #tpu.memory_space<vmem>>) semaphore(%arg22 : memref<!tpu.dma_semaphore, #tpu.memory_space<semaphore_mem>>)
      %scan3A_70 = arith.constant 0 : i32
      %scan3A_71 = arith.constant 0 : i32
      %scan3A_72 = arith.constant 16 : i32
      %scan3A_73 = arith.addi %scan3A_71, %scan3A_72 : i32
      %scan3A_74 = arith.constant 1 : i32
      %scan3A_75 = scf.for %scan3A_95 = %scan3A_71 to %scan3A_73 step %scan3A_74 iter_args(%scan3A_96 = %scan3A_70) -> (i32)  : i32 {
        %broadcast_in_dim3A_97 = arith.constant 0.000000e+00 : f32
        %broadcast_in_dim3A_98 = vector.broadcast %broadcast_in_dim3A_97 : f32 to vector<16xf32>
        %broadcast_in_dim3A_99 = arith.constant 0.000000e+00 : f32
        %broadcast_in_dim3A_100 = vector.broadcast %broadcast_in_dim3A_99 : f32 to vector<16xf32>
        %broadcast_in_dim3A_101 = arith.constant 0.000000e+00 : f32
        %broadcast_in_dim3A_102 = vector.broadcast %broadcast_in_dim3A_101 : f32 to vector<16xf32>
        %broadcast_in_dim3A_103 = arith.constant 0.000000e+00 : f32
        %broadcast_in_dim3A_104 = vector.broadcast %broadcast_in_dim3A_103 : f32 to vector<16xf32>
        %mul3A_105 = arith.constant 8 : i32
        %mul3A_106 = arith.muli %mul3A_105, %scan3A_95 : i32
        %add3A_107 = arith.constant 0 : i32
        %add3A_108 = arith.addi %mul3A_106, %add3A_107 : i32
        %dma_wait3A = arith.constant 0 : i32
        %dma_wait3A_109 = tpu.memref_slice %arg5[%add3A_108, %dma_wait3A] : memref<128x100xi32, #tpu.memory_space<vmem>> -> memref<1x100xi32, #tpu.memory_space<vmem>>
        %dma_wait3A_110 = tpu.memref_squeeze %dma_wait3A_109 : memref<1x100xi32, #tpu.memory_space<vmem>> -> memref<100xi32, #tpu.memory_space<vmem>>
        %dma_wait3A_111 = arith.constant 0 : i32
        %dma_wait3A_112 = arith.constant 0 : i32
        %dma_wait3A_113 = tpu.memref_slice %arg3[%dma_wait3A_111, %dma_wait3A_112] : memref<1000000x32xi32, #tpu.memory_space<hbm>> -> memref<1000000x32xi32, #tpu.memory_space<hbm>>
        tpu.wait_indirect_dma semaphore(%arg15 : memref<!tpu.dma_semaphore, #tpu.memory_space<semaphore_mem>>) src(%dma_wait3A_113 : memref<1000000x32xi32, #tpu.memory_space<hbm>>) dst(%arg6 : memref<100x32xi32, #tpu.memory_space<vmem>>)
        %scan3A_114 = arith.constant 0 : i32
        %scan3A_115 = arith.constant 25 : i32
        %scan3A_116 = arith.addi %scan3A_114, %scan3A_115 : i32
        %scan3A_117 = arith.constant 1 : i32
        %scan3A_118:4 = scf.for %scan3A_405 = %scan3A_114 to %scan3A_116 step %scan3A_117 iter_args(%scan3A_406 = %broadcast_in_dim3A_98, %scan3A_407 = %broadcast_in_dim3A_100, %scan3A_408 = %broadcast_in_dim3A_102, %scan3A_409 = %broadcast_in_dim3A_104) -> (vector<16xf32>, vector<16xf32>, vector<16xf32>, vector<16xf32>)  : i32 {
          %mul3A_410 = arith.constant 4 : i32
          %mul3A_411 = arith.muli %scan3A_405, %mul3A_410 : i32
          %add3A_412 = arith.constant 0 : i32
          %add3A_413 = arith.addi %mul3A_411, %add3A_412 : i32
          %get3A = arith.index_cast %add3A_413 : i32 to index
          %get3A_414 = arith.constant 0 : index
          %get3A_415 = tpu.vector_load %arg6[%get3A, %get3A_414] {strides = array<i32>} : memref<100x32xi32, #tpu.memory_space<vmem>>, vector<1x16xi32>,
          %get3A_416 = vector.shape_cast %get3A_415 : vector<1x16xi32> to vector<16xi32>
          %shift_left3A = arith.constant 16 : i32
          %shift_left3A_417 = vector.broadcast %shift_left3A : i32 to vector<16xi32>
          %shift_left3A_418 = arith.shli %get3A_416, %shift_left3A_417 : vector<16xi32>
          %bitcast_convert_type3A = tpu.bitcast %shift_left3A_418 : vector<16xi32> -> vector<16xf32>
          %and3A_419 = arith.andi %get3A_416, %broadcast_in_dim3A_3 : vector<16xi32>
          %bitcast_convert_type3A_420 = tpu.bitcast %and3A_419 : vector<16xi32> -> vector<16xf32>
          %add3A_421 = arith.addf %scan3A_406, %bitcast_convert_type3A : vector<16xf32>
          %add3A_422 = arith.addf %scan3A_407, %bitcast_convert_type3A_420 : vector<16xf32>
          %mul3A_423 = arith.constant 4 : i32
          %mul3A_424 = arith.muli %scan3A_405, %mul3A_423 : i32
          %add3A_425 = arith.constant 0 : i32
          %add3A_426 = arith.addi %mul3A_424, %add3A_425 : i32
          %get3A_427 = arith.index_cast %add3A_426 : i32 to index
          %get3A_428 = arith.constant 16 : index
          %get3A_429 = tpu.vector_load %arg6[%get3A_427, %get3A_428] {strides = array<i32>} : memref<100x32xi32, #tpu.memory_space<vmem>>, vector<1x16xi32>,
          %get3A_430 = vector.shape_cast %get3A_429 : vector<1x16xi32> to vector<16xi32>
          %shift_left3A_431 = arith.constant 16 : i32
          %shift_left3A_432 = vector.broadcast %shift_left3A_431 : i32 to vector<16xi32>
          %shift_left3A_433 = arith.shli %get3A_430, %shift_left3A_432 : vector<16xi32>
          %bitcast_convert_type3A_434 = tpu.bitcast %shift_left3A_433 : vector<16xi32> -> vector<16xf32>
          %and3A_435 = arith.andi %get3A_430, %broadcast_in_dim3A_3 : vector<16xi32>
          %bitcast_convert_type3A_436 = tpu.bitcast %and3A_435 : vector<16xi32> -> vector<16xf32>
          %add3A_437 = arith.addf %scan3A_408, %bitcast_convert_type3A_434 : vector<16xf32>
          %add3A_438 = arith.addf %scan3A_409, %bitcast_convert_type3A_436 : vector<16xf32>
          %mul3A_439 = arith.constant 4 : i32
          %mul3A_440 = arith.muli %scan3A_405, %mul3A_439 : i32
          %add3A_441 = arith.constant 1 : i32
          %add3A_442 = arith.addi %mul3A_440, %add3A_441 : i32
          %get3A_443 = arith.index_cast %add3A_442 : i32 to index
          %get3A_444 = arith.constant 0 : index
          %get3A_445 = tpu.vector_load %arg6[%get3A_443, %get3A_444] {strides = array<i32>} : memref<100x32xi32, #tpu.memory_space<vmem>>, vector<1x16xi32>,
          %get3A_446 = vector.shape_cast %get3A_445 : vector<1x16xi32> to vector<16xi32>
          %shift_left3A_447 = arith.constant 16 : i32
          %shift_left3A_448 = vector.broadcast %shift_left3A_447 : i32 to vector<16xi32>
          %shift_left3A_449 = arith.shli %get3A_446, %shift_left3A_448 : vector<16xi32>
          %bitcast_convert_type3A_450 = tpu.bitcast %shift_left3A_449 : vector<16xi32> -> vector<16xf32>
          %and3A_451 = arith.andi %get3A_446, %broadcast_in_dim3A_3 : vector<16xi32>
          %bitcast_convert_type3A_452 = tpu.bitcast %and3A_451 : vector<16xi32> -> vector<16xf32>
          %add3A_453 = arith.addf %add3A_421, %bitcast_convert_type3A_450 : vector<16xf32>
          %add3A_454 = arith.addf %add3A_422, %bitcast_convert_type3A_452 : vector<16xf32>
          %mul3A_455 = arith.constant 4 : i32
          %mul3A_456 = arith.muli %scan3A_405, %mul3A_455 : i32
          %add3A_457 = arith.constant 1 : i32
          %add3A_458 = arith.addi %mul3A_456, %add3A_457 : i32
          %get3A_459 = arith.index_cast %add3A_458 : i32 to index
          %get3A_460 = arith.constant 16 : index
          %get3A_461 = tpu.vector_load %arg6[%get3A_459, %get3A_460] {strides = array<i32>} : memref<100x32xi32, #tpu.memory_space<vmem>>, vector<1x16xi32>,
          %get3A_462 = vector.shape_cast %get3A_461 : vector<1x16xi32> to vector<16xi32>
          %shift_left3A_463 = arith.constant 16 : i32
          %shift_left3A_464 = vector.broadcast %shift_left3A_463 : i32 to vector<16xi32>
          %shift_left3A_465 = arith.shli %get3A_462, %shift_left3A_464 : vector<16xi32>
          %bitcast_convert_type3A_466 = tpu.bitcast %shift_left3A_465 : vector<16xi32> -> vector<16xf32>
          %and3A_467 = arith.andi %get3A_462, %broadcast_in_dim3A_3 : vector<16xi32>
          %bitcast_convert_type3A_468 = tpu.bitcast %and3A_467 : vector<16xi32> -> vector<16xf32>
          %add3A_469 = arith.addf %add3A_437, %bitcast_convert_type3A_466 : vector<16xf32>
          %add3A_470 = arith.addf %add3A_438, %bitcast_convert_type3A_468 : vector<16xf32>
          %mul3A_471 = arith.constant 4 : i32
          %mul3A_472 = arith.muli %scan3A_405, %mul3A_471 : i32
          %add3A_473 = arith.constant 2 : i32
          %add3A_474 = arith.addi %mul3A_472, %add3A_473 : i32
          %get3A_475 = arith.index_cast %add3A_474 : i32 to index
          %get3A_476 = arith.constant 0 : index
          %get3A_477 = tpu.vector_load %arg6[%get3A_475, %get3A_476] {strides = array<i32>} : memref<100x32xi32, #tpu.memory_space<vmem>>, vector<1x16xi32>,
          %get3A_478 = vector.shape_cast %get3A_477 : vector<1x16xi32> to vector<16xi32>
          %shift_left3A_479 = arith.constant 16 : i32
          %shift_left3A_480 = vector.broadcast %shift_left3A_479 : i32 to vector<16xi32>
          %shift_left3A_481 = arith.shli %get3A_478, %shift_left3A_480 : vector<16xi32>
          %bitcast_convert_type3A_482 = tpu.bitcast %shift_left3A_481 : vector<16xi32> -> vector<16xf32>
          %and3A_483 = arith.andi %get3A_478, %broadcast_in_dim3A_3 : vector<16xi32>
          %bitcast_convert_type3A_484 = tpu.bitcast %and3A_483 : vector<16xi32> -> vector<16xf32>
          %add3A_485 = arith.addf %add3A_453, %bitcast_convert_type3A_482 : vector<16xf32>
          %add3A_486 = arith.addf %add3A_454, %bitcast_convert_type3A_484 : vector<16xf32>
          %mul3A_487 = arith.constant 4 : i32
          %mul3A_488 = arith.muli %scan3A_405, %mul3A_487 : i32
          %add3A_489 = arith.constant 2 : i32
          %add3A_490 = arith.addi %mul3A_488, %add3A_489 : i32
          %get3A_491 = arith.index_cast %add3A_490 : i32 to index
          %get3A_492 = arith.constant 16 : index
          %get3A_493 = tpu.vector_load %arg6[%get3A_491, %get3A_492] {strides = array<i32>} : memref<100x32xi32, #tpu.memory_space<vmem>>, vector<1x16xi32>,
          %get3A_494 = vector.shape_cast %get3A_493 : vector<1x16xi32> to vector<16xi32>
          %shift_left3A_495 = arith.constant 16 : i32
          %shift_left3A_496 = vector.broadcast %shift_left3A_495 : i32 to vector<16xi32>
          %shift_left3A_497 = arith.shli %get3A_494, %shift_left3A_496 : vector<16xi32>
          %bitcast_convert_type3A_498 = tpu.bitcast %shift_left3A_497 : vector<16xi32> -> vector<16xf32>
          %and3A_499 = arith.andi %get3A_494, %broadcast_in_dim3A_3 : vector<16xi32>
          %bitcast_convert_type3A_500 = tpu.bitcast %and3A_499 : vector<16xi32> -> vector<16xf32>
          %add3A_501 = arith.addf %add3A_469, %bitcast_convert_type3A_498 : vector<16xf32>
          %add3A_502 = arith.addf %add3A_470, %bitcast_convert_type3A_500 : vector<16xf32>
          %mul3A_503 = arith.constant 4 : i32
          %mul3A_504 = arith.muli %scan3A_405, %mul3A_503 : i32
          %add3A_505 = arith.constant 3 : i32
          %add3A_506 = arith.addi %mul3A_504, %add3A_505 : i32
          %get3A_507 = arith.index_cast %add3A_506 : i32 to index
          %get3A_508 = arith.constant 0 : index
          %get3A_509 = tpu.vector_load %arg6[%get3A_507, %get3A_508] {strides = array<i32>} : memref<100x32xi32, #tpu.memory_space<vmem>>, vector<1x16xi32>,
          %get3A_510 = vector.shape_cast %get3A_509 : vector<1x16xi32> to vector<16xi32>
          %shift_left3A_511 = arith.constant 16 : i32
          %shift_left3A_512 = vector.broadcast %shift_left3A_511 : i32 to vector<16xi32>
          %shift_left3A_513 = arith.shli %get3A_510, %shift_left3A_512 : vector<16xi32>
          %bitcast_convert_type3A_514 = tpu.bitcast %shift_left3A_513 : vector<16xi32> -> vector<16xf32>
          %and3A_515 = arith.andi %get3A_510, %broadcast_in_dim3A_3 : vector<16xi32>
          %bitcast_convert_type3A_516 = tpu.bitcast %and3A_515 : vector<16xi32> -> vector<16xf32>
          %add3A_517 = arith.addf %add3A_485, %bitcast_convert_type3A_514 : vector<16xf32>
          %add3A_518 = arith.addf %add3A_486, %bitcast_convert_type3A_516 : vector<16xf32>
          %mul3A_519 = arith.constant 4 : i32
          %mul3A_520 = arith.muli %scan3A_405, %mul3A_519 : i32
          %add3A_521 = arith.constant 3 : i32
          %add3A_522 = arith.addi %mul3A_520, %add3A_521 : i32
          %get3A_523 = arith.index_cast %add3A_522 : i32 to index
          %get3A_524 = arith.constant 16 : index
          %get3A_525 = tpu.vector_load %arg6[%get3A_523, %get3A_524] {strides = array<i32>} : memref<100x32xi32, #tpu.memory_space<vmem>>, vector<1x16xi32>,
          %get3A_526 = vector.shape_cast %get3A_525 : vector<1x16xi32> to vector<16xi32>
          %shift_left3A_527 = arith.constant 16 : i32
          %shift_left3A_528 = vector.broadcast %shift_left3A_527 : i32 to vector<16xi32>
          %shift_left3A_529 = arith.shli %get3A_526, %shift_left3A_528 : vector<16xi32>
          %bitcast_convert_type3A_530 = tpu.bitcast %shift_left3A_529 : vector<16xi32> -> vector<16xf32>
          %and3A_531 = arith.andi %get3A_526, %broadcast_in_dim3A_3 : vector<16xi32>
          %bitcast_convert_type3A_532 = tpu.bitcast %and3A_531 : vector<16xi32> -> vector<16xf32>
          %add3A_533 = arith.addf %add3A_501, %bitcast_convert_type3A_530 : vector<16xf32>
          %add3A_534 = arith.addf %add3A_502, %bitcast_convert_type3A_532 : vector<16xf32>
          scf.yield %add3A_517, %add3A_518, %add3A_533, %add3A_534 : vector<16xf32>, vector<16xf32>, vector<16xf32>, vector<16xf32>
        }
        %scan3A_119 = arith.constant 25 : i32
        %add3A_120 = arith.constant 8 : i32
        %add3A_121 = arith.addi %add3A_108, %add3A_120 : i32
        %lt3A = arith.constant 128 : i32
        %lt3A_122 = arith.cmpi slt, %add3A_121, %lt3A : i32
        %convert_element_type3A = arith.extui %lt3A_122 : i1 to i32
        %cond3A = arith.constant 0 : i32
        %cond3A_123 = arith.cmpi ne, %convert_element_type3A, %cond3A : i32
        scf.if %cond3A_123 {
          %add3A_405 = arith.constant 8 : i32
          %add3A_406 = arith.addi %add3A_108, %add3A_405 : i32
          %dma_start3A_407 = arith.constant 0 : i32
          %dma_start3A_408 = tpu.memref_slice %arg5[%add3A_406, %dma_start3A_407] : memref<128x100xi32, #tpu.memory_space<vmem>> -> memref<1x100xi32, #tpu.memory_space<vmem>>
          %dma_start3A_409 = tpu.memref_squeeze %dma_start3A_408 : memref<1x100xi32, #tpu.memory_space<vmem>> -> memref<100xi32, #tpu.memory_space<vmem>>
          %dma_start3A_410 = arith.constant 0 : i32
          %dma_start3A_411 = arith.constant 0 : i32
          %dma_start3A_412 = tpu.memref_slice %arg3[%dma_start3A_410, %dma_start3A_411] : memref<1000000x32xi32, #tpu.memory_space<hbm>> -> memref<1000000x32xi32, #tpu.memory_space<hbm>>
          tpu.enqueue_indirect_dma source(%dma_start3A_412 : memref<1000000x32xi32, #tpu.memory_space<hbm>>) target(%arg6 : memref<100x32xi32, #tpu.memory_space<vmem>>) offsets(%dma_start3A_409 : memref<100xi32, #tpu.memory_space<vmem>>) semaphore(%arg15 : memref<!tpu.dma_semaphore, #tpu.memory_space<semaphore_mem>>)
        } else {
        }
        %mul3A_124 = arith.constant 8 : i32
        %mul3A_125 = arith.muli %mul3A_124, %scan3A_95 : i32
        %add3A_126 = arith.constant 1 : i32
        %add3A_127 = arith.addi %mul3A_125, %add3A_126 : i32
        %dma_wait3A_128 = arith.constant 0 : i32
        %dma_wait3A_129 = tpu.memref_slice %arg5[%add3A_127, %dma_wait3A_128] : memref<128x100xi32, #tpu.memory_space<vmem>> -> memref<1x100xi32, #tpu.memory_space<vmem>>
        %dma_wait3A_130 = tpu.memref_squeeze %dma_wait3A_129 : memref<1x100xi32, #tpu.memory_space<vmem>> -> memref<100xi32, #tpu.memory_space<vmem>>
        %dma_wait3A_131 = arith.constant 0 : i32
        %dma_wait3A_132 = arith.constant 0 : i32
        %dma_wait3A_133 = tpu.memref_slice %arg3[%dma_wait3A_131, %dma_wait3A_132] : memref<1000000x32xi32, #tpu.memory_space<hbm>> -> memref<1000000x32xi32, #tpu.memory_space<hbm>>
        tpu.wait_indirect_dma semaphore(%arg16 : memref<!tpu.dma_semaphore, #tpu.memory_space<semaphore_mem>>) src(%dma_wait3A_133 : memref<1000000x32xi32, #tpu.memory_space<hbm>>) dst(%arg7 : memref<100x32xi32, #tpu.memory_space<vmem>>)
        %scan3A_134 = arith.constant 0 : i32
        %scan3A_135 = arith.constant 25 : i32
        %scan3A_136 = arith.addi %scan3A_134, %scan3A_135 : i32
        %scan3A_137 = arith.constant 1 : i32
        %scan3A_138:4 = scf.for %scan3A_405 = %scan3A_134 to %scan3A_136 step %scan3A_137 iter_args(%scan3A_406 = %scan3A_118#0, %scan3A_407 = %scan3A_118#1, %scan3A_408 = %scan3A_118#2, %scan3A_409 = %scan3A_118#3) -> (vector<16xf32>, vector<16xf32>, vector<16xf32>, vector<16xf32>)  : i32 {
          %mul3A_410 = arith.constant 4 : i32
          %mul3A_411 = arith.muli %scan3A_405, %mul3A_410 : i32
          %add3A_412 = arith.constant 0 : i32
          %add3A_413 = arith.addi %mul3A_411, %add3A_412 : i32
          %get3A = arith.index_cast %add3A_413 : i32 to index
          %get3A_414 = arith.constant 0 : index
          %get3A_415 = tpu.vector_load %arg7[%get3A, %get3A_414] {strides = array<i32>} : memref<100x32xi32, #tpu.memory_space<vmem>>, vector<1x16xi32>,
          %get3A_416 = vector.shape_cast %get3A_415 : vector<1x16xi32> to vector<16xi32>
          %shift_left3A = arith.constant 16 : i32
          %shift_left3A_417 = vector.broadcast %shift_left3A : i32 to vector<16xi32>
          %shift_left3A_418 = arith.shli %get3A_416, %shift_left3A_417 : vector<16xi32>
          %bitcast_convert_type3A = tpu.bitcast %shift_left3A_418 : vector<16xi32> -> vector<16xf32>
          %and3A_419 = arith.andi %get3A_416, %broadcast_in_dim3A_3 : vector<16xi32>
          %bitcast_convert_type3A_420 = tpu.bitcast %and3A_419 : vector<16xi32> -> vector<16xf32>
          %add3A_421 = arith.addf %scan3A_406, %bitcast_convert_type3A : vector<16xf32>
          %add3A_422 = arith.addf %scan3A_407, %bitcast_convert_type3A_420 : vector<16xf32>
          %mul3A_423 = arith.constant 4 : i32
          %mul3A_424 = arith.muli %scan3A_405, %mul3A_423 : i32
          %add3A_425 = arith.constant 0 : i32
          %add3A_426 = arith.addi %mul3A_424, %add3A_425 : i32
          %get3A_427 = arith.index_cast %add3A_426 : i32 to index
          %get3A_428 = arith.constant 16 : index
          %get3A_429 = tpu.vector_load %arg7[%get3A_427, %get3A_428] {strides = array<i32>} : memref<100x32xi32, #tpu.memory_space<vmem>>, vector<1x16xi32>,
          %get3A_430 = vector.shape_cast %get3A_429 : vector<1x16xi32> to vector<16xi32>
          %shift_left3A_431 = arith.constant 16 : i32
          %shift_left3A_432 = vector.broadcast %shift_left3A_431 : i32 to vector<16xi32>
          %shift_left3A_433 = arith.shli %get3A_430, %shift_left3A_432 : vector<16xi32>
          %bitcast_convert_type3A_434 = tpu.bitcast %shift_left3A_433 : vector<16xi32> -> vector<16xf32>
          %and3A_435 = arith.andi %get3A_430, %broadcast_in_dim3A_3 : vector<16xi32>
          %bitcast_convert_type3A_436 = tpu.bitcast %and3A_435 : vector<16xi32> -> vector<16xf32>
          %add3A_437 = arith.addf %scan3A_408, %bitcast_convert_type3A_434 : vector<16xf32>
          %add3A_438 = arith.addf %scan3A_409, %bitcast_convert_type3A_436 : vector<16xf32>
          %mul3A_439 = arith.constant 4 : i32
          %mul3A_440 = arith.muli %scan3A_405, %mul3A_439 : i32
          %add3A_441 = arith.constant 1 : i32
          %add3A_442 = arith.addi %mul3A_440, %add3A_441 : i32
          %get3A_443 = arith.index_cast %add3A_442 : i32 to index
          %get3A_444 = arith.constant 0 : index
          %get3A_445 = tpu.vector_load %arg7[%get3A_443, %get3A_444] {strides = array<i32>} : memref<100x32xi32, #tpu.memory_space<vmem>>, vector<1x16xi32>,
          %get3A_446 = vector.shape_cast %get3A_445 : vector<1x16xi32> to vector<16xi32>
          %shift_left3A_447 = arith.constant 16 : i32
          %shift_left3A_448 = vector.broadcast %shift_left3A_447 : i32 to vector<16xi32>
          %shift_left3A_449 = arith.shli %get3A_446, %shift_left3A_448 : vector<16xi32>
          %bitcast_convert_type3A_450 = tpu.bitcast %shift_left3A_449 : vector<16xi32> -> vector<16xf32>
          %and3A_451 = arith.andi %get3A_446, %broadcast_in_dim3A_3 : vector<16xi32>
          %bitcast_convert_type3A_452 = tpu.bitcast %and3A_451 : vector<16xi32> -> vector<16xf32>
          %add3A_453 = arith.addf %add3A_421, %bitcast_convert_type3A_450 : vector<16xf32>
          %add3A_454 = arith.addf %add3A_422, %bitcast_convert_type3A_452 : vector<16xf32>
          %mul3A_455 = arith.constant 4 : i32
          %mul3A_456 = arith.muli %scan3A_405, %mul3A_455 : i32
          %add3A_457 = arith.constant 1 : i32
          %add3A_458 = arith.addi %mul3A_456, %add3A_457 : i32
          %get3A_459 = arith.index_cast %add3A_458 : i32 to index
          %get3A_460 = arith.constant 16 : index
          %get3A_461 = tpu.vector_load %arg7[%get3A_459, %get3A_460] {strides = array<i32>} : memref<100x32xi32, #tpu.memory_space<vmem>>, vector<1x16xi32>,
          %get3A_462 = vector.shape_cast %get3A_461 : vector<1x16xi32> to vector<16xi32>
          %shift_left3A_463 = arith.constant 16 : i32
          %shift_left3A_464 = vector.broadcast %shift_left3A_463 : i32 to vector<16xi32>
          %shift_left3A_465 = arith.shli %get3A_462, %shift_left3A_464 : vector<16xi32>
          %bitcast_convert_type3A_466 = tpu.bitcast %shift_left3A_465 : vector<16xi32> -> vector<16xf32>
          %and3A_467 = arith.andi %get3A_462, %broadcast_in_dim3A_3 : vector<16xi32>
          %bitcast_convert_type3A_468 = tpu.bitcast %and3A_467 : vector<16xi32> -> vector<16xf32>
          %add3A_469 = arith.addf %add3A_437, %bitcast_convert_type3A_466 : vector<16xf32>
          %add3A_470 = arith.addf %add3A_438, %bitcast_convert_type3A_468 : vector<16xf32>
          %mul3A_471 = arith.constant 4 : i32
          %mul3A_472 = arith.muli %scan3A_405, %mul3A_471 : i32
          %add3A_473 = arith.constant 2 : i32
          %add3A_474 = arith.addi %mul3A_472, %add3A_473 : i32
          %get3A_475 = arith.index_cast %add3A_474 : i32 to index
          %get3A_476 = arith.constant 0 : index
          %get3A_477 = tpu.vector_load %arg7[%get3A_475, %get3A_476] {strides = array<i32>} : memref<100x32xi32, #tpu.memory_space<vmem>>, vector<1x16xi32>,
          %get3A_478 = vector.shape_cast %get3A_477 : vector<1x16xi32> to vector<16xi32>
          %shift_left3A_479 = arith.constant 16 : i32
          %shift_left3A_480 = vector.broadcast %shift_left3A_479 : i32 to vector<16xi32>
          %shift_left3A_481 = arith.shli %get3A_478, %shift_left3A_480 : vector<16xi32>
          %bitcast_convert_type3A_482 = tpu.bitcast %shift_left3A_481 : vector<16xi32> -> vector<16xf32>
          %and3A_483 = arith.andi %get3A_478, %broadcast_in_dim3A_3 : vector<16xi32>
          %bitcast_convert_type3A_484 = tpu.bitcast %and3A_483 : vector<16xi32> -> vector<16xf32>
          %add3A_485 = arith.addf %add3A_453, %bitcast_convert_type3A_482 : vector<16xf32>
          %add3A_486 = arith.addf %add3A_454, %bitcast_convert_type3A_484 : vector<16xf32>
          %mul3A_487 = arith.constant 4 : i32
          %mul3A_488 = arith.muli %scan3A_405, %mul3A_487 : i32
          %add3A_489 = arith.constant 2 : i32
          %add3A_490 = arith.addi %mul3A_488, %add3A_489 : i32
          %get3A_491 = arith.index_cast %add3A_490 : i32 to index
          %get3A_492 = arith.constant 16 : index
          %get3A_493 = tpu.vector_load %arg7[%get3A_491, %get3A_492] {strides = array<i32>} : memref<100x32xi32, #tpu.memory_space<vmem>>, vector<1x16xi32>,
          %get3A_494 = vector.shape_cast %get3A_493 : vector<1x16xi32> to vector<16xi32>
          %shift_left3A_495 = arith.constant 16 : i32
          %shift_left3A_496 = vector.broadcast %shift_left3A_495 : i32 to vector<16xi32>
          %shift_left3A_497 = arith.shli %get3A_494, %shift_left3A_496 : vector<16xi32>
          %bitcast_convert_type3A_498 = tpu.bitcast %shift_left3A_497 : vector<16xi32> -> vector<16xf32>
          %and3A_499 = arith.andi %get3A_494, %broadcast_in_dim3A_3 : vector<16xi32>
          %bitcast_convert_type3A_500 = tpu.bitcast %and3A_499 : vector<16xi32> -> vector<16xf32>
          %add3A_501 = arith.addf %add3A_469, %bitcast_convert_type3A_498 : vector<16xf32>
          %add3A_502 = arith.addf %add3A_470, %bitcast_convert_type3A_500 : vector<16xf32>
          %mul3A_503 = arith.constant 4 : i32
          %mul3A_504 = arith.muli %scan3A_405, %mul3A_503 : i32
          %add3A_505 = arith.constant 3 : i32
          %add3A_506 = arith.addi %mul3A_504, %add3A_505 : i32
          %get3A_507 = arith.index_cast %add3A_506 : i32 to index
          %get3A_508 = arith.constant 0 : index
          %get3A_509 = tpu.vector_load %arg7[%get3A_507, %get3A_508] {strides = array<i32>} : memref<100x32xi32, #tpu.memory_space<vmem>>, vector<1x16xi32>,
          %get3A_510 = vector.shape_cast %get3A_509 : vector<1x16xi32> to vector<16xi32>
          %shift_left3A_511 = arith.constant 16 : i32
          %shift_left3A_512 = vector.broadcast %shift_left3A_511 : i32 to vector<16xi32>
          %shift_left3A_513 = arith.shli %get3A_510, %shift_left3A_512 : vector<16xi32>
          %bitcast_convert_type3A_514 = tpu.bitcast %shift_left3A_513 : vector<16xi32> -> vector<16xf32>
          %and3A_515 = arith.andi %get3A_510, %broadcast_in_dim3A_3 : vector<16xi32>
          %bitcast_convert_type3A_516 = tpu.bitcast %and3A_515 : vector<16xi32> -> vector<16xf32>
          %add3A_517 = arith.addf %add3A_485, %bitcast_convert_type3A_514 : vector<16xf32>
          %add3A_518 = arith.addf %add3A_486, %bitcast_convert_type3A_516 : vector<16xf32>
          %mul3A_519 = arith.constant 4 : i32
          %mul3A_520 = arith.muli %scan3A_405, %mul3A_519 : i32
          %add3A_521 = arith.constant 3 : i32
          %add3A_522 = arith.addi %mul3A_520, %add3A_521 : i32
          %get3A_523 = arith.index_cast %add3A_522 : i32 to index
          %get3A_524 = arith.constant 16 : index
          %get3A_525 = tpu.vector_load %arg7[%get3A_523, %get3A_524] {strides = array<i32>} : memref<100x32xi32, #tpu.memory_space<vmem>>, vector<1x16xi32>,
          %get3A_526 = vector.shape_cast %get3A_525 : vector<1x16xi32> to vector<16xi32>
          %shift_left3A_527 = arith.constant 16 : i32
          %shift_left3A_528 = vector.broadcast %shift_left3A_527 : i32 to vector<16xi32>
          %shift_left3A_529 = arith.shli %get3A_526, %shift_left3A_528 : vector<16xi32>
          %bitcast_convert_type3A_530 = tpu.bitcast %shift_left3A_529 : vector<16xi32> -> vector<16xf32>
          %and3A_531 = arith.andi %get3A_526, %broadcast_in_dim3A_3 : vector<16xi32>
          %bitcast_convert_type3A_532 = tpu.bitcast %and3A_531 : vector<16xi32> -> vector<16xf32>
          %add3A_533 = arith.addf %add3A_501, %bitcast_convert_type3A_530 : vector<16xf32>
          %add3A_534 = arith.addf %add3A_502, %bitcast_convert_type3A_532 : vector<16xf32>
          scf.yield %add3A_517, %add3A_518, %add3A_533, %add3A_534 : vector<16xf32>, vector<16xf32>, vector<16xf32>, vector<16xf32>
        }
        %scan3A_139 = arith.constant 25 : i32
        %add3A_140 = arith.constant 8 : i32
        %add3A_141 = arith.addi %add3A_127, %add3A_140 : i32
        %lt3A_142 = arith.constant 128 : i32
        %lt3A_143 = arith.cmpi slt, %add3A_141, %lt3A_142 : i32
        %convert_element_type3A_144 = arith.extui %lt3A_143 : i1 to i32
        %cond3A_145 = arith.constant 0 : i32
        %cond3A_146 = arith.cmpi ne, %convert_element_type3A_144, %cond3A_145 : i32
        scf.if %cond3A_146 {
          %add3A_405 = arith.constant 8 : i32
          %add3A_406 = arith.addi %add3A_127, %add3A_405 : i32
          %dma_start3A_407 = arith.constant 0 : i32
          %dma_start3A_408 = tpu.memref_slice %arg5[%add3A_406, %dma_start3A_407] : memref<128x100xi32, #tpu.memory_space<vmem>> -> memref<1x100xi32, #tpu.memory_space<vmem>>
          %dma_start3A_409 = tpu.memref_squeeze %dma_start3A_408 : memref<1x100xi32, #tpu.memory_space<vmem>> -> memref<100xi32, #tpu.memory_space<vmem>>
          %dma_start3A_410 = arith.constant 0 : i32
          %dma_start3A_411 = arith.constant 0 : i32
          %dma_start3A_412 = tpu.memref_slice %arg3[%dma_start3A_410, %dma_start3A_411] : memref<1000000x32xi32, #tpu.memory_space<hbm>> -> memref<1000000x32xi32, #tpu.memory_space<hbm>>
          tpu.enqueue_indirect_dma source(%dma_start3A_412 : memref<1000000x32xi32, #tpu.memory_space<hbm>>) target(%arg7 : memref<100x32xi32, #tpu.memory_space<vmem>>) offsets(%dma_start3A_409 : memref<100xi32, #tpu.memory_space<vmem>>) semaphore(%arg16 : memref<!tpu.dma_semaphore, #tpu.memory_space<semaphore_mem>>)
        } else {
        }
        %mul3A_147 = arith.constant 4 : i32
        %mul3A_148 = arith.muli %mul3A_147, %scan3A_95 : i32
        %add3A_149 = arith.constant 0 : i32
        %add3A_150 = arith.addi %mul3A_148, %add3A_149 : i32
        %swap3A = arith.index_cast %add3A_150 : i32 to index
        %swap3A_151 = arith.constant 0 : index
        %swap3A_152 = tpu.vector_load %arg14[%swap3A, %swap3A_151] {strides = array<i32>} : memref<64x64xf32, #tpu.memory_space<vmem>>, vector<1x16xf32>,
        %swap3A_153 = vector.shape_cast %swap3A_152 : vector<1x16xf32> to vector<16xf32>
        %swap3A_154 = vector.shape_cast %scan3A_138#0 : vector<16xf32> to vector<1x16xf32>
        tpu.vector_store %arg14[%swap3A, %swap3A_151], %swap3A_154 {strides = array<i32>} : memref<64x64xf32, #tpu.memory_space<vmem>>, vector<1x16xf32>,
        %swap3A_155 = arith.index_cast %add3A_150 : i32 to index
        %swap3A_156 = arith.constant 16 : index
        %swap3A_157 = tpu.vector_load %arg14[%swap3A_155, %swap3A_156] {strides = array<i32>} : memref<64x64xf32, #tpu.memory_space<vmem>>, vector<1x16xf32>,
        %swap3A_158 = vector.shape_cast %swap3A_157 : vector<1x16xf32> to vector<16xf32>
        %swap3A_159 = vector.shape_cast %scan3A_138#1 : vector<16xf32> to vector<1x16xf32>
        tpu.vector_store %arg14[%swap3A_155, %swap3A_156], %swap3A_159 {strides = array<i32>} : memref<64x64xf32, #tpu.memory_space<vmem>>, vector<1x16xf32>,
        %swap3A_160 = arith.index_cast %add3A_150 : i32 to index
        %swap3A_161 = arith.constant 32 : index
        %swap3A_162 = tpu.vector_load %arg14[%swap3A_160, %swap3A_161] {strides = array<i32>} : memref<64x64xf32, #tpu.memory_space<vmem>>, vector<1x16xf32>,
        %swap3A_163 = vector.shape_cast %swap3A_162 : vector<1x16xf32> to vector<16xf32>
        %swap3A_164 = vector.shape_cast %scan3A_138#2 : vector<16xf32> to vector<1x16xf32>
        tpu.vector_store %arg14[%swap3A_160, %swap3A_161], %swap3A_164 {strides = array<i32>} : memref<64x64xf32, #tpu.memory_space<vmem>>, vector<1x16xf32>,
        %swap3A_165 = arith.index_cast %add3A_150 : i32 to index
        %swap3A_166 = arith.constant 48 : index
        %swap3A_167 = tpu.vector_load %arg14[%swap3A_165, %swap3A_166] {strides = array<i32>} : memref<64x64xf32, #tpu.memory_space<vmem>>, vector<1x16xf32>,
        %swap3A_168 = vector.shape_cast %swap3A_167 : vector<1x16xf32> to vector<16xf32>
        %swap3A_169 = vector.shape_cast %scan3A_138#3 : vector<16xf32> to vector<1x16xf32>
        tpu.vector_store %arg14[%swap3A_165, %swap3A_166], %swap3A_169 {strides = array<i32>} : memref<64x64xf32, #tpu.memory_space<vmem>>, vector<1x16xf32>,
        %broadcast_in_dim3A_170 = arith.constant 0.000000e+00 : f32
        %broadcast_in_dim3A_171 = vector.broadcast %broadcast_in_dim3A_170 : f32 to vector<16xf32>
        %broadcast_in_dim3A_172 = arith.constant 0.000000e+00 : f32
        %broadcast_in_dim3A_173 = vector.broadcast %broadcast_in_dim3A_172 : f32 to vector<16xf32>
        %broadcast_in_dim3A_174 = arith.constant 0.000000e+00 : f32
        %broadcast_in_dim3A_175 = vector.broadcast %broadcast_in_dim3A_174 : f32 to vector<16xf32>
        %broadcast_in_dim3A_176 = arith.constant 0.000000e+00 : f32
        %broadcast_in_dim3A_177 = vector.broadcast %broadcast_in_dim3A_176 : f32 to vector<16xf32>
        %mul3A_178 = arith.constant 8 : i32
        %mul3A_179 = arith.muli %mul3A_178, %scan3A_95 : i32
        %add3A_180 = arith.constant 2 : i32
        %add3A_181 = arith.addi %mul3A_179, %add3A_180 : i32
        %dma_wait3A_182 = arith.constant 0 : i32
        %dma_wait3A_183 = tpu.memref_slice %arg5[%add3A_181, %dma_wait3A_182] : memref<128x100xi32, #tpu.memory_space<vmem>> -> memref<1x100xi32, #tpu.memory_space<vmem>>
        %dma_wait3A_184 = tpu.memref_squeeze %dma_wait3A_183 : memref<1x100xi32, #tpu.memory_space<vmem>> -> memref<100xi32, #tpu.memory_space<vmem>>
        %dma_wait3A_185 = arith.constant 0 : i32
        %dma_wait3A_186 = arith.constant 0 : i32
        %dma_wait3A_187 = tpu.memref_slice %arg3[%dma_wait3A_185, %dma_wait3A_186] : memref<1000000x32xi32, #tpu.memory_space<hbm>> -> memref<1000000x32xi32, #tpu.memory_space<hbm>>
        tpu.wait_indirect_dma semaphore(%arg17 : memref<!tpu.dma_semaphore, #tpu.memory_space<semaphore_mem>>) src(%dma_wait3A_187 : memref<1000000x32xi32, #tpu.memory_space<hbm>>) dst(%arg8 : memref<100x32xi32, #tpu.memory_space<vmem>>)
        %scan3A_188 = arith.constant 0 : i32
        %scan3A_189 = arith.constant 25 : i32
        %scan3A_190 = arith.addi %scan3A_188, %scan3A_189 : i32
        %scan3A_191 = arith.constant 1 : i32
        %scan3A_192:4 = scf.for %scan3A_405 = %scan3A_188 to %scan3A_190 step %scan3A_191 iter_args(%scan3A_406 = %broadcast_in_dim3A_171, %scan3A_407 = %broadcast_in_dim3A_173, %scan3A_408 = %broadcast_in_dim3A_175, %scan3A_409 = %broadcast_in_dim3A_177) -> (vector<16xf32>, vector<16xf32>, vector<16xf32>, vector<16xf32>)  : i32 {
          %mul3A_410 = arith.constant 4 : i32
          %mul3A_411 = arith.muli %scan3A_405, %mul3A_410 : i32
          %add3A_412 = arith.constant 0 : i32
          %add3A_413 = arith.addi %mul3A_411, %add3A_412 : i32
          %get3A = arith.index_cast %add3A_413 : i32 to index
          %get3A_414 = arith.constant 0 : index
          %get3A_415 = tpu.vector_load %arg8[%get3A, %get3A_414] {strides = array<i32>} : memref<100x32xi32, #tpu.memory_space<vmem>>, vector<1x16xi32>,
          %get3A_416 = vector.shape_cast %get3A_415 : vector<1x16xi32> to vector<16xi32>
          %shift_left3A = arith.constant 16 : i32
          %shift_left3A_417 = vector.broadcast %shift_left3A : i32 to vector<16xi32>
          %shift_left3A_418 = arith.shli %get3A_416, %shift_left3A_417 : vector<16xi32>
          %bitcast_convert_type3A = tpu.bitcast %shift_left3A_418 : vector<16xi32> -> vector<16xf32>
          %and3A_419 = arith.andi %get3A_416, %broadcast_in_dim3A_3 : vector<16xi32>
          %bitcast_convert_type3A_420 = tpu.bitcast %and3A_419 : vector<16xi32> -> vector<16xf32>
          %add3A_421 = arith.addf %scan3A_406, %bitcast_convert_type3A : vector<16xf32>
          %add3A_422 = arith.addf %scan3A_407, %bitcast_convert_type3A_420 : vector<16xf32>
          %mul3A_423 = arith.constant 4 : i32
          %mul3A_424 = arith.muli %scan3A_405, %mul3A_423 : i32
          %add3A_425 = arith.constant 0 : i32
          %add3A_426 = arith.addi %mul3A_424, %add3A_425 : i32
          %get3A_427 = arith.index_cast %add3A_426 : i32 to index
          %get3A_428 = arith.constant 16 : index
          %get3A_429 = tpu.vector_load %arg8[%get3A_427, %get3A_428] {strides = array<i32>} : memref<100x32xi32, #tpu.memory_space<vmem>>, vector<1x16xi32>,
          %get3A_430 = vector.shape_cast %get3A_429 : vector<1x16xi32> to vector<16xi32>
          %shift_left3A_431 = arith.constant 16 : i32
          %shift_left3A_432 = vector.broadcast %shift_left3A_431 : i32 to vector<16xi32>
          %shift_left3A_433 = arith.shli %get3A_430, %shift_left3A_432 : vector<16xi32>
          %bitcast_convert_type3A_434 = tpu.bitcast %shift_left3A_433 : vector<16xi32> -> vector<16xf32>
          %and3A_435 = arith.andi %get3A_430, %broadcast_in_dim3A_3 : vector<16xi32>
          %bitcast_convert_type3A_436 = tpu.bitcast %and3A_435 : vector<16xi32> -> vector<16xf32>
          %add3A_437 = arith.addf %scan3A_408, %bitcast_convert_type3A_434 : vector<16xf32>
          %add3A_438 = arith.addf %scan3A_409, %bitcast_convert_type3A_436 : vector<16xf32>
          %mul3A_439 = arith.constant 4 : i32
          %mul3A_440 = arith.muli %scan3A_405, %mul3A_439 : i32
          %add3A_441 = arith.constant 1 : i32
          %add3A_442 = arith.addi %mul3A_440, %add3A_441 : i32
          %get3A_443 = arith.index_cast %add3A_442 : i32 to index
          %get3A_444 = arith.constant 0 : index
          %get3A_445 = tpu.vector_load %arg8[%get3A_443, %get3A_444] {strides = array<i32>} : memref<100x32xi32, #tpu.memory_space<vmem>>, vector<1x16xi32>,
          %get3A_446 = vector.shape_cast %get3A_445 : vector<1x16xi32> to vector<16xi32>
          %shift_left3A_447 = arith.constant 16 : i32
          %shift_left3A_448 = vector.broadcast %shift_left3A_447 : i32 to vector<16xi32>
          %shift_left3A_449 = arith.shli %get3A_446, %shift_left3A_448 : vector<16xi32>
          %bitcast_convert_type3A_450 = tpu.bitcast %shift_left3A_449 : vector<16xi32> -> vector<16xf32>
          %and3A_451 = arith.andi %get3A_446, %broadcast_in_dim3A_3 : vector<16xi32>
          %bitcast_convert_type3A_452 = tpu.bitcast %and3A_451 : vector<16xi32> -> vector<16xf32>
          %add3A_453 = arith.addf %add3A_421, %bitcast_convert_type3A_450 : vector<16xf32>
          %add3A_454 = arith.addf %add3A_422, %bitcast_convert_type3A_452 : vector<16xf32>
          %mul3A_455 = arith.constant 4 : i32
          %mul3A_456 = arith.muli %scan3A_405, %mul3A_455 : i32
          %add3A_457 = arith.constant 1 : i32
          %add3A_458 = arith.addi %mul3A_456, %add3A_457 : i32
          %get3A_459 = arith.index_cast %add3A_458 : i32 to index
          %get3A_460 = arith.constant 16 : index
          %get3A_461 = tpu.vector_load %arg8[%get3A_459, %get3A_460] {strides = array<i32>} : memref<100x32xi32, #tpu.memory_space<vmem>>, vector<1x16xi32>,
          %get3A_462 = vector.shape_cast %get3A_461 : vector<1x16xi32> to vector<16xi32>
          %shift_left3A_463 = arith.constant 16 : i32
          %shift_left3A_464 = vector.broadcast %shift_left3A_463 : i32 to vector<16xi32>
          %shift_left3A_465 = arith.shli %get3A_462, %shift_left3A_464 : vector<16xi32>
          %bitcast_convert_type3A_466 = tpu.bitcast %shift_left3A_465 : vector<16xi32> -> vector<16xf32>
          %and3A_467 = arith.andi %get3A_462, %broadcast_in_dim3A_3 : vector<16xi32>
          %bitcast_convert_type3A_468 = tpu.bitcast %and3A_467 : vector<16xi32> -> vector<16xf32>
          %add3A_469 = arith.addf %add3A_437, %bitcast_convert_type3A_466 : vector<16xf32>
          %add3A_470 = arith.addf %add3A_438, %bitcast_convert_type3A_468 : vector<16xf32>
          %mul3A_471 = arith.constant 4 : i32
          %mul3A_472 = arith.muli %scan3A_405, %mul3A_471 : i32
          %add3A_473 = arith.constant 2 : i32
          %add3A_474 = arith.addi %mul3A_472, %add3A_473 : i32
          %get3A_475 = arith.index_cast %add3A_474 : i32 to index
          %get3A_476 = arith.constant 0 : index
          %get3A_477 = tpu.vector_load %arg8[%get3A_475, %get3A_476] {strides = array<i32>} : memref<100x32xi32, #tpu.memory_space<vmem>>, vector<1x16xi32>,
          %get3A_478 = vector.shape_cast %get3A_477 : vector<1x16xi32> to vector<16xi32>
          %shift_left3A_479 = arith.constant 16 : i32
          %shift_left3A_480 = vector.broadcast %shift_left3A_479 : i32 to vector<16xi32>
          %shift_left3A_481 = arith.shli %get3A_478, %shift_left3A_480 : vector<16xi32>
          %bitcast_convert_type3A_482 = tpu.bitcast %shift_left3A_481 : vector<16xi32> -> vector<16xf32>
          %and3A_483 = arith.andi %get3A_478, %broadcast_in_dim3A_3 : vector<16xi32>
          %bitcast_convert_type3A_484 = tpu.bitcast %and3A_483 : vector<16xi32> -> vector<16xf32>
          %add3A_485 = arith.addf %add3A_453, %bitcast_convert_type3A_482 : vector<16xf32>
          %add3A_486 = arith.addf %add3A_454, %bitcast_convert_type3A_484 : vector<16xf32>
          %mul3A_487 = arith.constant 4 : i32
          %mul3A_488 = arith.muli %scan3A_405, %mul3A_487 : i32
          %add3A_489 = arith.constant 2 : i32
          %add3A_490 = arith.addi %mul3A_488, %add3A_489 : i32
          %get3A_491 = arith.index_cast %add3A_490 : i32 to index
          %get3A_492 = arith.constant 16 : index
          %get3A_493 = tpu.vector_load %arg8[%get3A_491, %get3A_492] {strides = array<i32>} : memref<100x32xi32, #tpu.memory_space<vmem>>, vector<1x16xi32>,
          %get3A_494 = vector.shape_cast %get3A_493 : vector<1x16xi32> to vector<16xi32>
          %shift_left3A_495 = arith.constant 16 : i32
          %shift_left3A_496 = vector.broadcast %shift_left3A_495 : i32 to vector<16xi32>
          %shift_left3A_497 = arith.shli %get3A_494, %shift_left3A_496 : vector<16xi32>
          %bitcast_convert_type3A_498 = tpu.bitcast %shift_left3A_497 : vector<16xi32> -> vector<16xf32>
          %and3A_499 = arith.andi %get3A_494, %broadcast_in_dim3A_3 : vector<16xi32>
          %bitcast_convert_type3A_500 = tpu.bitcast %and3A_499 : vector<16xi32> -> vector<16xf32>
          %add3A_501 = arith.addf %add3A_469, %bitcast_convert_type3A_498 : vector<16xf32>
          %add3A_502 = arith.addf %add3A_470, %bitcast_convert_type3A_500 : vector<16xf32>
          %mul3A_503 = arith.constant 4 : i32
          %mul3A_504 = arith.muli %scan3A_405, %mul3A_503 : i32
          %add3A_505 = arith.constant 3 : i32
          %add3A_506 = arith.addi %mul3A_504, %add3A_505 : i32
          %get3A_507 = arith.index_cast %add3A_506 : i32 to index
          %get3A_508 = arith.constant 0 : index
          %get3A_509 = tpu.vector_load %arg8[%get3A_507, %get3A_508] {strides = array<i32>} : memref<100x32xi32, #tpu.memory_space<vmem>>, vector<1x16xi32>,
          %get3A_510 = vector.shape_cast %get3A_509 : vector<1x16xi32> to vector<16xi32>
          %shift_left3A_511 = arith.constant 16 : i32
          %shift_left3A_512 = vector.broadcast %shift_left3A_511 : i32 to vector<16xi32>
          %shift_left3A_513 = arith.shli %get3A_510, %shift_left3A_512 : vector<16xi32>
          %bitcast_convert_type3A_514 = tpu.bitcast %shift_left3A_513 : vector<16xi32> -> vector<16xf32>
          %and3A_515 = arith.andi %get3A_510, %broadcast_in_dim3A_3 : vector<16xi32>
          %bitcast_convert_type3A_516 = tpu.bitcast %and3A_515 : vector<16xi32> -> vector<16xf32>
          %add3A_517 = arith.addf %add3A_485, %bitcast_convert_type3A_514 : vector<16xf32>
          %add3A_518 = arith.addf %add3A_486, %bitcast_convert_type3A_516 : vector<16xf32>
          %mul3A_519 = arith.constant 4 : i32
          %mul3A_520 = arith.muli %scan3A_405, %mul3A_519 : i32
          %add3A_521 = arith.constant 3 : i32
          %add3A_522 = arith.addi %mul3A_520, %add3A_521 : i32
          %get3A_523 = arith.index_cast %add3A_522 : i32 to index
          %get3A_524 = arith.constant 16 : index
          %get3A_525 = tpu.vector_load %arg8[%get3A_523, %get3A_524] {strides = array<i32>} : memref<100x32xi32, #tpu.memory_space<vmem>>, vector<1x16xi32>,
          %get3A_526 = vector.shape_cast %get3A_525 : vector<1x16xi32> to vector<16xi32>
          %shift_left3A_527 = arith.constant 16 : i32
          %shift_left3A_528 = vector.broadcast %shift_left3A_527 : i32 to vector<16xi32>
          %shift_left3A_529 = arith.shli %get3A_526, %shift_left3A_528 : vector<16xi32>
          %bitcast_convert_type3A_530 = tpu.bitcast %shift_left3A_529 : vector<16xi32> -> vector<16xf32>
          %and3A_531 = arith.andi %get3A_526, %broadcast_in_dim3A_3 : vector<16xi32>
          %bitcast_convert_type3A_532 = tpu.bitcast %and3A_531 : vector<16xi32> -> vector<16xf32>
          %add3A_533 = arith.addf %add3A_501, %bitcast_convert_type3A_530 : vector<16xf32>
          %add3A_534 = arith.addf %add3A_502, %bitcast_convert_type3A_532 : vector<16xf32>
          scf.yield %add3A_517, %add3A_518, %add3A_533, %add3A_534 : vector<16xf32>, vector<16xf32>, vector<16xf32>, vector<16xf32>
        }
        %scan3A_193 = arith.constant 25 : i32
        %add3A_194 = arith.constant 8 : i32
        %add3A_195 = arith.addi %add3A_181, %add3A_194 : i32
        %lt3A_196 = arith.constant 128 : i32
        %lt3A_197 = arith.cmpi slt, %add3A_195, %lt3A_196 : i32
        %convert_element_type3A_198 = arith.extui %lt3A_197 : i1 to i32
        %cond3A_199 = arith.constant 0 : i32
        %cond3A_200 = arith.cmpi ne, %convert_element_type3A_198, %cond3A_199 : i32
        scf.if %cond3A_200 {
          %add3A_405 = arith.constant 8 : i32
          %add3A_406 = arith.addi %add3A_181, %add3A_405 : i32
          %dma_start3A_407 = arith.constant 0 : i32
          %dma_start3A_408 = tpu.memref_slice %arg5[%add3A_406, %dma_start3A_407] : memref<128x100xi32, #tpu.memory_space<vmem>> -> memref<1x100xi32, #tpu.memory_space<vmem>>
          %dma_start3A_409 = tpu.memref_squeeze %dma_start3A_408 : memref<1x100xi32, #tpu.memory_space<vmem>> -> memref<100xi32, #tpu.memory_space<vmem>>
          %dma_start3A_410 = arith.constant 0 : i32
          %dma_start3A_411 = arith.constant 0 : i32
          %dma_start3A_412 = tpu.memref_slice %arg3[%dma_start3A_410, %dma_start3A_411] : memref<1000000x32xi32, #tpu.memory_space<hbm>> -> memref<1000000x32xi32, #tpu.memory_space<hbm>>
          tpu.enqueue_indirect_dma source(%dma_start3A_412 : memref<1000000x32xi32, #tpu.memory_space<hbm>>) target(%arg8 : memref<100x32xi32, #tpu.memory_space<vmem>>) offsets(%dma_start3A_409 : memref<100xi32, #tpu.memory_space<vmem>>) semaphore(%arg17 : memref<!tpu.dma_semaphore, #tpu.memory_space<semaphore_mem>>)
        } else {
        }
        %mul3A_201 = arith.constant 8 : i32
        %mul3A_202 = arith.muli %mul3A_201, %scan3A_95 : i32
        %add3A_203 = arith.constant 3 : i32
        %add3A_204 = arith.addi %mul3A_202, %add3A_203 : i32
        %dma_wait3A_205 = arith.constant 0 : i32
        %dma_wait3A_206 = tpu.memref_slice %arg5[%add3A_204, %dma_wait3A_205] : memref<128x100xi32, #tpu.memory_space<vmem>> -> memref<1x100xi32, #tpu.memory_space<vmem>>
        %dma_wait3A_207 = tpu.memref_squeeze %dma_wait3A_206 : memref<1x100xi32, #tpu.memory_space<vmem>> -> memref<100xi32, #tpu.memory_space<vmem>>
        %dma_wait3A_208 = arith.constant 0 : i32
        %dma_wait3A_209 = arith.constant 0 : i32
        %dma_wait3A_210 = tpu.memref_slice %arg3[%dma_wait3A_208, %dma_wait3A_209] : memref<1000000x32xi32, #tpu.memory_space<hbm>> -> memref<1000000x32xi32, #tpu.memory_space<hbm>>
        tpu.wait_indirect_dma semaphore(%arg18 : memref<!tpu.dma_semaphore, #tpu.memory_space<semaphore_mem>>) src(%dma_wait3A_210 : memref<1000000x32xi32, #tpu.memory_space<hbm>>) dst(%arg9 : memref<100x32xi32, #tpu.memory_space<vmem>>)
        %scan3A_211 = arith.constant 0 : i32
        %scan3A_212 = arith.constant 25 : i32
        %scan3A_213 = arith.addi %scan3A_211, %scan3A_212 : i32
        %scan3A_214 = arith.constant 1 : i32
        %scan3A_215:4 = scf.for %scan3A_405 = %scan3A_211 to %scan3A_213 step %scan3A_214 iter_args(%scan3A_406 = %scan3A_192#0, %scan3A_407 = %scan3A_192#1, %scan3A_408 = %scan3A_192#2, %scan3A_409 = %scan3A_192#3) -> (vector<16xf32>, vector<16xf32>, vector<16xf32>, vector<16xf32>)  : i32 {
          %mul3A_410 = arith.constant 4 : i32
          %mul3A_411 = arith.muli %scan3A_405, %mul3A_410 : i32
          %add3A_412 = arith.constant 0 : i32
          %add3A_413 = arith.addi %mul3A_411, %add3A_412 : i32
          %get3A = arith.index_cast %add3A_413 : i32 to index
          %get3A_414 = arith.constant 0 : index
          %get3A_415 = tpu.vector_load %arg9[%get3A, %get3A_414] {strides = array<i32>} : memref<100x32xi32, #tpu.memory_space<vmem>>, vector<1x16xi32>,
          %get3A_416 = vector.shape_cast %get3A_415 : vector<1x16xi32> to vector<16xi32>
          %shift_left3A = arith.constant 16 : i32
          %shift_left3A_417 = vector.broadcast %shift_left3A : i32 to vector<16xi32>
          %shift_left3A_418 = arith.shli %get3A_416, %shift_left3A_417 : vector<16xi32>
          %bitcast_convert_type3A = tpu.bitcast %shift_left3A_418 : vector<16xi32> -> vector<16xf32>
          %and3A_419 = arith.andi %get3A_416, %broadcast_in_dim3A_3 : vector<16xi32>
          %bitcast_convert_type3A_420 = tpu.bitcast %and3A_419 : vector<16xi32> -> vector<16xf32>
          %add3A_421 = arith.addf %scan3A_406, %bitcast_convert_type3A : vector<16xf32>
          %add3A_422 = arith.addf %scan3A_407, %bitcast_convert_type3A_420 : vector<16xf32>
          %mul3A_423 = arith.constant 4 : i32
          %mul3A_424 = arith.muli %scan3A_405, %mul3A_423 : i32
          %add3A_425 = arith.constant 0 : i32
          %add3A_426 = arith.addi %mul3A_424, %add3A_425 : i32
          %get3A_427 = arith.index_cast %add3A_426 : i32 to index
          %get3A_428 = arith.constant 16 : index
          %get3A_429 = tpu.vector_load %arg9[%get3A_427, %get3A_428] {strides = array<i32>} : memref<100x32xi32, #tpu.memory_space<vmem>>, vector<1x16xi32>,
          %get3A_430 = vector.shape_cast %get3A_429 : vector<1x16xi32> to vector<16xi32>
          %shift_left3A_431 = arith.constant 16 : i32
          %shift_left3A_432 = vector.broadcast %shift_left3A_431 : i32 to vector<16xi32>
          %shift_left3A_433 = arith.shli %get3A_430, %shift_left3A_432 : vector<16xi32>
          %bitcast_convert_type3A_434 = tpu.bitcast %shift_left3A_433 : vector<16xi32> -> vector<16xf32>
          %and3A_435 = arith.andi %get3A_430, %broadcast_in_dim3A_3 : vector<16xi32>
          %bitcast_convert_type3A_436 = tpu.bitcast %and3A_435 : vector<16xi32> -> vector<16xf32>
          %add3A_437 = arith.addf %scan3A_408, %bitcast_convert_type3A_434 : vector<16xf32>
          %add3A_438 = arith.addf %scan3A_409, %bitcast_convert_type3A_436 : vector<16xf32>
          %mul3A_439 = arith.constant 4 : i32
          %mul3A_440 = arith.muli %scan3A_405, %mul3A_439 : i32
          %add3A_441 = arith.constant 1 : i32
          %add3A_442 = arith.addi %mul3A_440, %add3A_441 : i32
          %get3A_443 = arith.index_cast %add3A_442 : i32 to index
          %get3A_444 = arith.constant 0 : index
          %get3A_445 = tpu.vector_load %arg9[%get3A_443, %get3A_444] {strides = array<i32>} : memref<100x32xi32, #tpu.memory_space<vmem>>, vector<1x16xi32>,
          %get3A_446 = vector.shape_cast %get3A_445 : vector<1x16xi32> to vector<16xi32>
          %shift_left3A_447 = arith.constant 16 : i32
          %shift_left3A_448 = vector.broadcast %shift_left3A_447 : i32 to vector<16xi32>
          %shift_left3A_449 = arith.shli %get3A_446, %shift_left3A_448 : vector<16xi32>
          %bitcast_convert_type3A_450 = tpu.bitcast %shift_left3A_449 : vector<16xi32> -> vector<16xf32>
          %and3A_451 = arith.andi %get3A_446, %broadcast_in_dim3A_3 : vector<16xi32>
          %bitcast_convert_type3A_452 = tpu.bitcast %and3A_451 : vector<16xi32> -> vector<16xf32>
          %add3A_453 = arith.addf %add3A_421, %bitcast_convert_type3A_450 : vector<16xf32>
          %add3A_454 = arith.addf %add3A_422, %bitcast_convert_type3A_452 : vector<16xf32>
          %mul3A_455 = arith.constant 4 : i32
          %mul3A_456 = arith.muli %scan3A_405, %mul3A_455 : i32
          %add3A_457 = arith.constant 1 : i32
          %add3A_458 = arith.addi %mul3A_456, %add3A_457 : i32
          %get3A_459 = arith.index_cast %add3A_458 : i32 to index
          %get3A_460 = arith.constant 16 : index
          %get3A_461 = tpu.vector_load %arg9[%get3A_459, %get3A_460] {strides = array<i32>} : memref<100x32xi32, #tpu.memory_space<vmem>>, vector<1x16xi32>,
          %get3A_462 = vector.shape_cast %get3A_461 : vector<1x16xi32> to vector<16xi32>
          %shift_left3A_463 = arith.constant 16 : i32
          %shift_left3A_464 = vector.broadcast %shift_left3A_463 : i32 to vector<16xi32>
          %shift_left3A_465 = arith.shli %get3A_462, %shift_left3A_464 : vector<16xi32>
          %bitcast_convert_type3A_466 = tpu.bitcast %shift_left3A_465 : vector<16xi32> -> vector<16xf32>
          %and3A_467 = arith.andi %get3A_462, %broadcast_in_dim3A_3 : vector<16xi32>
          %bitcast_convert_type3A_468 = tpu.bitcast %and3A_467 : vector<16xi32> -> vector<16xf32>
          %add3A_469 = arith.addf %add3A_437, %bitcast_convert_type3A_466 : vector<16xf32>
          %add3A_470 = arith.addf %add3A_438, %bitcast_convert_type3A_468 : vector<16xf32>
          %mul3A_471 = arith.constant 4 : i32
          %mul3A_472 = arith.muli %scan3A_405, %mul3A_471 : i32
          %add3A_473 = arith.constant 2 : i32
          %add3A_474 = arith.addi %mul3A_472, %add3A_473 : i32
          %get3A_475 = arith.index_cast %add3A_474 : i32 to index
          %get3A_476 = arith.constant 0 : index
          %get3A_477 = tpu.vector_load %arg9[%get3A_475, %get3A_476] {strides = array<i32>} : memref<100x32xi32, #tpu.memory_space<vmem>>, vector<1x16xi32>,
          %get3A_478 = vector.shape_cast %get3A_477 : vector<1x16xi32> to vector<16xi32>
          %shift_left3A_479 = arith.constant 16 : i32
          %shift_left3A_480 = vector.broadcast %shift_left3A_479 : i32 to vector<16xi32>
          %shift_left3A_481 = arith.shli %get3A_478, %shift_left3A_480 : vector<16xi32>
          %bitcast_convert_type3A_482 = tpu.bitcast %shift_left3A_481 : vector<16xi32> -> vector<16xf32>
          %and3A_483 = arith.andi %get3A_478, %broadcast_in_dim3A_3 : vector<16xi32>
          %bitcast_convert_type3A_484 = tpu.bitcast %and3A_483 : vector<16xi32> -> vector<16xf32>
          %add3A_485 = arith.addf %add3A_453, %bitcast_convert_type3A_482 : vector<16xf32>
          %add3A_486 = arith.addf %add3A_454, %bitcast_convert_type3A_484 : vector<16xf32>
          %mul3A_487 = arith.constant 4 : i32
          %mul3A_488 = arith.muli %scan3A_405, %mul3A_487 : i32
          %add3A_489 = arith.constant 2 : i32
          %add3A_490 = arith.addi %mul3A_488, %add3A_489 : i32
          %get3A_491 = arith.index_cast %add3A_490 : i32 to index
          %get3A_492 = arith.constant 16 : index
          %get3A_493 = tpu.vector_load %arg9[%get3A_491, %get3A_492] {strides = array<i32>} : memref<100x32xi32, #tpu.memory_space<vmem>>, vector<1x16xi32>,
          %get3A_494 = vector.shape_cast %get3A_493 : vector<1x16xi32> to vector<16xi32>
          %shift_left3A_495 = arith.constant 16 : i32
          %shift_left3A_496 = vector.broadcast %shift_left3A_495 : i32 to vector<16xi32>
          %shift_left3A_497 = arith.shli %get3A_494, %shift_left3A_496 : vector<16xi32>
          %bitcast_convert_type3A_498 = tpu.bitcast %shift_left3A_497 : vector<16xi32> -> vector<16xf32>
          %and3A_499 = arith.andi %get3A_494, %broadcast_in_dim3A_3 : vector<16xi32>
          %bitcast_convert_type3A_500 = tpu.bitcast %and3A_499 : vector<16xi32> -> vector<16xf32>
          %add3A_501 = arith.addf %add3A_469, %bitcast_convert_type3A_498 : vector<16xf32>
          %add3A_502 = arith.addf %add3A_470, %bitcast_convert_type3A_500 : vector<16xf32>
          %mul3A_503 = arith.constant 4 : i32
          %mul3A_504 = arith.muli %scan3A_405, %mul3A_503 : i32
          %add3A_505 = arith.constant 3 : i32
          %add3A_506 = arith.addi %mul3A_504, %add3A_505 : i32
          %get3A_507 = arith.index_cast %add3A_506 : i32 to index
          %get3A_508 = arith.constant 0 : index
          %get3A_509 = tpu.vector_load %arg9[%get3A_507, %get3A_508] {strides = array<i32>} : memref<100x32xi32, #tpu.memory_space<vmem>>, vector<1x16xi32>,
          %get3A_510 = vector.shape_cast %get3A_509 : vector<1x16xi32> to vector<16xi32>
          %shift_left3A_511 = arith.constant 16 : i32
          %shift_left3A_512 = vector.broadcast %shift_left3A_511 : i32 to vector<16xi32>
          %shift_left3A_513 = arith.shli %get3A_510, %shift_left3A_512 : vector<16xi32>
          %bitcast_convert_type3A_514 = tpu.bitcast %shift_left3A_513 : vector<16xi32> -> vector<16xf32>
          %and3A_515 = arith.andi %get3A_510, %broadcast_in_dim3A_3 : vector<16xi32>
          %bitcast_convert_type3A_516 = tpu.bitcast %and3A_515 : vector<16xi32> -> vector<16xf32>
          %add3A_517 = arith.addf %add3A_485, %bitcast_convert_type3A_514 : vector<16xf32>
          %add3A_518 = arith.addf %add3A_486, %bitcast_convert_type3A_516 : vector<16xf32>
          %mul3A_519 = arith.constant 4 : i32
          %mul3A_520 = arith.muli %scan3A_405, %mul3A_519 : i32
          %add3A_521 = arith.constant 3 : i32
          %add3A_522 = arith.addi %mul3A_520, %add3A_521 : i32
          %get3A_523 = arith.index_cast %add3A_522 : i32 to index
          %get3A_524 = arith.constant 16 : index
          %get3A_525 = tpu.vector_load %arg9[%get3A_523, %get3A_524] {strides = array<i32>} : memref<100x32xi32, #tpu.memory_space<vmem>>, vector<1x16xi32>,
          %get3A_526 = vector.shape_cast %get3A_525 : vector<1x16xi32> to vector<16xi32>
          %shift_left3A_527 = arith.constant 16 : i32
          %shift_left3A_528 = vector.broadcast %shift_left3A_527 : i32 to vector<16xi32>
          %shift_left3A_529 = arith.shli %get3A_526, %shift_left3A_528 : vector<16xi32>
          %bitcast_convert_type3A_530 = tpu.bitcast %shift_left3A_529 : vector<16xi32> -> vector<16xf32>
          %and3A_531 = arith.andi %get3A_526, %broadcast_in_dim3A_3 : vector<16xi32>
          %bitcast_convert_type3A_532 = tpu.bitcast %and3A_531 : vector<16xi32> -> vector<16xf32>
          %add3A_533 = arith.addf %add3A_501, %bitcast_convert_type3A_530 : vector<16xf32>
          %add3A_534 = arith.addf %add3A_502, %bitcast_convert_type3A_532 : vector<16xf32>
          scf.yield %add3A_517, %add3A_518, %add3A_533, %add3A_534 : vector<16xf32>, vector<16xf32>, vector<16xf32>, vector<16xf32>
        }
        %scan3A_216 = arith.constant 25 : i32
        %add3A_217 = arith.constant 8 : i32
        %add3A_218 = arith.addi %add3A_204, %add3A_217 : i32
        %lt3A_219 = arith.constant 128 : i32
        %lt3A_220 = arith.cmpi slt, %add3A_218, %lt3A_219 : i32
        %convert_element_type3A_221 = arith.extui %lt3A_220 : i1 to i32
        %cond3A_222 = arith.constant 0 : i32
        %cond3A_223 = arith.cmpi ne, %convert_element_type3A_221, %cond3A_222 : i32
        scf.if %cond3A_223 {
          %add3A_405 = arith.constant 8 : i32
          %add3A_406 = arith.addi %add3A_204, %add3A_405 : i32
          %dma_start3A_407 = arith.constant 0 : i32
          %dma_start3A_408 = tpu.memref_slice %arg5[%add3A_406, %dma_start3A_407] : memref<128x100xi32, #tpu.memory_space<vmem>> -> memref<1x100xi32, #tpu.memory_space<vmem>>
          %dma_start3A_409 = tpu.memref_squeeze %dma_start3A_408 : memref<1x100xi32, #tpu.memory_space<vmem>> -> memref<100xi32, #tpu.memory_space<vmem>>
          %dma_start3A_410 = arith.constant 0 : i32
          %dma_start3A_411 = arith.constant 0 : i32
          %dma_start3A_412 = tpu.memref_slice %arg3[%dma_start3A_410, %dma_start3A_411] : memref<1000000x32xi32, #tpu.memory_space<hbm>> -> memref<1000000x32xi32, #tpu.memory_space<hbm>>
          tpu.enqueue_indirect_dma source(%dma_start3A_412 : memref<1000000x32xi32, #tpu.memory_space<hbm>>) target(%arg9 : memref<100x32xi32, #tpu.memory_space<vmem>>) offsets(%dma_start3A_409 : memref<100xi32, #tpu.memory_space<vmem>>) semaphore(%arg18 : memref<!tpu.dma_semaphore, #tpu.memory_space<semaphore_mem>>)
        } else {
        }
        %mul3A_224 = arith.constant 4 : i32
        %mul3A_225 = arith.muli %mul3A_224, %scan3A_95 : i32
        %add3A_226 = arith.constant 1 : i32
        %add3A_227 = arith.addi %mul3A_225, %add3A_226 : i32
        %swap3A_228 = arith.index_cast %add3A_227 : i32 to index
        %swap3A_229 = arith.constant 0 : index
        %swap3A_230 = tpu.vector_load %arg14[%swap3A_228, %swap3A_229] {strides = array<i32>} : memref<64x64xf32, #tpu.memory_space<vmem>>, vector<1x16xf32>,
        %swap3A_231 = vector.shape_cast %swap3A_230 : vector<1x16xf32> to vector<16xf32>
        %swap3A_232 = vector.shape_cast %scan3A_215#0 : vector<16xf32> to vector<1x16xf32>
        tpu.vector_store %arg14[%swap3A_228, %swap3A_229], %swap3A_232 {strides = array<i32>} : memref<64x64xf32, #tpu.memory_space<vmem>>, vector<1x16xf32>,
        %swap3A_233 = arith.index_cast %add3A_227 : i32 to index
        %swap3A_234 = arith.constant 16 : index
        %swap3A_235 = tpu.vector_load %arg14[%swap3A_233, %swap3A_234] {strides = array<i32>} : memref<64x64xf32, #tpu.memory_space<vmem>>, vector<1x16xf32>,
        %swap3A_236 = vector.shape_cast %swap3A_235 : vector<1x16xf32> to vector<16xf32>
        %swap3A_237 = vector.shape_cast %scan3A_215#1 : vector<16xf32> to vector<1x16xf32>
        tpu.vector_store %arg14[%swap3A_233, %swap3A_234], %swap3A_237 {strides = array<i32>} : memref<64x64xf32, #tpu.memory_space<vmem>>, vector<1x16xf32>,
        %swap3A_238 = arith.index_cast %add3A_227 : i32 to index
        %swap3A_239 = arith.constant 32 : index
        %swap3A_240 = tpu.vector_load %arg14[%swap3A_238, %swap3A_239] {strides = array<i32>} : memref<64x64xf32, #tpu.memory_space<vmem>>, vector<1x16xf32>,
        %swap3A_241 = vector.shape_cast %swap3A_240 : vector<1x16xf32> to vector<16xf32>
        %swap3A_242 = vector.shape_cast %scan3A_215#2 : vector<16xf32> to vector<1x16xf32>
        tpu.vector_store %arg14[%swap3A_238, %swap3A_239], %swap3A_242 {strides = array<i32>} : memref<64x64xf32, #tpu.memory_space<vmem>>, vector<1x16xf32>,
        %swap3A_243 = arith.index_cast %add3A_227 : i32 to index
        %swap3A_244 = arith.constant 48 : index
        %swap3A_245 = tpu.vector_load %arg14[%swap3A_243, %swap3A_244] {strides = array<i32>} : memref<64x64xf32, #tpu.memory_space<vmem>>, vector<1x16xf32>,
        %swap3A_246 = vector.shape_cast %swap3A_245 : vector<1x16xf32> to vector<16xf32>
        %swap3A_247 = vector.shape_cast %scan3A_215#3 : vector<16xf32> to vector<1x16xf32>
        tpu.vector_store %arg14[%swap3A_243, %swap3A_244], %swap3A_247 {strides = array<i32>} : memref<64x64xf32, #tpu.memory_space<vmem>>, vector<1x16xf32>,
        %broadcast_in_dim3A_248 = arith.constant 0.000000e+00 : f32
        %broadcast_in_dim3A_249 = vector.broadcast %broadcast_in_dim3A_248 : f32 to vector<16xf32>
        %broadcast_in_dim3A_250 = arith.constant 0.000000e+00 : f32
        %broadcast_in_dim3A_251 = vector.broadcast %broadcast_in_dim3A_250 : f32 to vector<16xf32>
        %broadcast_in_dim3A_252 = arith.constant 0.000000e+00 : f32
        %broadcast_in_dim3A_253 = vector.broadcast %broadcast_in_dim3A_252 : f32 to vector<16xf32>
        %broadcast_in_dim3A_254 = arith.constant 0.000000e+00 : f32
        %broadcast_in_dim3A_255 = vector.broadcast %broadcast_in_dim3A_254 : f32 to vector<16xf32>
        %mul3A_256 = arith.constant 8 : i32
        %mul3A_257 = arith.muli %mul3A_256, %scan3A_95 : i32
        %add3A_258 = arith.constant 4 : i32
        %add3A_259 = arith.addi %mul3A_257, %add3A_258 : i32
        %dma_wait3A_260 = arith.constant 0 : i32
        %dma_wait3A_261 = tpu.memref_slice %arg5[%add3A_259, %dma_wait3A_260] : memref<128x100xi32, #tpu.memory_space<vmem>> -> memref<1x100xi32, #tpu.memory_space<vmem>>
        %dma_wait3A_262 = tpu.memref_squeeze %dma_wait3A_261 : memref<1x100xi32, #tpu.memory_space<vmem>> -> memref<100xi32, #tpu.memory_space<vmem>>
        %dma_wait3A_263 = arith.constant 0 : i32
        %dma_wait3A_264 = arith.constant 0 : i32
        %dma_wait3A_265 = tpu.memref_slice %arg3[%dma_wait3A_263, %dma_wait3A_264] : memref<1000000x32xi32, #tpu.memory_space<hbm>> -> memref<1000000x32xi32, #tpu.memory_space<hbm>>
        tpu.wait_indirect_dma semaphore(%arg19 : memref<!tpu.dma_semaphore, #tpu.memory_space<semaphore_mem>>) src(%dma_wait3A_265 : memref<1000000x32xi32, #tpu.memory_space<hbm>>) dst(%arg10 : memref<100x32xi32, #tpu.memory_space<vmem>>)
        %scan3A_266 = arith.constant 0 : i32
        %scan3A_267 = arith.constant 25 : i32
        %scan3A_268 = arith.addi %scan3A_266, %scan3A_267 : i32
        %scan3A_269 = arith.constant 1 : i32
        %scan3A_270:4 = scf.for %scan3A_405 = %scan3A_266 to %scan3A_268 step %scan3A_269 iter_args(%scan3A_406 = %broadcast_in_dim3A_249, %scan3A_407 = %broadcast_in_dim3A_251, %scan3A_408 = %broadcast_in_dim3A_253, %scan3A_409 = %broadcast_in_dim3A_255) -> (vector<16xf32>, vector<16xf32>, vector<16xf32>, vector<16xf32>)  : i32 {
          %mul3A_410 = arith.constant 4 : i32
          %mul3A_411 = arith.muli %scan3A_405, %mul3A_410 : i32
          %add3A_412 = arith.constant 0 : i32
          %add3A_413 = arith.addi %mul3A_411, %add3A_412 : i32
          %get3A = arith.index_cast %add3A_413 : i32 to index
          %get3A_414 = arith.constant 0 : index
          %get3A_415 = tpu.vector_load %arg10[%get3A, %get3A_414] {strides = array<i32>} : memref<100x32xi32, #tpu.memory_space<vmem>>, vector<1x16xi32>,
          %get3A_416 = vector.shape_cast %get3A_415 : vector<1x16xi32> to vector<16xi32>
          %shift_left3A = arith.constant 16 : i32
          %shift_left3A_417 = vector.broadcast %shift_left3A : i32 to vector<16xi32>
          %shift_left3A_418 = arith.shli %get3A_416, %shift_left3A_417 : vector<16xi32>
          %bitcast_convert_type3A = tpu.bitcast %shift_left3A_418 : vector<16xi32> -> vector<16xf32>
          %and3A_419 = arith.andi %get3A_416, %broadcast_in_dim3A_3 : vector<16xi32>
          %bitcast_convert_type3A_420 = tpu.bitcast %and3A_419 : vector<16xi32> -> vector<16xf32>
          %add3A_421 = arith.addf %scan3A_406, %bitcast_convert_type3A : vector<16xf32>
          %add3A_422 = arith.addf %scan3A_407, %bitcast_convert_type3A_420 : vector<16xf32>
          %mul3A_423 = arith.constant 4 : i32
          %mul3A_424 = arith.muli %scan3A_405, %mul3A_423 : i32
          %add3A_425 = arith.constant 0 : i32
          %add3A_426 = arith.addi %mul3A_424, %add3A_425 : i32
          %get3A_427 = arith.index_cast %add3A_426 : i32 to index
          %get3A_428 = arith.constant 16 : index
          %get3A_429 = tpu.vector_load %arg10[%get3A_427, %get3A_428] {strides = array<i32>} : memref<100x32xi32, #tpu.memory_space<vmem>>, vector<1x16xi32>,
          %get3A_430 = vector.shape_cast %get3A_429 : vector<1x16xi32> to vector<16xi32>
          %shift_left3A_431 = arith.constant 16 : i32
          %shift_left3A_432 = vector.broadcast %shift_left3A_431 : i32 to vector<16xi32>
          %shift_left3A_433 = arith.shli %get3A_430, %shift_left3A_432 : vector<16xi32>
          %bitcast_convert_type3A_434 = tpu.bitcast %shift_left3A_433 : vector<16xi32> -> vector<16xf32>
          %and3A_435 = arith.andi %get3A_430, %broadcast_in_dim3A_3 : vector<16xi32>
          %bitcast_convert_type3A_436 = tpu.bitcast %and3A_435 : vector<16xi32> -> vector<16xf32>
          %add3A_437 = arith.addf %scan3A_408, %bitcast_convert_type3A_434 : vector<16xf32>
          %add3A_438 = arith.addf %scan3A_409, %bitcast_convert_type3A_436 : vector<16xf32>
          %mul3A_439 = arith.constant 4 : i32
          %mul3A_440 = arith.muli %scan3A_405, %mul3A_439 : i32
          %add3A_441 = arith.constant 1 : i32
          %add3A_442 = arith.addi %mul3A_440, %add3A_441 : i32
          %get3A_443 = arith.index_cast %add3A_442 : i32 to index
          %get3A_444 = arith.constant 0 : index
          %get3A_445 = tpu.vector_load %arg10[%get3A_443, %get3A_444] {strides = array<i32>} : memref<100x32xi32, #tpu.memory_space<vmem>>, vector<1x16xi32>,
          %get3A_446 = vector.shape_cast %get3A_445 : vector<1x16xi32> to vector<16xi32>
          %shift_left3A_447 = arith.constant 16 : i32
          %shift_left3A_448 = vector.broadcast %shift_left3A_447 : i32 to vector<16xi32>
          %shift_left3A_449 = arith.shli %get3A_446, %shift_left3A_448 : vector<16xi32>
          %bitcast_convert_type3A_450 = tpu.bitcast %shift_left3A_449 : vector<16xi32> -> vector<16xf32>
          %and3A_451 = arith.andi %get3A_446, %broadcast_in_dim3A_3 : vector<16xi32>
          %bitcast_convert_type3A_452 = tpu.bitcast %and3A_451 : vector<16xi32> -> vector<16xf32>
          %add3A_453 = arith.addf %add3A_421, %bitcast_convert_type3A_450 : vector<16xf32>
          %add3A_454 = arith.addf %add3A_422, %bitcast_convert_type3A_452 : vector<16xf32>
          %mul3A_455 = arith.constant 4 : i32
          %mul3A_456 = arith.muli %scan3A_405, %mul3A_455 : i32
          %add3A_457 = arith.constant 1 : i32
          %add3A_458 = arith.addi %mul3A_456, %add3A_457 : i32
          %get3A_459 = arith.index_cast %add3A_458 : i32 to index
          %get3A_460 = arith.constant 16 : index
          %get3A_461 = tpu.vector_load %arg10[%get3A_459, %get3A_460] {strides = array<i32>} : memref<100x32xi32, #tpu.memory_space<vmem>>, vector<1x16xi32>,
          %get3A_462 = vector.shape_cast %get3A_461 : vector<1x16xi32> to vector<16xi32>
          %shift_left3A_463 = arith.constant 16 : i32
          %shift_left3A_464 = vector.broadcast %shift_left3A_463 : i32 to vector<16xi32>
          %shift_left3A_465 = arith.shli %get3A_462, %shift_left3A_464 : vector<16xi32>
          %bitcast_convert_type3A_466 = tpu.bitcast %shift_left3A_465 : vector<16xi32> -> vector<16xf32>
          %and3A_467 = arith.andi %get3A_462, %broadcast_in_dim3A_3 : vector<16xi32>
          %bitcast_convert_type3A_468 = tpu.bitcast %and3A_467 : vector<16xi32> -> vector<16xf32>
          %add3A_469 = arith.addf %add3A_437, %bitcast_convert_type3A_466 : vector<16xf32>
          %add3A_470 = arith.addf %add3A_438, %bitcast_convert_type3A_468 : vector<16xf32>
          %mul3A_471 = arith.constant 4 : i32
          %mul3A_472 = arith.muli %scan3A_405, %mul3A_471 : i32
          %add3A_473 = arith.constant 2 : i32
          %add3A_474 = arith.addi %mul3A_472, %add3A_473 : i32
          %get3A_475 = arith.index_cast %add3A_474 : i32 to index
          %get3A_476 = arith.constant 0 : index
          %get3A_477 = tpu.vector_load %arg10[%get3A_475, %get3A_476] {strides = array<i32>} : memref<100x32xi32, #tpu.memory_space<vmem>>, vector<1x16xi32>,
          %get3A_478 = vector.shape_cast %get3A_477 : vector<1x16xi32> to vector<16xi32>
          %shift_left3A_479 = arith.constant 16 : i32
          %shift_left3A_480 = vector.broadcast %shift_left3A_479 : i32 to vector<16xi32>
          %shift_left3A_481 = arith.shli %get3A_478, %shift_left3A_480 : vector<16xi32>
          %bitcast_convert_type3A_482 = tpu.bitcast %shift_left3A_481 : vector<16xi32> -> vector<16xf32>
          %and3A_483 = arith.andi %get3A_478, %broadcast_in_dim3A_3 : vector<16xi32>
          %bitcast_convert_type3A_484 = tpu.bitcast %and3A_483 : vector<16xi32> -> vector<16xf32>
          %add3A_485 = arith.addf %add3A_453, %bitcast_convert_type3A_482 : vector<16xf32>
          %add3A_486 = arith.addf %add3A_454, %bitcast_convert_type3A_484 : vector<16xf32>
          %mul3A_487 = arith.constant 4 : i32
          %mul3A_488 = arith.muli %scan3A_405, %mul3A_487 : i32
          %add3A_489 = arith.constant 2 : i32
          %add3A_490 = arith.addi %mul3A_488, %add3A_489 : i32
          %get3A_491 = arith.index_cast %add3A_490 : i32 to index
          %get3A_492 = arith.constant 16 : index
          %get3A_493 = tpu.vector_load %arg10[%get3A_491, %get3A_492] {strides = array<i32>} : memref<100x32xi32, #tpu.memory_space<vmem>>, vector<1x16xi32>,
          %get3A_494 = vector.shape_cast %get3A_493 : vector<1x16xi32> to vector<16xi32>
          %shift_left3A_495 = arith.constant 16 : i32
          %shift_left3A_496 = vector.broadcast %shift_left3A_495 : i32 to vector<16xi32>
          %shift_left3A_497 = arith.shli %get3A_494, %shift_left3A_496 : vector<16xi32>
          %bitcast_convert_type3A_498 = tpu.bitcast %shift_left3A_497 : vector<16xi32> -> vector<16xf32>
          %and3A_499 = arith.andi %get3A_494, %broadcast_in_dim3A_3 : vector<16xi32>
          %bitcast_convert_type3A_500 = tpu.bitcast %and3A_499 : vector<16xi32> -> vector<16xf32>
          %add3A_501 = arith.addf %add3A_469, %bitcast_convert_type3A_498 : vector<16xf32>
          %add3A_502 = arith.addf %add3A_470, %bitcast_convert_type3A_500 : vector<16xf32>
          %mul3A_503 = arith.constant 4 : i32
          %mul3A_504 = arith.muli %scan3A_405, %mul3A_503 : i32
          %add3A_505 = arith.constant 3 : i32
          %add3A_506 = arith.addi %mul3A_504, %add3A_505 : i32
          %get3A_507 = arith.index_cast %add3A_506 : i32 to index
          %get3A_508 = arith.constant 0 : index
          %get3A_509 = tpu.vector_load %arg10[%get3A_507, %get3A_508] {strides = array<i32>} : memref<100x32xi32, #tpu.memory_space<vmem>>, vector<1x16xi32>,
          %get3A_510 = vector.shape_cast %get3A_509 : vector<1x16xi32> to vector<16xi32>
          %shift_left3A_511 = arith.constant 16 : i32
          %shift_left3A_512 = vector.broadcast %shift_left3A_511 : i32 to vector<16xi32>
          %shift_left3A_513 = arith.shli %get3A_510, %shift_left3A_512 : vector<16xi32>
          %bitcast_convert_type3A_514 = tpu.bitcast %shift_left3A_513 : vector<16xi32> -> vector<16xf32>
          %and3A_515 = arith.andi %get3A_510, %broadcast_in_dim3A_3 : vector<16xi32>
          %bitcast_convert_type3A_516 = tpu.bitcast %and3A_515 : vector<16xi32> -> vector<16xf32>
          %add3A_517 = arith.addf %add3A_485, %bitcast_convert_type3A_514 : vector<16xf32>
          %add3A_518 = arith.addf %add3A_486, %bitcast_convert_type3A_516 : vector<16xf32>
          %mul3A_519 = arith.constant 4 : i32
          %mul3A_520 = arith.muli %scan3A_405, %mul3A_519 : i32
          %add3A_521 = arith.constant 3 : i32
          %add3A_522 = arith.addi %mul3A_520, %add3A_521 : i32
          %get3A_523 = arith.index_cast %add3A_522 : i32 to index
          %get3A_524 = arith.constant 16 : index
          %get3A_525 = tpu.vector_load %arg10[%get3A_523, %get3A_524] {strides = array<i32>} : memref<100x32xi32, #tpu.memory_space<vmem>>, vector<1x16xi32>,
          %get3A_526 = vector.shape_cast %get3A_525 : vector<1x16xi32> to vector<16xi32>
          %shift_left3A_527 = arith.constant 16 : i32
          %shift_left3A_528 = vector.broadcast %shift_left3A_527 : i32 to vector<16xi32>
          %shift_left3A_529 = arith.shli %get3A_526, %shift_left3A_528 : vector<16xi32>
          %bitcast_convert_type3A_530 = tpu.bitcast %shift_left3A_529 : vector<16xi32> -> vector<16xf32>
          %and3A_531 = arith.andi %get3A_526, %broadcast_in_dim3A_3 : vector<16xi32>
          %bitcast_convert_type3A_532 = tpu.bitcast %and3A_531 : vector<16xi32> -> vector<16xf32>
          %add3A_533 = arith.addf %add3A_501, %bitcast_convert_type3A_530 : vector<16xf32>
          %add3A_534 = arith.addf %add3A_502, %bitcast_convert_type3A_532 : vector<16xf32>
          scf.yield %add3A_517, %add3A_518, %add3A_533, %add3A_534 : vector<16xf32>, vector<16xf32>, vector<16xf32>, vector<16xf32>
        }
        %scan3A_271 = arith.constant 25 : i32
        %add3A_272 = arith.constant 8 : i32
        %add3A_273 = arith.addi %add3A_259, %add3A_272 : i32
        %lt3A_274 = arith.constant 128 : i32
        %lt3A_275 = arith.cmpi slt, %add3A_273, %lt3A_274 : i32
        %convert_element_type3A_276 = arith.extui %lt3A_275 : i1 to i32
        %cond3A_277 = arith.constant 0 : i32
        %cond3A_278 = arith.cmpi ne, %convert_element_type3A_276, %cond3A_277 : i32
        scf.if %cond3A_278 {
          %add3A_405 = arith.constant 8 : i32
          %add3A_406 = arith.addi %add3A_259, %add3A_405 : i32
          %dma_start3A_407 = arith.constant 0 : i32
          %dma_start3A_408 = tpu.memref_slice %arg5[%add3A_406, %dma_start3A_407] : memref<128x100xi32, #tpu.memory_space<vmem>> -> memref<1x100xi32, #tpu.memory_space<vmem>>
          %dma_start3A_409 = tpu.memref_squeeze %dma_start3A_408 : memref<1x100xi32, #tpu.memory_space<vmem>> -> memref<100xi32, #tpu.memory_space<vmem>>
          %dma_start3A_410 = arith.constant 0 : i32
          %dma_start3A_411 = arith.constant 0 : i32
          %dma_start3A_412 = tpu.memref_slice %arg3[%dma_start3A_410, %dma_start3A_411] : memref<1000000x32xi32, #tpu.memory_space<hbm>> -> memref<1000000x32xi32, #tpu.memory_space<hbm>>
          tpu.enqueue_indirect_dma source(%dma_start3A_412 : memref<1000000x32xi32, #tpu.memory_space<hbm>>) target(%arg10 : memref<100x32xi32, #tpu.memory_space<vmem>>) offsets(%dma_start3A_409 : memref<100xi32, #tpu.memory_space<vmem>>) semaphore(%arg19 : memref<!tpu.dma_semaphore, #tpu.memory_space<semaphore_mem>>)
        } else {
        }
        %mul3A_279 = arith.constant 8 : i32
        %mul3A_280 = arith.muli %mul3A_279, %scan3A_95 : i32
        %add3A_281 = arith.constant 5 : i32
        %add3A_282 = arith.addi %mul3A_280, %add3A_281 : i32
        %dma_wait3A_283 = arith.constant 0 : i32
        %dma_wait3A_284 = tpu.memref_slice %arg5[%add3A_282, %dma_wait3A_283] : memref<128x100xi32, #tpu.memory_space<vmem>> -> memref<1x100xi32, #tpu.memory_space<vmem>>
        %dma_wait3A_285 = tpu.memref_squeeze %dma_wait3A_284 : memref<1x100xi32, #tpu.memory_space<vmem>> -> memref<100xi32, #tpu.memory_space<vmem>>
        %dma_wait3A_286 = arith.constant 0 : i32
        %dma_wait3A_287 = arith.constant 0 : i32
        %dma_wait3A_288 = tpu.memref_slice %arg3[%dma_wait3A_286, %dma_wait3A_287] : memref<1000000x32xi32, #tpu.memory_space<hbm>> -> memref<1000000x32xi32, #tpu.memory_space<hbm>>
        tpu.wait_indirect_dma semaphore(%arg20 : memref<!tpu.dma_semaphore, #tpu.memory_space<semaphore_mem>>) src(%dma_wait3A_288 : memref<1000000x32xi32, #tpu.memory_space<hbm>>) dst(%arg11 : memref<100x32xi32, #tpu.memory_space<vmem>>)
        %scan3A_289 = arith.constant 0 : i32
        %scan3A_290 = arith.constant 25 : i32
        %scan3A_291 = arith.addi %scan3A_289, %scan3A_290 : i32
        %scan3A_292 = arith.constant 1 : i32
        %scan3A_293:4 = scf.for %scan3A_405 = %scan3A_289 to %scan3A_291 step %scan3A_292 iter_args(%scan3A_406 = %scan3A_270#0, %scan3A_407 = %scan3A_270#1, %scan3A_408 = %scan3A_270#2, %scan3A_409 = %scan3A_270#3) -> (vector<16xf32>, vector<16xf32>, vector<16xf32>, vector<16xf32>)  : i32 {
          %mul3A_410 = arith.constant 4 : i32
          %mul3A_411 = arith.muli %scan3A_405, %mul3A_410 : i32
          %add3A_412 = arith.constant 0 : i32
          %add3A_413 = arith.addi %mul3A_411, %add3A_412 : i32
          %get3A = arith.index_cast %add3A_413 : i32 to index
          %get3A_414 = arith.constant 0 : index
          %get3A_415 = tpu.vector_load %arg11[%get3A, %get3A_414] {strides = array<i32>} : memref<100x32xi32, #tpu.memory_space<vmem>>, vector<1x16xi32>,
          %get3A_416 = vector.shape_cast %get3A_415 : vector<1x16xi32> to vector<16xi32>
          %shift_left3A = arith.constant 16 : i32
          %shift_left3A_417 = vector.broadcast %shift_left3A : i32 to vector<16xi32>
          %shift_left3A_418 = arith.shli %get3A_416, %shift_left3A_417 : vector<16xi32>
          %bitcast_convert_type3A = tpu.bitcast %shift_left3A_418 : vector<16xi32> -> vector<16xf32>
          %and3A_419 = arith.andi %get3A_416, %broadcast_in_dim3A_3 : vector<16xi32>
          %bitcast_convert_type3A_420 = tpu.bitcast %and3A_419 : vector<16xi32> -> vector<16xf32>
          %add3A_421 = arith.addf %scan3A_406, %bitcast_convert_type3A : vector<16xf32>
          %add3A_422 = arith.addf %scan3A_407, %bitcast_convert_type3A_420 : vector<16xf32>
          %mul3A_423 = arith.constant 4 : i32
          %mul3A_424 = arith.muli %scan3A_405, %mul3A_423 : i32
          %add3A_425 = arith.constant 0 : i32
          %add3A_426 = arith.addi %mul3A_424, %add3A_425 : i32
          %get3A_427 = arith.index_cast %add3A_426 : i32 to index
          %get3A_428 = arith.constant 16 : index
          %get3A_429 = tpu.vector_load %arg11[%get3A_427, %get3A_428] {strides = array<i32>} : memref<100x32xi32, #tpu.memory_space<vmem>>, vector<1x16xi32>,
          %get3A_430 = vector.shape_cast %get3A_429 : vector<1x16xi32> to vector<16xi32>
          %shift_left3A_431 = arith.constant 16 : i32
          %shift_left3A_432 = vector.broadcast %shift_left3A_431 : i32 to vector<16xi32>
          %shift_left3A_433 = arith.shli %get3A_430, %shift_left3A_432 : vector<16xi32>
          %bitcast_convert_type3A_434 = tpu.bitcast %shift_left3A_433 : vector<16xi32> -> vector<16xf32>
          %and3A_435 = arith.andi %get3A_430, %broadcast_in_dim3A_3 : vector<16xi32>
          %bitcast_convert_type3A_436 = tpu.bitcast %and3A_435 : vector<16xi32> -> vector<16xf32>
          %add3A_437 = arith.addf %scan3A_408, %bitcast_convert_type3A_434 : vector<16xf32>
          %add3A_438 = arith.addf %scan3A_409, %bitcast_convert_type3A_436 : vector<16xf32>
          %mul3A_439 = arith.constant 4 : i32
          %mul3A_440 = arith.muli %scan3A_405, %mul3A_439 : i32
          %add3A_441 = arith.constant 1 : i32
          %add3A_442 = arith.addi %mul3A_440, %add3A_441 : i32
          %get3A_443 = arith.index_cast %add3A_442 : i32 to index
          %get3A_444 = arith.constant 0 : index
          %get3A_445 = tpu.vector_load %arg11[%get3A_443, %get3A_444] {strides = array<i32>} : memref<100x32xi32, #tpu.memory_space<vmem>>, vector<1x16xi32>,
          %get3A_446 = vector.shape_cast %get3A_445 : vector<1x16xi32> to vector<16xi32>
          %shift_left3A_447 = arith.constant 16 : i32
          %shift_left3A_448 = vector.broadcast %shift_left3A_447 : i32 to vector<16xi32>
          %shift_left3A_449 = arith.shli %get3A_446, %shift_left3A_448 : vector<16xi32>
          %bitcast_convert_type3A_450 = tpu.bitcast %shift_left3A_449 : vector<16xi32> -> vector<16xf32>
          %and3A_451 = arith.andi %get3A_446, %broadcast_in_dim3A_3 : vector<16xi32>
          %bitcast_convert_type3A_452 = tpu.bitcast %and3A_451 : vector<16xi32> -> vector<16xf32>
          %add3A_453 = arith.addf %add3A_421, %bitcast_convert_type3A_450 : vector<16xf32>
          %add3A_454 = arith.addf %add3A_422, %bitcast_convert_type3A_452 : vector<16xf32>
          %mul3A_455 = arith.constant 4 : i32
          %mul3A_456 = arith.muli %scan3A_405, %mul3A_455 : i32
          %add3A_457 = arith.constant 1 : i32
          %add3A_458 = arith.addi %mul3A_456, %add3A_457 : i32
          %get3A_459 = arith.index_cast %add3A_458 : i32 to index
          %get3A_460 = arith.constant 16 : index
          %get3A_461 = tpu.vector_load %arg11[%get3A_459, %get3A_460] {strides = array<i32>} : memref<100x32xi32, #tpu.memory_space<vmem>>, vector<1x16xi32>,
          %get3A_462 = vector.shape_cast %get3A_461 : vector<1x16xi32> to vector<16xi32>
          %shift_left3A_463 = arith.constant 16 : i32
          %shift_left3A_464 = vector.broadcast %shift_left3A_463 : i32 to vector<16xi32>
          %shift_left3A_465 = arith.shli %get3A_462, %shift_left3A_464 : vector<16xi32>
          %bitcast_convert_type3A_466 = tpu.bitcast %shift_left3A_465 : vector<16xi32> -> vector<16xf32>
          %and3A_467 = arith.andi %get3A_462, %broadcast_in_dim3A_3 : vector<16xi32>
          %bitcast_convert_type3A_468 = tpu.bitcast %and3A_467 : vector<16xi32> -> vector<16xf32>
          %add3A_469 = arith.addf %add3A_437, %bitcast_convert_type3A_466 : vector<16xf32>
          %add3A_470 = arith.addf %add3A_438, %bitcast_convert_type3A_468 : vector<16xf32>
          %mul3A_471 = arith.constant 4 : i32
          %mul3A_472 = arith.muli %scan3A_405, %mul3A_471 : i32
          %add3A_473 = arith.constant 2 : i32
          %add3A_474 = arith.addi %mul3A_472, %add3A_473 : i32
          %get3A_475 = arith.index_cast %add3A_474 : i32 to index
          %get3A_476 = arith.constant 0 : index
          %get3A_477 = tpu.vector_load %arg11[%get3A_475, %get3A_476] {strides = array<i32>} : memref<100x32xi32, #tpu.memory_space<vmem>>, vector<1x16xi32>,
          %get3A_478 = vector.shape_cast %get3A_477 : vector<1x16xi32> to vector<16xi32>
          %shift_left3A_479 = arith.constant 16 : i32
          %shift_left3A_480 = vector.broadcast %shift_left3A_479 : i32 to vector<16xi32>
          %shift_left3A_481 = arith.shli %get3A_478, %shift_left3A_480 : vector<16xi32>
          %bitcast_convert_type3A_482 = tpu.bitcast %shift_left3A_481 : vector<16xi32> -> vector<16xf32>
          %and3A_483 = arith.andi %get3A_478, %broadcast_in_dim3A_3 : vector<16xi32>
          %bitcast_convert_type3A_484 = tpu.bitcast %and3A_483 : vector<16xi32> -> vector<16xf32>
          %add3A_485 = arith.addf %add3A_453, %bitcast_convert_type3A_482 : vector<16xf32>
          %add3A_486 = arith.addf %add3A_454, %bitcast_convert_type3A_484 : vector<16xf32>
          %mul3A_487 = arith.constant 4 : i32
          %mul3A_488 = arith.muli %scan3A_405, %mul3A_487 : i32
          %add3A_489 = arith.constant 2 : i32
          %add3A_490 = arith.addi %mul3A_488, %add3A_489 : i32
          %get3A_491 = arith.index_cast %add3A_490 : i32 to index
          %get3A_492 = arith.constant 16 : index
          %get3A_493 = tpu.vector_load %arg11[%get3A_491, %get3A_492] {strides = array<i32>} : memref<100x32xi32, #tpu.memory_space<vmem>>, vector<1x16xi32>,
          %get3A_494 = vector.shape_cast %get3A_493 : vector<1x16xi32> to vector<16xi32>
          %shift_left3A_495 = arith.constant 16 : i32
          %shift_left3A_496 = vector.broadcast %shift_left3A_495 : i32 to vector<16xi32>
          %shift_left3A_497 = arith.shli %get3A_494, %shift_left3A_496 : vector<16xi32>
          %bitcast_convert_type3A_498 = tpu.bitcast %shift_left3A_497 : vector<16xi32> -> vector<16xf32>
          %and3A_499 = arith.andi %get3A_494, %broadcast_in_dim3A_3 : vector<16xi32>
          %bitcast_convert_type3A_500 = tpu.bitcast %and3A_499 : vector<16xi32> -> vector<16xf32>
          %add3A_501 = arith.addf %add3A_469, %bitcast_convert_type3A_498 : vector<16xf32>
          %add3A_502 = arith.addf %add3A_470, %bitcast_convert_type3A_500 : vector<16xf32>
          %mul3A_503 = arith.constant 4 : i32
          %mul3A_504 = arith.muli %scan3A_405, %mul3A_503 : i32
          %add3A_505 = arith.constant 3 : i32
          %add3A_506 = arith.addi %mul3A_504, %add3A_505 : i32
          %get3A_507 = arith.index_cast %add3A_506 : i32 to index
          %get3A_508 = arith.constant 0 : index
          %get3A_509 = tpu.vector_load %arg11[%get3A_507, %get3A_508] {strides = array<i32>} : memref<100x32xi32, #tpu.memory_space<vmem>>, vector<1x16xi32>,
          %get3A_510 = vector.shape_cast %get3A_509 : vector<1x16xi32> to vector<16xi32>
          %shift_left3A_511 = arith.constant 16 : i32
          %shift_left3A_512 = vector.broadcast %shift_left3A_511 : i32 to vector<16xi32>
          %shift_left3A_513 = arith.shli %get3A_510, %shift_left3A_512 : vector<16xi32>
          %bitcast_convert_type3A_514 = tpu.bitcast %shift_left3A_513 : vector<16xi32> -> vector<16xf32>
          %and3A_515 = arith.andi %get3A_510, %broadcast_in_dim3A_3 : vector<16xi32>
          %bitcast_convert_type3A_516 = tpu.bitcast %and3A_515 : vector<16xi32> -> vector<16xf32>
          %add3A_517 = arith.addf %add3A_485, %bitcast_convert_type3A_514 : vector<16xf32>
          %add3A_518 = arith.addf %add3A_486, %bitcast_convert_type3A_516 : vector<16xf32>
          %mul3A_519 = arith.constant 4 : i32
          %mul3A_520 = arith.muli %scan3A_405, %mul3A_519 : i32
          %add3A_521 = arith.constant 3 : i32
          %add3A_522 = arith.addi %mul3A_520, %add3A_521 : i32
          %get3A_523 = arith.index_cast %add3A_522 : i32 to index
          %get3A_524 = arith.constant 16 : index
          %get3A_525 = tpu.vector_load %arg11[%get3A_523, %get3A_524] {strides = array<i32>} : memref<100x32xi32, #tpu.memory_space<vmem>>, vector<1x16xi32>,
          %get3A_526 = vector.shape_cast %get3A_525 : vector<1x16xi32> to vector<16xi32>
          %shift_left3A_527 = arith.constant 16 : i32
          %shift_left3A_528 = vector.broadcast %shift_left3A_527 : i32 to vector<16xi32>
          %shift_left3A_529 = arith.shli %get3A_526, %shift_left3A_528 : vector<16xi32>
          %bitcast_convert_type3A_530 = tpu.bitcast %shift_left3A_529 : vector<16xi32> -> vector<16xf32>
          %and3A_531 = arith.andi %get3A_526, %broadcast_in_dim3A_3 : vector<16xi32>
          %bitcast_convert_type3A_532 = tpu.bitcast %and3A_531 : vector<16xi32> -> vector<16xf32>
          %add3A_533 = arith.addf %add3A_501, %bitcast_convert_type3A_530 : vector<16xf32>
          %add3A_534 = arith.addf %add3A_502, %bitcast_convert_type3A_532 : vector<16xf32>
          scf.yield %add3A_517, %add3A_518, %add3A_533, %add3A_534 : vector<16xf32>, vector<16xf32>, vector<16xf32>, vector<16xf32>
        }
        %scan3A_294 = arith.constant 25 : i32
        %add3A_295 = arith.constant 8 : i32
        %add3A_296 = arith.addi %add3A_282, %add3A_295 : i32
        %lt3A_297 = arith.constant 128 : i32
        %lt3A_298 = arith.cmpi slt, %add3A_296, %lt3A_297 : i32
        %convert_element_type3A_299 = arith.extui %lt3A_298 : i1 to i32
        %cond3A_300 = arith.constant 0 : i32
        %cond3A_301 = arith.cmpi ne, %convert_element_type3A_299, %cond3A_300 : i32
        scf.if %cond3A_301 {
          %add3A_405 = arith.constant 8 : i32
          %add3A_406 = arith.addi %add3A_282, %add3A_405 : i32
          %dma_start3A_407 = arith.constant 0 : i32
          %dma_start3A_408 = tpu.memref_slice %arg5[%add3A_406, %dma_start3A_407] : memref<128x100xi32, #tpu.memory_space<vmem>> -> memref<1x100xi32, #tpu.memory_space<vmem>>
          %dma_start3A_409 = tpu.memref_squeeze %dma_start3A_408 : memref<1x100xi32, #tpu.memory_space<vmem>> -> memref<100xi32, #tpu.memory_space<vmem>>
          %dma_start3A_410 = arith.constant 0 : i32
          %dma_start3A_411 = arith.constant 0 : i32
          %dma_start3A_412 = tpu.memref_slice %arg3[%dma_start3A_410, %dma_start3A_411] : memref<1000000x32xi32, #tpu.memory_space<hbm>> -> memref<1000000x32xi32, #tpu.memory_space<hbm>>
          tpu.enqueue_indirect_dma source(%dma_start3A_412 : memref<1000000x32xi32, #tpu.memory_space<hbm>>) target(%arg11 : memref<100x32xi32, #tpu.memory_space<vmem>>) offsets(%dma_start3A_409 : memref<100xi32, #tpu.memory_space<vmem>>) semaphore(%arg20 : memref<!tpu.dma_semaphore, #tpu.memory_space<semaphore_mem>>)
        } else {
        }
        %mul3A_302 = arith.constant 4 : i32
        %mul3A_303 = arith.muli %mul3A_302, %scan3A_95 : i32
        %add3A_304 = arith.constant 2 : i32
        %add3A_305 = arith.addi %mul3A_303, %add3A_304 : i32
        %swap3A_306 = arith.index_cast %add3A_305 : i32 to index
        %swap3A_307 = arith.constant 0 : index
        %swap3A_308 = tpu.vector_load %arg14[%swap3A_306, %swap3A_307] {strides = array<i32>} : memref<64x64xf32, #tpu.memory_space<vmem>>, vector<1x16xf32>,
        %swap3A_309 = vector.shape_cast %swap3A_308 : vector<1x16xf32> to vector<16xf32>
        %swap3A_310 = vector.shape_cast %scan3A_293#0 : vector<16xf32> to vector<1x16xf32>
        tpu.vector_store %arg14[%swap3A_306, %swap3A_307], %swap3A_310 {strides = array<i32>} : memref<64x64xf32, #tpu.memory_space<vmem>>, vector<1x16xf32>,
        %swap3A_311 = arith.index_cast %add3A_305 : i32 to index
        %swap3A_312 = arith.constant 16 : index
        %swap3A_313 = tpu.vector_load %arg14[%swap3A_311, %swap3A_312] {strides = array<i32>} : memref<64x64xf32, #tpu.memory_space<vmem>>, vector<1x16xf32>,
        %swap3A_314 = vector.shape_cast %swap3A_313 : vector<1x16xf32> to vector<16xf32>
        %swap3A_315 = vector.shape_cast %scan3A_293#1 : vector<16xf32> to vector<1x16xf32>
        tpu.vector_store %arg14[%swap3A_311, %swap3A_312], %swap3A_315 {strides = array<i32>} : memref<64x64xf32, #tpu.memory_space<vmem>>, vector<1x16xf32>,
        %swap3A_316 = arith.index_cast %add3A_305 : i32 to index
        %swap3A_317 = arith.constant 32 : index
        %swap3A_318 = tpu.vector_load %arg14[%swap3A_316, %swap3A_317] {strides = array<i32>} : memref<64x64xf32, #tpu.memory_space<vmem>>, vector<1x16xf32>,
        %swap3A_319 = vector.shape_cast %swap3A_318 : vector<1x16xf32> to vector<16xf32>
        %swap3A_320 = vector.shape_cast %scan3A_293#2 : vector<16xf32> to vector<1x16xf32>
        tpu.vector_store %arg14[%swap3A_316, %swap3A_317], %swap3A_320 {strides = array<i32>} : memref<64x64xf32, #tpu.memory_space<vmem>>, vector<1x16xf32>,
        %swap3A_321 = arith.index_cast %add3A_305 : i32 to index
        %swap3A_322 = arith.constant 48 : index
        %swap3A_323 = tpu.vector_load %arg14[%swap3A_321, %swap3A_322] {strides = array<i32>} : memref<64x64xf32, #tpu.memory_space<vmem>>, vector<1x16xf32>,
        %swap3A_324 = vector.shape_cast %swap3A_323 : vector<1x16xf32> to vector<16xf32>
        %swap3A_325 = vector.shape_cast %scan3A_293#3 : vector<16xf32> to vector<1x16xf32>
        tpu.vector_store %arg14[%swap3A_321, %swap3A_322], %swap3A_325 {strides = array<i32>} : memref<64x64xf32, #tpu.memory_space<vmem>>, vector<1x16xf32>,
        %broadcast_in_dim3A_326 = arith.constant 0.000000e+00 : f32
        %broadcast_in_dim3A_327 = vector.broadcast %broadcast_in_dim3A_326 : f32 to vector<16xf32>
        %broadcast_in_dim3A_328 = arith.constant 0.000000e+00 : f32
        %broadcast_in_dim3A_329 = vector.broadcast %broadcast_in_dim3A_328 : f32 to vector<16xf32>
        %broadcast_in_dim3A_330 = arith.constant 0.000000e+00 : f32
        %broadcast_in_dim3A_331 = vector.broadcast %broadcast_in_dim3A_330 : f32 to vector<16xf32>
        %broadcast_in_dim3A_332 = arith.constant 0.000000e+00 : f32
        %broadcast_in_dim3A_333 = vector.broadcast %broadcast_in_dim3A_332 : f32 to vector<16xf32>
        %mul3A_334 = arith.constant 8 : i32
        %mul3A_335 = arith.muli %mul3A_334, %scan3A_95 : i32
        %add3A_336 = arith.constant 6 : i32
        %add3A_337 = arith.addi %mul3A_335, %add3A_336 : i32
        %dma_wait3A_338 = arith.constant 0 : i32
        %dma_wait3A_339 = tpu.memref_slice %arg5[%add3A_337, %dma_wait3A_338] : memref<128x100xi32, #tpu.memory_space<vmem>> -> memref<1x100xi32, #tpu.memory_space<vmem>>
        %dma_wait3A_340 = tpu.memref_squeeze %dma_wait3A_339 : memref<1x100xi32, #tpu.memory_space<vmem>> -> memref<100xi32, #tpu.memory_space<vmem>>
        %dma_wait3A_341 = arith.constant 0 : i32
        %dma_wait3A_342 = arith.constant 0 : i32
        %dma_wait3A_343 = tpu.memref_slice %arg3[%dma_wait3A_341, %dma_wait3A_342] : memref<1000000x32xi32, #tpu.memory_space<hbm>> -> memref<1000000x32xi32, #tpu.memory_space<hbm>>
        tpu.wait_indirect_dma semaphore(%arg21 : memref<!tpu.dma_semaphore, #tpu.memory_space<semaphore_mem>>) src(%dma_wait3A_343 : memref<1000000x32xi32, #tpu.memory_space<hbm>>) dst(%arg12 : memref<100x32xi32, #tpu.memory_space<vmem>>)
        %scan3A_344 = arith.constant 0 : i32
        %scan3A_345 = arith.constant 25 : i32
        %scan3A_346 = arith.addi %scan3A_344, %scan3A_345 : i32
        %scan3A_347 = arith.constant 1 : i32
        %scan3A_348:4 = scf.for %scan3A_405 = %scan3A_344 to %scan3A_346 step %scan3A_347 iter_args(%scan3A_406 = %broadcast_in_dim3A_327, %scan3A_407 = %broadcast_in_dim3A_329, %scan3A_408 = %broadcast_in_dim3A_331, %scan3A_409 = %broadcast_in_dim3A_333) -> (vector<16xf32>, vector<16xf32>, vector<16xf32>, vector<16xf32>)  : i32 {
          %mul3A_410 = arith.constant 4 : i32
          %mul3A_411 = arith.muli %scan3A_405, %mul3A_410 : i32
          %add3A_412 = arith.constant 0 : i32
          %add3A_413 = arith.addi %mul3A_411, %add3A_412 : i32
          %get3A = arith.index_cast %add3A_413 : i32 to index
          %get3A_414 = arith.constant 0 : index
          %get3A_415 = tpu.vector_load %arg12[%get3A, %get3A_414] {strides = array<i32>} : memref<100x32xi32, #tpu.memory_space<vmem>>, vector<1x16xi32>,
          %get3A_416 = vector.shape_cast %get3A_415 : vector<1x16xi32> to vector<16xi32>
          %shift_left3A = arith.constant 16 : i32
          %shift_left3A_417 = vector.broadcast %shift_left3A : i32 to vector<16xi32>
          %shift_left3A_418 = arith.shli %get3A_416, %shift_left3A_417 : vector<16xi32>
          %bitcast_convert_type3A = tpu.bitcast %shift_left3A_418 : vector<16xi32> -> vector<16xf32>
          %and3A_419 = arith.andi %get3A_416, %broadcast_in_dim3A_3 : vector<16xi32>
          %bitcast_convert_type3A_420 = tpu.bitcast %and3A_419 : vector<16xi32> -> vector<16xf32>
          %add3A_421 = arith.addf %scan3A_406, %bitcast_convert_type3A : vector<16xf32>
          %add3A_422 = arith.addf %scan3A_407, %bitcast_convert_type3A_420 : vector<16xf32>
          %mul3A_423 = arith.constant 4 : i32
          %mul3A_424 = arith.muli %scan3A_405, %mul3A_423 : i32
          %add3A_425 = arith.constant 0 : i32
          %add3A_426 = arith.addi %mul3A_424, %add3A_425 : i32
          %get3A_427 = arith.index_cast %add3A_426 : i32 to index
          %get3A_428 = arith.constant 16 : index
          %get3A_429 = tpu.vector_load %arg12[%get3A_427, %get3A_428] {strides = array<i32>} : memref<100x32xi32, #tpu.memory_space<vmem>>, vector<1x16xi32>,
          %get3A_430 = vector.shape_cast %get3A_429 : vector<1x16xi32> to vector<16xi32>
          %shift_left3A_431 = arith.constant 16 : i32
          %shift_left3A_432 = vector.broadcast %shift_left3A_431 : i32 to vector<16xi32>
          %shift_left3A_433 = arith.shli %get3A_430, %shift_left3A_432 : vector<16xi32>
          %bitcast_convert_type3A_434 = tpu.bitcast %shift_left3A_433 : vector<16xi32> -> vector<16xf32>
          %and3A_435 = arith.andi %get3A_430, %broadcast_in_dim3A_3 : vector<16xi32>
          %bitcast_convert_type3A_436 = tpu.bitcast %and3A_435 : vector<16xi32> -> vector<16xf32>
          %add3A_437 = arith.addf %scan3A_408, %bitcast_convert_type3A_434 : vector<16xf32>
          %add3A_438 = arith.addf %scan3A_409, %bitcast_convert_type3A_436 : vector<16xf32>
          %mul3A_439 = arith.constant 4 : i32
          %mul3A_440 = arith.muli %scan3A_405, %mul3A_439 : i32
          %add3A_441 = arith.constant 1 : i32
          %add3A_442 = arith.addi %mul3A_440, %add3A_441 : i32
          %get3A_443 = arith.index_cast %add3A_442 : i32 to index
          %get3A_444 = arith.constant 0 : index
          %get3A_445 = tpu.vector_load %arg12[%get3A_443, %get3A_444] {strides = array<i32>} : memref<100x32xi32, #tpu.memory_space<vmem>>, vector<1x16xi32>,
          %get3A_446 = vector.shape_cast %get3A_445 : vector<1x16xi32> to vector<16xi32>
          %shift_left3A_447 = arith.constant 16 : i32
          %shift_left3A_448 = vector.broadcast %shift_left3A_447 : i32 to vector<16xi32>
          %shift_left3A_449 = arith.shli %get3A_446, %shift_left3A_448 : vector<16xi32>
          %bitcast_convert_type3A_450 = tpu.bitcast %shift_left3A_449 : vector<16xi32> -> vector<16xf32>
          %and3A_451 = arith.andi %get3A_446, %broadcast_in_dim3A_3 : vector<16xi32>
          %bitcast_convert_type3A_452 = tpu.bitcast %and3A_451 : vector<16xi32> -> vector<16xf32>
          %add3A_453 = arith.addf %add3A_421, %bitcast_convert_type3A_450 : vector<16xf32>
          %add3A_454 = arith.addf %add3A_422, %bitcast_convert_type3A_452 : vector<16xf32>
          %mul3A_455 = arith.constant 4 : i32
          %mul3A_456 = arith.muli %scan3A_405, %mul3A_455 : i32
          %add3A_457 = arith.constant 1 : i32
          %add3A_458 = arith.addi %mul3A_456, %add3A_457 : i32
          %get3A_459 = arith.index_cast %add3A_458 : i32 to index
          %get3A_460 = arith.constant 16 : index
          %get3A_461 = tpu.vector_load %arg12[%get3A_459, %get3A_460] {strides = array<i32>} : memref<100x32xi32, #tpu.memory_space<vmem>>, vector<1x16xi32>,
          %get3A_462 = vector.shape_cast %get3A_461 : vector<1x16xi32> to vector<16xi32>
          %shift_left3A_463 = arith.constant 16 : i32
          %shift_left3A_464 = vector.broadcast %shift_left3A_463 : i32 to vector<16xi32>
          %shift_left3A_465 = arith.shli %get3A_462, %shift_left3A_464 : vector<16xi32>
          %bitcast_convert_type3A_466 = tpu.bitcast %shift_left3A_465 : vector<16xi32> -> vector<16xf32>
          %and3A_467 = arith.andi %get3A_462, %broadcast_in_dim3A_3 : vector<16xi32>
          %bitcast_convert_type3A_468 = tpu.bitcast %and3A_467 : vector<16xi32> -> vector<16xf32>
          %add3A_469 = arith.addf %add3A_437, %bitcast_convert_type3A_466 : vector<16xf32>
          %add3A_470 = arith.addf %add3A_438, %bitcast_convert_type3A_468 : vector<16xf32>
          %mul3A_471 = arith.constant 4 : i32
          %mul3A_472 = arith.muli %scan3A_405, %mul3A_471 : i32
          %add3A_473 = arith.constant 2 : i32
          %add3A_474 = arith.addi %mul3A_472, %add3A_473 : i32
          %get3A_475 = arith.index_cast %add3A_474 : i32 to index
          %get3A_476 = arith.constant 0 : index
          %get3A_477 = tpu.vector_load %arg12[%get3A_475, %get3A_476] {strides = array<i32>} : memref<100x32xi32, #tpu.memory_space<vmem>>, vector<1x16xi32>,
          %get3A_478 = vector.shape_cast %get3A_477 : vector<1x16xi32> to vector<16xi32>
          %shift_left3A_479 = arith.constant 16 : i32
          %shift_left3A_480 = vector.broadcast %shift_left3A_479 : i32 to vector<16xi32>
          %shift_left3A_481 = arith.shli %get3A_478, %shift_left3A_480 : vector<16xi32>
          %bitcast_convert_type3A_482 = tpu.bitcast %shift_left3A_481 : vector<16xi32> -> vector<16xf32>
          %and3A_483 = arith.andi %get3A_478, %broadcast_in_dim3A_3 : vector<16xi32>
          %bitcast_convert_type3A_484 = tpu.bitcast %and3A_483 : vector<16xi32> -> vector<16xf32>
          %add3A_485 = arith.addf %add3A_453, %bitcast_convert_type3A_482 : vector<16xf32>
          %add3A_486 = arith.addf %add3A_454, %bitcast_convert_type3A_484 : vector<16xf32>
          %mul3A_487 = arith.constant 4 : i32
          %mul3A_488 = arith.muli %scan3A_405, %mul3A_487 : i32
          %add3A_489 = arith.constant 2 : i32
          %add3A_490 = arith.addi %mul3A_488, %add3A_489 : i32
          %get3A_491 = arith.index_cast %add3A_490 : i32 to index
          %get3A_492 = arith.constant 16 : index
          %get3A_493 = tpu.vector_load %arg12[%get3A_491, %get3A_492] {strides = array<i32>} : memref<100x32xi32, #tpu.memory_space<vmem>>, vector<1x16xi32>,
          %get3A_494 = vector.shape_cast %get3A_493 : vector<1x16xi32> to vector<16xi32>
          %shift_left3A_495 = arith.constant 16 : i32
          %shift_left3A_496 = vector.broadcast %shift_left3A_495 : i32 to vector<16xi32>
          %shift_left3A_497 = arith.shli %get3A_494, %shift_left3A_496 : vector<16xi32>
          %bitcast_convert_type3A_498 = tpu.bitcast %shift_left3A_497 : vector<16xi32> -> vector<16xf32>
          %and3A_499 = arith.andi %get3A_494, %broadcast_in_dim3A_3 : vector<16xi32>
          %bitcast_convert_type3A_500 = tpu.bitcast %and3A_499 : vector<16xi32> -> vector<16xf32>
          %add3A_501 = arith.addf %add3A_469, %bitcast_convert_type3A_498 : vector<16xf32>
          %add3A_502 = arith.addf %add3A_470, %bitcast_convert_type3A_500 : vector<16xf32>
          %mul3A_503 = arith.constant 4 : i32
          %mul3A_504 = arith.muli %scan3A_405, %mul3A_503 : i32
          %add3A_505 = arith.constant 3 : i32
          %add3A_506 = arith.addi %mul3A_504, %add3A_505 : i32
          %get3A_507 = arith.index_cast %add3A_506 : i32 to index
          %get3A_508 = arith.constant 0 : index
          %get3A_509 = tpu.vector_load %arg12[%get3A_507, %get3A_508] {strides = array<i32>} : memref<100x32xi32, #tpu.memory_space<vmem>>, vector<1x16xi32>,
          %get3A_510 = vector.shape_cast %get3A_509 : vector<1x16xi32> to vector<16xi32>
          %shift_left3A_511 = arith.constant 16 : i32
          %shift_left3A_512 = vector.broadcast %shift_left3A_511 : i32 to vector<16xi32>
          %shift_left3A_513 = arith.shli %get3A_510, %shift_left3A_512 : vector<16xi32>
          %bitcast_convert_type3A_514 = tpu.bitcast %shift_left3A_513 : vector<16xi32> -> vector<16xf32>
          %and3A_515 = arith.andi %get3A_510, %broadcast_in_dim3A_3 : vector<16xi32>
          %bitcast_convert_type3A_516 = tpu.bitcast %and3A_515 : vector<16xi32> -> vector<16xf32>
          %add3A_517 = arith.addf %add3A_485, %bitcast_convert_type3A_514 : vector<16xf32>
          %add3A_518 = arith.addf %add3A_486, %bitcast_convert_type3A_516 : vector<16xf32>
          %mul3A_519 = arith.constant 4 : i32
          %mul3A_520 = arith.muli %scan3A_405, %mul3A_519 : i32
          %add3A_521 = arith.constant 3 : i32
          %add3A_522 = arith.addi %mul3A_520, %add3A_521 : i32
          %get3A_523 = arith.index_cast %add3A_522 : i32 to index
          %get3A_524 = arith.constant 16 : index
          %get3A_525 = tpu.vector_load %arg12[%get3A_523, %get3A_524] {strides = array<i32>} : memref<100x32xi32, #tpu.memory_space<vmem>>, vector<1x16xi32>,
          %get3A_526 = vector.shape_cast %get3A_525 : vector<1x16xi32> to vector<16xi32>
          %shift_left3A_527 = arith.constant 16 : i32
          %shift_left3A_528 = vector.broadcast %shift_left3A_527 : i32 to vector<16xi32>
          %shift_left3A_529 = arith.shli %get3A_526, %shift_left3A_528 : vector<16xi32>
          %bitcast_convert_type3A_530 = tpu.bitcast %shift_left3A_529 : vector<16xi32> -> vector<16xf32>
          %and3A_531 = arith.andi %get3A_526, %broadcast_in_dim3A_3 : vector<16xi32>
          %bitcast_convert_type3A_532 = tpu.bitcast %and3A_531 : vector<16xi32> -> vector<16xf32>
          %add3A_533 = arith.addf %add3A_501, %bitcast_convert_type3A_530 : vector<16xf32>
          %add3A_534 = arith.addf %add3A_502, %bitcast_convert_type3A_532 : vector<16xf32>
          scf.yield %add3A_517, %add3A_518, %add3A_533, %add3A_534 : vector<16xf32>, vector<16xf32>, vector<16xf32>, vector<16xf32>
        }
        %scan3A_349 = arith.constant 25 : i32
        %add3A_350 = arith.constant 8 : i32
        %add3A_351 = arith.addi %add3A_337, %add3A_350 : i32
        %lt3A_352 = arith.constant 128 : i32
        %lt3A_353 = arith.cmpi slt, %add3A_351, %lt3A_352 : i32
        %convert_element_type3A_354 = arith.extui %lt3A_353 : i1 to i32
        %cond3A_355 = arith.constant 0 : i32
        %cond3A_356 = arith.cmpi ne, %convert_element_type3A_354, %cond3A_355 : i32
        scf.if %cond3A_356 {
          %add3A_405 = arith.constant 8 : i32
          %add3A_406 = arith.addi %add3A_337, %add3A_405 : i32
          %dma_start3A_407 = arith.constant 0 : i32
          %dma_start3A_408 = tpu.memref_slice %arg5[%add3A_406, %dma_start3A_407] : memref<128x100xi32, #tpu.memory_space<vmem>> -> memref<1x100xi32, #tpu.memory_space<vmem>>
          %dma_start3A_409 = tpu.memref_squeeze %dma_start3A_408 : memref<1x100xi32, #tpu.memory_space<vmem>> -> memref<100xi32, #tpu.memory_space<vmem>>
          %dma_start3A_410 = arith.constant 0 : i32
          %dma_start3A_411 = arith.constant 0 : i32
          %dma_start3A_412 = tpu.memref_slice %arg3[%dma_start3A_410, %dma_start3A_411] : memref<1000000x32xi32, #tpu.memory_space<hbm>> -> memref<1000000x32xi32, #tpu.memory_space<hbm>>
          tpu.enqueue_indirect_dma source(%dma_start3A_412 : memref<1000000x32xi32, #tpu.memory_space<hbm>>) target(%arg12 : memref<100x32xi32, #tpu.memory_space<vmem>>) offsets(%dma_start3A_409 : memref<100xi32, #tpu.memory_space<vmem>>) semaphore(%arg21 : memref<!tpu.dma_semaphore, #tpu.memory_space<semaphore_mem>>)
        } else {
        }
        %mul3A_357 = arith.constant 8 : i32
        %mul3A_358 = arith.muli %mul3A_357, %scan3A_95 : i32
        %add3A_359 = arith.constant 7 : i32
        %add3A_360 = arith.addi %mul3A_358, %add3A_359 : i32
        %dma_wait3A_361 = arith.constant 0 : i32
        %dma_wait3A_362 = tpu.memref_slice %arg5[%add3A_360, %dma_wait3A_361] : memref<128x100xi32, #tpu.memory_space<vmem>> -> memref<1x100xi32, #tpu.memory_space<vmem>>
        %dma_wait3A_363 = tpu.memref_squeeze %dma_wait3A_362 : memref<1x100xi32, #tpu.memory_space<vmem>> -> memref<100xi32, #tpu.memory_space<vmem>>
        %dma_wait3A_364 = arith.constant 0 : i32
        %dma_wait3A_365 = arith.constant 0 : i32
        %dma_wait3A_366 = tpu.memref_slice %arg3[%dma_wait3A_364, %dma_wait3A_365] : memref<1000000x32xi32, #tpu.memory_space<hbm>> -> memref<1000000x32xi32, #tpu.memory_space<hbm>>
        tpu.wait_indirect_dma semaphore(%arg22 : memref<!tpu.dma_semaphore, #tpu.memory_space<semaphore_mem>>) src(%dma_wait3A_366 : memref<1000000x32xi32, #tpu.memory_space<hbm>>) dst(%arg13 : memref<100x32xi32, #tpu.memory_space<vmem>>)
        %scan3A_367 = arith.constant 0 : i32
        %scan3A_368 = arith.constant 25 : i32
        %scan3A_369 = arith.addi %scan3A_367, %scan3A_368 : i32
        %scan3A_370 = arith.constant 1 : i32
        %scan3A_371:4 = scf.for %scan3A_405 = %scan3A_367 to %scan3A_369 step %scan3A_370 iter_args(%scan3A_406 = %scan3A_348#0, %scan3A_407 = %scan3A_348#1, %scan3A_408 = %scan3A_348#2, %scan3A_409 = %scan3A_348#3) -> (vector<16xf32>, vector<16xf32>, vector<16xf32>, vector<16xf32>)  : i32 {
          %mul3A_410 = arith.constant 4 : i32
          %mul3A_411 = arith.muli %scan3A_405, %mul3A_410 : i32
          %add3A_412 = arith.constant 0 : i32
          %add3A_413 = arith.addi %mul3A_411, %add3A_412 : i32
          %get3A = arith.index_cast %add3A_413 : i32 to index
          %get3A_414 = arith.constant 0 : index
          %get3A_415 = tpu.vector_load %arg13[%get3A, %get3A_414] {strides = array<i32>} : memref<100x32xi32, #tpu.memory_space<vmem>>, vector<1x16xi32>,
          %get3A_416 = vector.shape_cast %get3A_415 : vector<1x16xi32> to vector<16xi32>
          %shift_left3A = arith.constant 16 : i32
          %shift_left3A_417 = vector.broadcast %shift_left3A : i32 to vector<16xi32>
          %shift_left3A_418 = arith.shli %get3A_416, %shift_left3A_417 : vector<16xi32>
          %bitcast_convert_type3A = tpu.bitcast %shift_left3A_418 : vector<16xi32> -> vector<16xf32>
          %and3A_419 = arith.andi %get3A_416, %broadcast_in_dim3A_3 : vector<16xi32>
          %bitcast_convert_type3A_420 = tpu.bitcast %and3A_419 : vector<16xi32> -> vector<16xf32>
          %add3A_421 = arith.addf %scan3A_406, %bitcast_convert_type3A : vector<16xf32>
          %add3A_422 = arith.addf %scan3A_407, %bitcast_convert_type3A_420 : vector<16xf32>
          %mul3A_423 = arith.constant 4 : i32
          %mul3A_424 = arith.muli %scan3A_405, %mul3A_423 : i32
          %add3A_425 = arith.constant 0 : i32
          %add3A_426 = arith.addi %mul3A_424, %add3A_425 : i32
          %get3A_427 = arith.index_cast %add3A_426 : i32 to index
          %get3A_428 = arith.constant 16 : index
          %get3A_429 = tpu.vector_load %arg13[%get3A_427, %get3A_428] {strides = array<i32>} : memref<100x32xi32, #tpu.memory_space<vmem>>, vector<1x16xi32>,
          %get3A_430 = vector.shape_cast %get3A_429 : vector<1x16xi32> to vector<16xi32>
          %shift_left3A_431 = arith.constant 16 : i32
          %shift_left3A_432 = vector.broadcast %shift_left3A_431 : i32 to vector<16xi32>
          %shift_left3A_433 = arith.shli %get3A_430, %shift_left3A_432 : vector<16xi32>
          %bitcast_convert_type3A_434 = tpu.bitcast %shift_left3A_433 : vector<16xi32> -> vector<16xf32>
          %and3A_435 = arith.andi %get3A_430, %broadcast_in_dim3A_3 : vector<16xi32>
          %bitcast_convert_type3A_436 = tpu.bitcast %and3A_435 : vector<16xi32> -> vector<16xf32>
          %add3A_437 = arith.addf %scan3A_408, %bitcast_convert_type3A_434 : vector<16xf32>
          %add3A_438 = arith.addf %scan3A_409, %bitcast_convert_type3A_436 : vector<16xf32>
          %mul3A_439 = arith.constant 4 : i32
          %mul3A_440 = arith.muli %scan3A_405, %mul3A_439 : i32
          %add3A_441 = arith.constant 1 : i32
          %add3A_442 = arith.addi %mul3A_440, %add3A_441 : i32
          %get3A_443 = arith.index_cast %add3A_442 : i32 to index
          %get3A_444 = arith.constant 0 : index
          %get3A_445 = tpu.vector_load %arg13[%get3A_443, %get3A_444] {strides = array<i32>} : memref<100x32xi32, #tpu.memory_space<vmem>>, vector<1x16xi32>,
          %get3A_446 = vector.shape_cast %get3A_445 : vector<1x16xi32> to vector<16xi32>
          %shift_left3A_447 = arith.constant 16 : i32
          %shift_left3A_448 = vector.broadcast %shift_left3A_447 : i32 to vector<16xi32>
          %shift_left3A_449 = arith.shli %get3A_446, %shift_left3A_448 : vector<16xi32>
          %bitcast_convert_type3A_450 = tpu.bitcast %shift_left3A_449 : vector<16xi32> -> vector<16xf32>
          %and3A_451 = arith.andi %get3A_446, %broadcast_in_dim3A_3 : vector<16xi32>
          %bitcast_convert_type3A_452 = tpu.bitcast %and3A_451 : vector<16xi32> -> vector<16xf32>
          %add3A_453 = arith.addf %add3A_421, %bitcast_convert_type3A_450 : vector<16xf32>
          %add3A_454 = arith.addf %add3A_422, %bitcast_convert_type3A_452 : vector<16xf32>
          %mul3A_455 = arith.constant 4 : i32
          %mul3A_456 = arith.muli %scan3A_405, %mul3A_455 : i32
          %add3A_457 = arith.constant 1 : i32
          %add3A_458 = arith.addi %mul3A_456, %add3A_457 : i32
          %get3A_459 = arith.index_cast %add3A_458 : i32 to index
          %get3A_460 = arith.constant 16 : index
          %get3A_461 = tpu.vector_load %arg13[%get3A_459, %get3A_460] {strides = array<i32>} : memref<100x32xi32, #tpu.memory_space<vmem>>, vector<1x16xi32>,
          %get3A_462 = vector.shape_cast %get3A_461 : vector<1x16xi32> to vector<16xi32>
          %shift_left3A_463 = arith.constant 16 : i32
          %shift_left3A_464 = vector.broadcast %shift_left3A_463 : i32 to vector<16xi32>
          %shift_left3A_465 = arith.shli %get3A_462, %shift_left3A_464 : vector<16xi32>
          %bitcast_convert_type3A_466 = tpu.bitcast %shift_left3A_465 : vector<16xi32> -> vector<16xf32>
          %and3A_467 = arith.andi %get3A_462, %broadcast_in_dim3A_3 : vector<16xi32>
          %bitcast_convert_type3A_468 = tpu.bitcast %and3A_467 : vector<16xi32> -> vector<16xf32>
          %add3A_469 = arith.addf %add3A_437, %bitcast_convert_type3A_466 : vector<16xf32>
          %add3A_470 = arith.addf %add3A_438, %bitcast_convert_type3A_468 : vector<16xf32>
          %mul3A_471 = arith.constant 4 : i32
          %mul3A_472 = arith.muli %scan3A_405, %mul3A_471 : i32
          %add3A_473 = arith.constant 2 : i32
          %add3A_474 = arith.addi %mul3A_472, %add3A_473 : i32
          %get3A_475 = arith.index_cast %add3A_474 : i32 to index
          %get3A_476 = arith.constant 0 : index
          %get3A_477 = tpu.vector_load %arg13[%get3A_475, %get3A_476] {strides = array<i32>} : memref<100x32xi32, #tpu.memory_space<vmem>>, vector<1x16xi32>,
          %get3A_478 = vector.shape_cast %get3A_477 : vector<1x16xi32> to vector<16xi32>
          %shift_left3A_479 = arith.constant 16 : i32
          %shift_left3A_480 = vector.broadcast %shift_left3A_479 : i32 to vector<16xi32>
          %shift_left3A_481 = arith.shli %get3A_478, %shift_left3A_480 : vector<16xi32>
          %bitcast_convert_type3A_482 = tpu.bitcast %shift_left3A_481 : vector<16xi32> -> vector<16xf32>
          %and3A_483 = arith.andi %get3A_478, %broadcast_in_dim3A_3 : vector<16xi32>
          %bitcast_convert_type3A_484 = tpu.bitcast %and3A_483 : vector<16xi32> -> vector<16xf32>
          %add3A_485 = arith.addf %add3A_453, %bitcast_convert_type3A_482 : vector<16xf32>
          %add3A_486 = arith.addf %add3A_454, %bitcast_convert_type3A_484 : vector<16xf32>
          %mul3A_487 = arith.constant 4 : i32
          %mul3A_488 = arith.muli %scan3A_405, %mul3A_487 : i32
          %add3A_489 = arith.constant 2 : i32
          %add3A_490 = arith.addi %mul3A_488, %add3A_489 : i32
          %get3A_491 = arith.index_cast %add3A_490 : i32 to index
          %get3A_492 = arith.constant 16 : index
          %get3A_493 = tpu.vector_load %arg13[%get3A_491, %get3A_492] {strides = array<i32>} : memref<100x32xi32, #tpu.memory_space<vmem>>, vector<1x16xi32>,
          %get3A_494 = vector.shape_cast %get3A_493 : vector<1x16xi32> to vector<16xi32>
          %shift_left3A_495 = arith.constant 16 : i32
          %shift_left3A_496 = vector.broadcast %shift_left3A_495 : i32 to vector<16xi32>
          %shift_left3A_497 = arith.shli %get3A_494, %shift_left3A_496 : vector<16xi32>
          %bitcast_convert_type3A_498 = tpu.bitcast %shift_left3A_497 : vector<16xi32> -> vector<16xf32>
          %and3A_499 = arith.andi %get3A_494, %broadcast_in_dim3A_3 : vector<16xi32>
          %bitcast_convert_type3A_500 = tpu.bitcast %and3A_499 : vector<16xi32> -> vector<16xf32>
          %add3A_501 = arith.addf %add3A_469, %bitcast_convert_type3A_498 : vector<16xf32>
          %add3A_502 = arith.addf %add3A_470, %bitcast_convert_type3A_500 : vector<16xf32>
          %mul3A_503 = arith.constant 4 : i32
          %mul3A_504 = arith.muli %scan3A_405, %mul3A_503 : i32
          %add3A_505 = arith.constant 3 : i32
          %add3A_506 = arith.addi %mul3A_504, %add3A_505 : i32
          %get3A_507 = arith.index_cast %add3A_506 : i32 to index
          %get3A_508 = arith.constant 0 : index
          %get3A_509 = tpu.vector_load %arg13[%get3A_507, %get3A_508] {strides = array<i32>} : memref<100x32xi32, #tpu.memory_space<vmem>>, vector<1x16xi32>,
          %get3A_510 = vector.shape_cast %get3A_509 : vector<1x16xi32> to vector<16xi32>
          %shift_left3A_511 = arith.constant 16 : i32
          %shift_left3A_512 = vector.broadcast %shift_left3A_511 : i32 to vector<16xi32>
          %shift_left3A_513 = arith.shli %get3A_510, %shift_left3A_512 : vector<16xi32>
          %bitcast_convert_type3A_514 = tpu.bitcast %shift_left3A_513 : vector<16xi32> -> vector<16xf32>
          %and3A_515 = arith.andi %get3A_510, %broadcast_in_dim3A_3 : vector<16xi32>
          %bitcast_convert_type3A_516 = tpu.bitcast %and3A_515 : vector<16xi32> -> vector<16xf32>
          %add3A_517 = arith.addf %add3A_485, %bitcast_convert_type3A_514 : vector<16xf32>
          %add3A_518 = arith.addf %add3A_486, %bitcast_convert_type3A_516 : vector<16xf32>
          %mul3A_519 = arith.constant 4 : i32
          %mul3A_520 = arith.muli %scan3A_405, %mul3A_519 : i32
          %add3A_521 = arith.constant 3 : i32
          %add3A_522 = arith.addi %mul3A_520, %add3A_521 : i32
          %get3A_523 = arith.index_cast %add3A_522 : i32 to index
          %get3A_524 = arith.constant 16 : index
          %get3A_525 = tpu.vector_load %arg13[%get3A_523, %get3A_524] {strides = array<i32>} : memref<100x32xi32, #tpu.memory_space<vmem>>, vector<1x16xi32>,
          %get3A_526 = vector.shape_cast %get3A_525 : vector<1x16xi32> to vector<16xi32>
          %shift_left3A_527 = arith.constant 16 : i32
          %shift_left3A_528 = vector.broadcast %shift_left3A_527 : i32 to vector<16xi32>
          %shift_left3A_529 = arith.shli %get3A_526, %shift_left3A_528 : vector<16xi32>
          %bitcast_convert_type3A_530 = tpu.bitcast %shift_left3A_529 : vector<16xi32> -> vector<16xf32>
          %and3A_531 = arith.andi %get3A_526, %broadcast_in_dim3A_3 : vector<16xi32>
          %bitcast_convert_type3A_532 = tpu.bitcast %and3A_531 : vector<16xi32> -> vector<16xf32>
          %add3A_533 = arith.addf %add3A_501, %bitcast_convert_type3A_530 : vector<16xf32>
          %add3A_534 = arith.addf %add3A_502, %bitcast_convert_type3A_532 : vector<16xf32>
          scf.yield %add3A_517, %add3A_518, %add3A_533, %add3A_534 : vector<16xf32>, vector<16xf32>, vector<16xf32>, vector<16xf32>
        }
        %scan3A_372 = arith.constant 25 : i32
        %add3A_373 = arith.constant 8 : i32
        %add3A_374 = arith.addi %add3A_360, %add3A_373 : i32
        %lt3A_375 = arith.constant 128 : i32
        %lt3A_376 = arith.cmpi slt, %add3A_374, %lt3A_375 : i32
        %convert_element_type3A_377 = arith.extui %lt3A_376 : i1 to i32
        %cond3A_378 = arith.constant 0 : i32
        %cond3A_379 = arith.cmpi ne, %convert_element_type3A_377, %cond3A_378 : i32
        scf.if %cond3A_379 {
          %add3A_405 = arith.constant 8 : i32
          %add3A_406 = arith.addi %add3A_360, %add3A_405 : i32
          %dma_start3A_407 = arith.constant 0 : i32
          %dma_start3A_408 = tpu.memref_slice %arg5[%add3A_406, %dma_start3A_407] : memref<128x100xi32, #tpu.memory_space<vmem>> -> memref<1x100xi32, #tpu.memory_space<vmem>>
          %dma_start3A_409 = tpu.memref_squeeze %dma_start3A_408 : memref<1x100xi32, #tpu.memory_space<vmem>> -> memref<100xi32, #tpu.memory_space<vmem>>
          %dma_start3A_410 = arith.constant 0 : i32
          %dma_start3A_411 = arith.constant 0 : i32
          %dma_start3A_412 = tpu.memref_slice %arg3[%dma_start3A_410, %dma_start3A_411] : memref<1000000x32xi32, #tpu.memory_space<hbm>> -> memref<1000000x32xi32, #tpu.memory_space<hbm>>
          tpu.enqueue_indirect_dma source(%dma_start3A_412 : memref<1000000x32xi32, #tpu.memory_space<hbm>>) target(%arg13 : memref<100x32xi32, #tpu.memory_space<vmem>>) offsets(%dma_start3A_409 : memref<100xi32, #tpu.memory_space<vmem>>) semaphore(%arg22 : memref<!tpu.dma_semaphore, #tpu.memory_space<semaphore_mem>>)
        } else {
        }
        %mul3A_380 = arith.constant 4 : i32
        %mul3A_381 = arith.muli %mul3A_380, %scan3A_95 : i32
        %add3A_382 = arith.constant 3 : i32
        %add3A_383 = arith.addi %mul3A_381, %add3A_382 : i32
        %swap3A_384 = arith.index_cast %add3A_383 : i32 to index
        %swap3A_385 = arith.constant 0 : index
        %swap3A_386 = tpu.vector_load %arg14[%swap3A_384, %swap3A_385] {strides = array<i32>} : memref<64x64xf32, #tpu.memory_space<vmem>>, vector<1x16xf32>,
        %swap3A_387 = vector.shape_cast %swap3A_386 : vector<1x16xf32> to vector<16xf32>
        %swap3A_388 = vector.shape_cast %scan3A_371#0 : vector<16xf32> to vector<1x16xf32>
        tpu.vector_store %arg14[%swap3A_384, %swap3A_385], %swap3A_388 {strides = array<i32>} : memref<64x64xf32, #tpu.memory_space<vmem>>, vector<1x16xf32>,
        %swap3A_389 = arith.index_cast %add3A_383 : i32 to index
        %swap3A_390 = arith.constant 16 : index
        %swap3A_391 = tpu.vector_load %arg14[%swap3A_389, %swap3A_390] {strides = array<i32>} : memref<64x64xf32, #tpu.memory_space<vmem>>, vector<1x16xf32>,
        %swap3A_392 = vector.shape_cast %swap3A_391 : vector<1x16xf32> to vector<16xf32>
        %swap3A_393 = vector.shape_cast %scan3A_371#1 : vector<16xf32> to vector<1x16xf32>
        tpu.vector_store %arg14[%swap3A_389, %swap3A_390], %swap3A_393 {strides = array<i32>} : memref<64x64xf32, #tpu.memory_space<vmem>>, vector<1x16xf32>,
        %swap3A_394 = arith.index_cast %add3A_383 : i32 to index
        %swap3A_395 = arith.constant 32 : index
        %swap3A_396 = tpu.vector_load %arg14[%swap3A_394, %swap3A_395] {strides = array<i32>} : memref<64x64xf32, #tpu.memory_space<vmem>>, vector<1x16xf32>,
        %swap3A_397 = vector.shape_cast %swap3A_396 : vector<1x16xf32> to vector<16xf32>
        %swap3A_398 = vector.shape_cast %scan3A_371#2 : vector<16xf32> to vector<1x16xf32>
        tpu.vector_store %arg14[%swap3A_394, %swap3A_395], %swap3A_398 {strides = array<i32>} : memref<64x64xf32, #tpu.memory_space<vmem>>, vector<1x16xf32>,
        %swap3A_399 = arith.index_cast %add3A_383 : i32 to index
        %swap3A_400 = arith.constant 48 : index
        %swap3A_401 = tpu.vector_load %arg14[%swap3A_399, %swap3A_400] {strides = array<i32>} : memref<64x64xf32, #tpu.memory_space<vmem>>, vector<1x16xf32>,
        %swap3A_402 = vector.shape_cast %swap3A_401 : vector<1x16xf32> to vector<16xf32>
        %swap3A_403 = vector.shape_cast %scan3A_371#3 : vector<16xf32> to vector<1x16xf32>
        tpu.vector_store %arg14[%swap3A_399, %swap3A_400], %swap3A_403 {strides = array<i32>} : memref<64x64xf32, #tpu.memory_space<vmem>>, vector<1x16xf32>,
        %scan3A_404 = arith.constant 0 : i32
        scf.yield %scan3A_404 : i32
      }
      %scan3A_76 = arith.constant 16 : i32
      %jit3A = arith.constant 2 : i32
      %div3A = arith.divsi %multiple_of3A, %jit3A : i32
      %sign3A = arith.constant 0 : i32
      %sign3A_77 = arith.cmpi sgt, %multiple_of3A, %sign3A : i32
      %sign3A_78 = arith.extui %sign3A_77 : i1 to i32
      %sign3A_79 = arith.constant 0 : i32
      %sign3A_80 = arith.cmpi slt, %multiple_of3A, %sign3A_79 : i32
      %sign3A_81 = arith.extui %sign3A_80 : i1 to i32
      %sign3A_82 = arith.subi %sign3A_78, %sign3A_81 : i32
      %sign3A_83 = arith.constant 0 : i32
      %sign3A_84 = arith.cmpi sgt, %jit3A, %sign3A_83 : i32
      %sign3A_85 = arith.extui %sign3A_84 : i1 to i32
      %sign3A_86 = arith.constant 0 : i32
      %sign3A_87 = arith.cmpi slt, %jit3A, %sign3A_86 : i32
      %sign3A_88 = arith.extui %sign3A_87 : i1 to i32
      %sign3A_89 = arith.subi %sign3A_85, %sign3A_88 : i32
      %ne3A = arith.cmpi ne, %sign3A_82, %sign3A_89 : i32
      %rem3A = arith.remsi %multiple_of3A, %jit3A : i32
      %ne3A_90 = arith.constant 0 : i32
      %ne3A_91 = arith.cmpi ne, %rem3A, %ne3A_90 : i32
      %and3A = arith.andi %ne3A, %ne3A_91 : i1
      %sub3A = arith.constant 1 : i32
      %sub3A_92 = arith.subi %div3A, %sub3A : i32
      %select_n3A = arith.select %and3A, %sub3A_92, %div3A : i32
      %multiple_of3A_93 = tpu.assume_multiple %select_n3A, 64 : i32
      "tpu.region"() ({
        %run_scoped3A = tpu.sem_alloc : memref<!tpu.dma_semaphore, #tpu.memory_space<semaphore_mem>>
        %dma_start3A_95 = arith.constant 0 : i32
        %dma_start3A_96 = tpu.memref_slice %arg4[%multiple_of3A_93, %dma_start3A_95] : memref<16384x64xf32, #tpu.memory_space<hbm>> -> memref<64x64xf32, #tpu.memory_space<hbm>>
        %dma_start3A_97 = arith.constant 0 : i32
        %dma_start3A_98 = tpu.memref_slice %arg4[%multiple_of3A_93, %dma_start3A_97] : memref<16384x64xf32, #tpu.memory_space<hbm>> -> memref<64x64xf32, #tpu.memory_space<hbm>>
        tpu.enqueue_dma source(%arg14 : memref<64x64xf32, #tpu.memory_space<vmem>>) target(%dma_start3A_98 : memref<64x64xf32, #tpu.memory_space<hbm>>) target_semaphore(%run_scoped3A : memref<!tpu.dma_semaphore, #tpu.memory_space<semaphore_mem>>)
        %dma_wait3A = arith.constant 0 : i32
        %dma_wait3A_99 = tpu.memref_slice %arg4[%multiple_of3A_93, %dma_wait3A] : memref<16384x64xf32, #tpu.memory_space<hbm>> -> memref<64x64xf32, #tpu.memory_space<hbm>>
        %dma_wait3A_100 = arith.constant 0 : i32
        %dma_wait3A_101 = tpu.memref_slice %arg4[%multiple_of3A_93, %dma_wait3A_100] : memref<16384x64xf32, #tpu.memory_space<hbm>> -> memref<64x64xf32, #tpu.memory_space<hbm>>
        tpu.wait_dma2 semaphore(%run_scoped3A : memref<!tpu.dma_semaphore, #tpu.memory_space<semaphore_mem>>) src(%arg14 : memref<64x64xf32, #tpu.memory_space<vmem>>) dst(%dma_wait3A_101 : memref<64x64xf32, #tpu.memory_space<hbm>>)
        tpu.yield
      }) : () -> ()
      %scan3A_94 = arith.constant 0 : i32
      scf.yield %scan3A_94 : i32
    }
    %scan3A_9 = arith.constant 8 : i32
    return
  }
}

module attributes {stable_mosaic.version = 14 : i64} {
  func.func @body(%arg0: i32, %arg1: memref<64x4096xf32, #tpu.memory_space<vmem>>, %arg2: memref<64x4096xf32, #tpu.memory_space<vmem>>, %arg3: memref<64x4096xf32, #tpu.memory_space<vmem>>, %arg4: memref<64x4096xf32, #tpu.memory_space<vmem>>, %arg5: memref<4096x128xi32, #tpu.memory_space<vmem>>) attributes {dimension_semantics = [#tpu.dimension_semantics<arbitrary>], iteration_bounds = array<i64: 62>, scalar_prefetch = 0 : i64, scratch_operands = 0 : i64, tpu.core_type = #tpu.core_type<tc>, window_params = [{transform_indices = @transform_0, window_bounds = array<i64: 64, 4096>}, {transform_indices = @transform_1, window_bounds = array<i64: 64, 4096>}, {transform_indices = @transform_2, window_bounds = array<i64: 64, 4096>}, {transform_indices = @transform_3, window_bounds = array<i64: 64, 4096>}, {transform_indices = @transform_4, window_bounds = array<i64: 4096, 128>}]} {
    %lt3A = arith.constant 61 : i32
    %lt3A_0 = arith.cmpi slt, %arg0, %lt3A : i32
    %convert_element_type3A = arith.extui %lt3A_0 : i1 to i32
    %cond3A = arith.constant 0 : i32
    %cond3A_1 = arith.cmpi ne, %convert_element_type3A, %cond3A : i32
    scf.if %cond3A_1 {
      %get3A = arith.constant 0 : index
      %get3A_6 = arith.constant 0 : index
      %get3A_7 = vector.load %arg1[%get3A, %get3A_6] : memref<64x4096xf32, #tpu.memory_space<vmem>>, vector<64x4096xf32>
      %convert_element_type3A_8 = arith.truncf %get3A_7 : vector<64x4096xf32> to vector<64x4096xbf16>
      %transpose3A = tpu.transpose %convert_element_type3A_8, [1, 0] : vector<64x4096xbf16> -> vector<4096x64xbf16>
      %bitcast_convert_type3A = tpu.bitcast %transpose3A : vector<4096x64xbf16> -> vector<4096x64xi16>
      %convert_element_type3A_9 = arith.extsi %bitcast_convert_type3A : vector<4096x64xi16> to vector<4096x64xi32>
      %slice3A = vector.extract_strided_slice %convert_element_type3A_9 {offsets = [0, 0], sizes = [4096, 32], strides = [1, 1]} : vector<4096x64xi32> to vector<4096x32xi32>
      %and3A = arith.constant 65535 : i32
      %and3A_10 = vector.broadcast %and3A : i32 to vector<4096x32xi32>
      %and3A_11 = arith.andi %slice3A, %and3A_10 : vector<4096x32xi32>
      %slice3A_12 = vector.extract_strided_slice %convert_element_type3A_9 {offsets = [0, 32], sizes = [4096, 32], strides = [1, 1]} : vector<4096x64xi32> to vector<4096x32xi32>
      %shift_left3A = arith.constant 16 : i32
      %shift_left3A_13 = vector.broadcast %shift_left3A : i32 to vector<4096x32xi32>
      %shift_left3A_14 = arith.shli %slice3A_12, %shift_left3A_13 : vector<4096x32xi32>
      %or3A = arith.ori %and3A_11, %shift_left3A_14 : vector<4096x32xi32>
      %swap3A = arith.constant 0 : index
      %swap3A_15 = arith.constant 0 : index
      %swap3A_16 = vector.load %arg5[%swap3A, %swap3A_15] : memref<4096x128xi32, #tpu.memory_space<vmem>>, vector<4096x32xi32>
      tpu.vector_store %arg5[%swap3A, %swap3A_15], %or3A {strides = array<i32>} : memref<4096x128xi32, #tpu.memory_space<vmem>>, vector<4096x32xi32>,
      %get3A_17 = arith.constant 0 : index
      %get3A_18 = arith.constant 0 : index
      %get3A_19 = vector.load %arg2[%get3A_17, %get3A_18] : memref<64x4096xf32, #tpu.memory_space<vmem>>, vector<64x4096xf32>
      %convert_element_type3A_20 = arith.truncf %get3A_19 : vector<64x4096xf32> to vector<64x4096xbf16>
      %transpose3A_21 = tpu.transpose %convert_element_type3A_20, [1, 0] : vector<64x4096xbf16> -> vector<4096x64xbf16>
      %bitcast_convert_type3A_22 = tpu.bitcast %transpose3A_21 : vector<4096x64xbf16> -> vector<4096x64xi16>
      %convert_element_type3A_23 = arith.extsi %bitcast_convert_type3A_22 : vector<4096x64xi16> to vector<4096x64xi32>
      %slice3A_24 = vector.extract_strided_slice %convert_element_type3A_23 {offsets = [0, 0], sizes = [4096, 32], strides = [1, 1]} : vector<4096x64xi32> to vector<4096x32xi32>
      %and3A_25 = arith.constant 65535 : i32
      %and3A_26 = vector.broadcast %and3A_25 : i32 to vector<4096x32xi32>
      %and3A_27 = arith.andi %slice3A_24, %and3A_26 : vector<4096x32xi32>
      %slice3A_28 = vector.extract_strided_slice %convert_element_type3A_23 {offsets = [0, 32], sizes = [4096, 32], strides = [1, 1]} : vector<4096x64xi32> to vector<4096x32xi32>
      %shift_left3A_29 = arith.constant 16 : i32
      %shift_left3A_30 = vector.broadcast %shift_left3A_29 : i32 to vector<4096x32xi32>
      %shift_left3A_31 = arith.shli %slice3A_28, %shift_left3A_30 : vector<4096x32xi32>
      %or3A_32 = arith.ori %and3A_27, %shift_left3A_31 : vector<4096x32xi32>
      %swap3A_33 = arith.constant 0 : index
      %swap3A_34 = arith.constant 32 : index
      %swap3A_35 = vector.load %arg5[%swap3A_33, %swap3A_34] : memref<4096x128xi32, #tpu.memory_space<vmem>>, vector<4096x32xi32>
      tpu.vector_store %arg5[%swap3A_33, %swap3A_34], %or3A_32 {strides = array<i32>} : memref<4096x128xi32, #tpu.memory_space<vmem>>, vector<4096x32xi32>,
      %get3A_36 = arith.constant 0 : index
      %get3A_37 = arith.constant 0 : index
      %get3A_38 = vector.load %arg3[%get3A_36, %get3A_37] : memref<64x4096xf32, #tpu.memory_space<vmem>>, vector<64x4096xf32>
      %convert_element_type3A_39 = arith.truncf %get3A_38 : vector<64x4096xf32> to vector<64x4096xbf16>
      %transpose3A_40 = tpu.transpose %convert_element_type3A_39, [1, 0] : vector<64x4096xbf16> -> vector<4096x64xbf16>
      %bitcast_convert_type3A_41 = tpu.bitcast %transpose3A_40 : vector<4096x64xbf16> -> vector<4096x64xi16>
      %convert_element_type3A_42 = arith.extsi %bitcast_convert_type3A_41 : vector<4096x64xi16> to vector<4096x64xi32>
      %slice3A_43 = vector.extract_strided_slice %convert_element_type3A_42 {offsets = [0, 0], sizes = [4096, 32], strides = [1, 1]} : vector<4096x64xi32> to vector<4096x32xi32>
      %and3A_44 = arith.constant 65535 : i32
      %and3A_45 = vector.broadcast %and3A_44 : i32 to vector<4096x32xi32>
      %and3A_46 = arith.andi %slice3A_43, %and3A_45 : vector<4096x32xi32>
      %slice3A_47 = vector.extract_strided_slice %convert_element_type3A_42 {offsets = [0, 32], sizes = [4096, 32], strides = [1, 1]} : vector<4096x64xi32> to vector<4096x32xi32>
      %shift_left3A_48 = arith.constant 16 : i32
      %shift_left3A_49 = vector.broadcast %shift_left3A_48 : i32 to vector<4096x32xi32>
      %shift_left3A_50 = arith.shli %slice3A_47, %shift_left3A_49 : vector<4096x32xi32>
      %or3A_51 = arith.ori %and3A_46, %shift_left3A_50 : vector<4096x32xi32>
      %swap3A_52 = arith.constant 0 : index
      %swap3A_53 = arith.constant 64 : index
      %swap3A_54 = vector.load %arg5[%swap3A_52, %swap3A_53] : memref<4096x128xi32, #tpu.memory_space<vmem>>, vector<4096x32xi32>
      tpu.vector_store %arg5[%swap3A_52, %swap3A_53], %or3A_51 {strides = array<i32>} : memref<4096x128xi32, #tpu.memory_space<vmem>>, vector<4096x32xi32>,
      %get3A_55 = arith.constant 0 : index
      %get3A_56 = arith.constant 0 : index
      %get3A_57 = vector.load %arg4[%get3A_55, %get3A_56] : memref<64x4096xf32, #tpu.memory_space<vmem>>, vector<64x4096xf32>
      %convert_element_type3A_58 = arith.truncf %get3A_57 : vector<64x4096xf32> to vector<64x4096xbf16>
      %transpose3A_59 = tpu.transpose %convert_element_type3A_58, [1, 0] : vector<64x4096xbf16> -> vector<4096x64xbf16>
      %bitcast_convert_type3A_60 = tpu.bitcast %transpose3A_59 : vector<4096x64xbf16> -> vector<4096x64xi16>
      %convert_element_type3A_61 = arith.extsi %bitcast_convert_type3A_60 : vector<4096x64xi16> to vector<4096x64xi32>
      %slice3A_62 = vector.extract_strided_slice %convert_element_type3A_61 {offsets = [0, 0], sizes = [4096, 32], strides = [1, 1]} : vector<4096x64xi32> to vector<4096x32xi32>
      %and3A_63 = arith.constant 65535 : i32
      %and3A_64 = vector.broadcast %and3A_63 : i32 to vector<4096x32xi32>
      %and3A_65 = arith.andi %slice3A_62, %and3A_64 : vector<4096x32xi32>
      %slice3A_66 = vector.extract_strided_slice %convert_element_type3A_61 {offsets = [0, 32], sizes = [4096, 32], strides = [1, 1]} : vector<4096x64xi32> to vector<4096x32xi32>
      %shift_left3A_67 = arith.constant 16 : i32
      %shift_left3A_68 = vector.broadcast %shift_left3A_67 : i32 to vector<4096x32xi32>
      %shift_left3A_69 = arith.shli %slice3A_66, %shift_left3A_68 : vector<4096x32xi32>
      %or3A_70 = arith.ori %and3A_65, %shift_left3A_69 : vector<4096x32xi32>
      %swap3A_71 = arith.constant 0 : index
      %swap3A_72 = arith.constant 96 : index
      %swap3A_73 = vector.load %arg5[%swap3A_71, %swap3A_72] : memref<4096x128xi32, #tpu.memory_space<vmem>>, vector<4096x32xi32>
      tpu.vector_store %arg5[%swap3A_71, %swap3A_72], %or3A_70 {strides = array<i32>} : memref<4096x128xi32, #tpu.memory_space<vmem>>, vector<4096x32xi32>,
    } else {
    }
    %eq3A = arith.constant 61 : i32
    %eq3A_2 = arith.cmpi eq, %arg0, %eq3A : i32
    %convert_element_type3A_3 = arith.extui %eq3A_2 : i1 to i32
    %cond3A_4 = arith.constant 0 : i32
    %cond3A_5 = arith.cmpi ne, %convert_element_type3A_3, %cond3A_4 : i32
    scf.if %cond3A_5 {
      %get3A = arith.constant 0 : index
      %get3A_6 = arith.constant 0 : index
      %get3A_7 = vector.load %arg1[%get3A, %get3A_6] : memref<64x4096xf32, #tpu.memory_space<vmem>>, vector<64x4096xf32>
      %slice3A = vector.extract_strided_slice %get3A_7 {offsets = [0, 0], sizes = [64, 144], strides = [1, 1]} : vector<64x4096xf32> to vector<64x144xf32>
      %convert_element_type3A_8 = arith.truncf %slice3A : vector<64x144xf32> to vector<64x144xbf16>
      %transpose3A = tpu.transpose %convert_element_type3A_8, [1, 0] : vector<64x144xbf16> -> vector<144x64xbf16>
      %bitcast_convert_type3A = tpu.bitcast %transpose3A : vector<144x64xbf16> -> vector<144x64xi16>
      %convert_element_type3A_9 = arith.extsi %bitcast_convert_type3A : vector<144x64xi16> to vector<144x64xi32>
      %slice3A_10 = vector.extract_strided_slice %convert_element_type3A_9 {offsets = [0, 0], sizes = [144, 32], strides = [1, 1]} : vector<144x64xi32> to vector<144x32xi32>
      %and3A = arith.constant 65535 : i32
      %and3A_11 = vector.broadcast %and3A : i32 to vector<144x32xi32>
      %and3A_12 = arith.andi %slice3A_10, %and3A_11 : vector<144x32xi32>
      %slice3A_13 = vector.extract_strided_slice %convert_element_type3A_9 {offsets = [0, 32], sizes = [144, 32], strides = [1, 1]} : vector<144x64xi32> to vector<144x32xi32>
      %shift_left3A = arith.constant 16 : i32
      %shift_left3A_14 = vector.broadcast %shift_left3A : i32 to vector<144x32xi32>
      %shift_left3A_15 = arith.shli %slice3A_13, %shift_left3A_14 : vector<144x32xi32>
      %or3A = arith.ori %and3A_12, %shift_left3A_15 : vector<144x32xi32>
      %swap3A = arith.constant 0 : index
      %swap3A_16 = arith.constant 0 : index
      %swap3A_17 = vector.load %arg5[%swap3A, %swap3A_16] : memref<4096x128xi32, #tpu.memory_space<vmem>>, vector<144x32xi32>
      tpu.vector_store %arg5[%swap3A, %swap3A_16], %or3A {strides = array<i32>} : memref<4096x128xi32, #tpu.memory_space<vmem>>, vector<144x32xi32>,
      %slice3A_18 = vector.extract_strided_slice %get3A_7 {offsets = [0, 144], sizes = [64, 144], strides = [1, 1]} : vector<64x4096xf32> to vector<64x144xf32>
      %convert_element_type3A_19 = arith.truncf %slice3A_18 : vector<64x144xf32> to vector<64x144xbf16>
      %transpose3A_20 = tpu.transpose %convert_element_type3A_19, [1, 0] : vector<64x144xbf16> -> vector<144x64xbf16>
      %bitcast_convert_type3A_21 = tpu.bitcast %transpose3A_20 : vector<144x64xbf16> -> vector<144x64xi16>
      %convert_element_type3A_22 = arith.extsi %bitcast_convert_type3A_21 : vector<144x64xi16> to vector<144x64xi32>
      %slice3A_23 = vector.extract_strided_slice %convert_element_type3A_22 {offsets = [0, 0], sizes = [144, 32], strides = [1, 1]} : vector<144x64xi32> to vector<144x32xi32>
      %and3A_24 = arith.constant 65535 : i32
      %and3A_25 = vector.broadcast %and3A_24 : i32 to vector<144x32xi32>
      %and3A_26 = arith.andi %slice3A_23, %and3A_25 : vector<144x32xi32>
      %slice3A_27 = vector.extract_strided_slice %convert_element_type3A_22 {offsets = [0, 32], sizes = [144, 32], strides = [1, 1]} : vector<144x64xi32> to vector<144x32xi32>
      %shift_left3A_28 = arith.constant 16 : i32
      %shift_left3A_29 = vector.broadcast %shift_left3A_28 : i32 to vector<144x32xi32>
      %shift_left3A_30 = arith.shli %slice3A_27, %shift_left3A_29 : vector<144x32xi32>
      %or3A_31 = arith.ori %and3A_26, %shift_left3A_30 : vector<144x32xi32>
      %swap3A_32 = arith.constant 0 : index
      %swap3A_33 = arith.constant 32 : index
      %swap3A_34 = vector.load %arg5[%swap3A_32, %swap3A_33] : memref<4096x128xi32, #tpu.memory_space<vmem>>, vector<144x32xi32>
      tpu.vector_store %arg5[%swap3A_32, %swap3A_33], %or3A_31 {strides = array<i32>} : memref<4096x128xi32, #tpu.memory_space<vmem>>, vector<144x32xi32>,
      %slice3A_35 = vector.extract_strided_slice %get3A_7 {offsets = [0, 288], sizes = [64, 144], strides = [1, 1]} : vector<64x4096xf32> to vector<64x144xf32>
      %convert_element_type3A_36 = arith.truncf %slice3A_35 : vector<64x144xf32> to vector<64x144xbf16>
      %transpose3A_37 = tpu.transpose %convert_element_type3A_36, [1, 0] : vector<64x144xbf16> -> vector<144x64xbf16>
      %bitcast_convert_type3A_38 = tpu.bitcast %transpose3A_37 : vector<144x64xbf16> -> vector<144x64xi16>
      %convert_element_type3A_39 = arith.extsi %bitcast_convert_type3A_38 : vector<144x64xi16> to vector<144x64xi32>
      %slice3A_40 = vector.extract_strided_slice %convert_element_type3A_39 {offsets = [0, 0], sizes = [144, 32], strides = [1, 1]} : vector<144x64xi32> to vector<144x32xi32>
      %and3A_41 = arith.constant 65535 : i32
      %and3A_42 = vector.broadcast %and3A_41 : i32 to vector<144x32xi32>
      %and3A_43 = arith.andi %slice3A_40, %and3A_42 : vector<144x32xi32>
      %slice3A_44 = vector.extract_strided_slice %convert_element_type3A_39 {offsets = [0, 32], sizes = [144, 32], strides = [1, 1]} : vector<144x64xi32> to vector<144x32xi32>
      %shift_left3A_45 = arith.constant 16 : i32
      %shift_left3A_46 = vector.broadcast %shift_left3A_45 : i32 to vector<144x32xi32>
      %shift_left3A_47 = arith.shli %slice3A_44, %shift_left3A_46 : vector<144x32xi32>
      %or3A_48 = arith.ori %and3A_43, %shift_left3A_47 : vector<144x32xi32>
      %swap3A_49 = arith.constant 0 : index
      %swap3A_50 = arith.constant 64 : index
      %swap3A_51 = vector.load %arg5[%swap3A_49, %swap3A_50] : memref<4096x128xi32, #tpu.memory_space<vmem>>, vector<144x32xi32>
      tpu.vector_store %arg5[%swap3A_49, %swap3A_50], %or3A_48 {strides = array<i32>} : memref<4096x128xi32, #tpu.memory_space<vmem>>, vector<144x32xi32>,
      %slice3A_52 = vector.extract_strided_slice %get3A_7 {offsets = [0, 432], sizes = [64, 144], strides = [1, 1]} : vector<64x4096xf32> to vector<64x144xf32>
      %convert_element_type3A_53 = arith.truncf %slice3A_52 : vector<64x144xf32> to vector<64x144xbf16>
      %transpose3A_54 = tpu.transpose %convert_element_type3A_53, [1, 0] : vector<64x144xbf16> -> vector<144x64xbf16>
      %bitcast_convert_type3A_55 = tpu.bitcast %transpose3A_54 : vector<144x64xbf16> -> vector<144x64xi16>
      %convert_element_type3A_56 = arith.extsi %bitcast_convert_type3A_55 : vector<144x64xi16> to vector<144x64xi32>
      %slice3A_57 = vector.extract_strided_slice %convert_element_type3A_56 {offsets = [0, 0], sizes = [144, 32], strides = [1, 1]} : vector<144x64xi32> to vector<144x32xi32>
      %and3A_58 = arith.constant 65535 : i32
      %and3A_59 = vector.broadcast %and3A_58 : i32 to vector<144x32xi32>
      %and3A_60 = arith.andi %slice3A_57, %and3A_59 : vector<144x32xi32>
      %slice3A_61 = vector.extract_strided_slice %convert_element_type3A_56 {offsets = [0, 32], sizes = [144, 32], strides = [1, 1]} : vector<144x64xi32> to vector<144x32xi32>
      %shift_left3A_62 = arith.constant 16 : i32
      %shift_left3A_63 = vector.broadcast %shift_left3A_62 : i32 to vector<144x32xi32>
      %shift_left3A_64 = arith.shli %slice3A_61, %shift_left3A_63 : vector<144x32xi32>
      %or3A_65 = arith.ori %and3A_60, %shift_left3A_64 : vector<144x32xi32>
      %swap3A_66 = arith.constant 0 : index
      %swap3A_67 = arith.constant 96 : index
      %swap3A_68 = vector.load %arg5[%swap3A_66, %swap3A_67] : memref<4096x128xi32, #tpu.memory_space<vmem>>, vector<144x32xi32>
      tpu.vector_store %arg5[%swap3A_66, %swap3A_67], %or3A_65 {strides = array<i32>} : memref<4096x128xi32, #tpu.memory_space<vmem>>, vector<144x32xi32>,
    } else {
    }
    return
  }
  func.func @transform_0(%arg0: i32) -> (i32, i32) {
    %mul3A = arith.constant 4 : i32
    %mul3A_0 = arith.muli %mul3A, %arg0 : i32
    %c0_i32 = arith.constant 0 : i32
    %c0_i32_1 = arith.constant 0 : i32
    return %c0_i32, %mul3A_0 : i32, i32
  }
  func.func @transform_1(%arg0: i32) -> (i32, i32) {
    %mul3A = arith.constant 4 : i32
    %mul3A_0 = arith.muli %mul3A, %arg0 : i32
    %add3A = arith.constant 1 : i32
    %add3A_1 = arith.addi %mul3A_0, %add3A : i32
    %min3A = arith.constant 243 : i32
    %min3A_2 = arith.minsi %add3A_1, %min3A : i32
    %c0_i32 = arith.constant 0 : i32
    %c0_i32_3 = arith.constant 0 : i32
    return %c0_i32, %min3A_2 : i32, i32
  }
  func.func @transform_2(%arg0: i32) -> (i32, i32) {
    %mul3A = arith.constant 4 : i32
    %mul3A_0 = arith.muli %mul3A, %arg0 : i32
    %add3A = arith.constant 2 : i32
    %add3A_1 = arith.addi %mul3A_0, %add3A : i32
    %min3A = arith.constant 243 : i32
    %min3A_2 = arith.minsi %add3A_1, %min3A : i32
    %c0_i32 = arith.constant 0 : i32
    %c0_i32_3 = arith.constant 0 : i32
    return %c0_i32, %min3A_2 : i32, i32
  }
  func.func @transform_3(%arg0: i32) -> (i32, i32) {
    %mul3A = arith.constant 4 : i32
    %mul3A_0 = arith.muli %mul3A, %arg0 : i32
    %add3A = arith.constant 3 : i32
    %add3A_1 = arith.addi %mul3A_0, %add3A : i32
    %min3A = arith.constant 243 : i32
    %min3A_2 = arith.minsi %add3A_1, %min3A : i32
    %c0_i32 = arith.constant 0 : i32
    %c0_i32_3 = arith.constant 0 : i32
    return %c0_i32, %min3A_2 : i32, i32
  }
  func.func @transform_4(%arg0: i32) -> (i32, i32) {
    %c0_i32 = arith.constant 0 : i32
    %c0_i32_0 = arith.constant 0 : i32
    return %arg0, %c0_i32 : i32, i32
  }
}

module attributes {stable_mosaic.version = 14 : i64} {
  func.func @body(%arg0: i32, %arg1: memref<1024x64xf32, #tpu.memory_space<vmem>>, %arg2: memref<1024x200xi32, #tpu.memory_space<vmem>>, %arg3: memref<64x128xf32, #tpu.memory_space<vmem>>, %arg4: memref<1x128xf32, #tpu.memory_space<vmem>>, %arg5: memref<1024x128xf32, #tpu.memory_space<vmem>>) attributes {dimension_semantics = [#tpu.dimension_semantics<arbitrary>], iteration_bounds = array<i64: 16>, scalar_prefetch = 0 : i64, scratch_operands = 0 : i64, tpu.core_type = #tpu.core_type<tc>, window_params = [{transform_indices = @transform_0, window_bounds = array<i64: 1024, 64>}, {transform_indices = @transform_1, window_bounds = array<i64: 1024, 200>}, {pipeline_mode = #tpu.pipeline_mode<synchronous>, transform_indices = @transform_2, window_bounds = array<i64: 64, 128>}, {pipeline_mode = #tpu.pipeline_mode<synchronous>, transform_indices = @transform_3, window_bounds = array<i64: 1, 128>}, {transform_indices = @transform_4, window_bounds = array<i64: 1024, 128>}]} {
    %get3A = arith.constant 0 : index
    %get3A_0 = arith.constant 0 : index
    %get3A_1 = vector.load %arg2[%get3A, %get3A_0] : memref<1024x200xi32, #tpu.memory_space<vmem>>, vector<1024x200xi32>
    %ne3A = arith.constant 0 : i32
    %ne3A_2 = vector.broadcast %ne3A : i32 to vector<1024x200xi32>
    %ne3A_3 = arith.cmpi ne, %get3A_1, %ne3A_2 : vector<1024x200xi32>
    %convert_element_type3A = arith.extui %ne3A_3 : vector<1024x200xi1> to vector<1024x200xi32>
    %convert_element_type3A_4 = arith.sitofp %convert_element_type3A : vector<1024x200xi32> to vector<1024x200xf32>
    %reduce_sum3A = arith.constant dense<0.000000e+00> : vector<1024xf32>
    %reduce_sum3A_5 = vector.multi_reduction <add>, %convert_element_type3A_4, %reduce_sum3A [1] : vector<1024x200xf32> to vector<1024xf32>
    %broadcast_in_dim3A = vector.shape_cast %reduce_sum3A_5 : vector<1024xf32> to vector<1024x1xf32>
    %get3A_6 = arith.constant 0 : index
    %get3A_7 = arith.constant 0 : index
    %get3A_8 = vector.load %arg1[%get3A_6, %get3A_7] : memref<1024x64xf32, #tpu.memory_space<vmem>>, vector<1024x64xf32>
    %max3A = arith.constant 1.000000e+00 : f32
    %max3A_9 = vector.broadcast %max3A : f32 to vector<1024x1xf32>
    %max3A_10 = arith.maximumf %broadcast_in_dim3A, %max3A_9 : vector<1024x1xf32>
    %div3A = vector.broadcast %max3A_10 : vector<1024x1xf32> to vector<1024x64xf32>
    %div3A_11 = arith.divf %get3A_8, %div3A : vector<1024x64xf32>
    %get3A_12 = arith.constant 0 : index
    %get3A_13 = arith.constant 0 : index
    %get3A_14 = vector.load %arg3[%get3A_12, %get3A_13] : memref<64x128xf32, #tpu.memory_space<vmem>>, vector<64x128xf32>
    %dot_general3A = arith.constant dense<0.000000e+00> : vector<1024x128xf32>
    %dot_general3A_15 = tpu.matmul %div3A_11, %get3A_14, %dot_general3A {dimension_numbers = #tpu.dot_dimension_numbers<[1], [0], [0], [1], [0, 0, 1, 1], [], []>, transpose_lhs_hint = false} : vector<1024x64xf32>, vector<64x128xf32>, vector<1024x128xf32> -> vector<1024x128xf32>
    %get3A_16 = arith.constant 0 : index
    %get3A_17 = arith.constant 0 : index
    %get3A_18 = vector.load %arg4[%get3A_16, %get3A_17] : memref<1x128xf32, #tpu.memory_space<vmem>>, vector<1x128xf32>
    %add3A = vector.broadcast %get3A_18 : vector<1x128xf32> to vector<1024x128xf32>
    %add3A_19 = arith.addf %dot_general3A_15, %add3A : vector<1024x128xf32>
    %swap3A = arith.constant 0 : index
    %swap3A_20 = arith.constant 0 : index
    %swap3A_21 = vector.load %arg5[%swap3A, %swap3A_20] : memref<1024x128xf32, #tpu.memory_space<vmem>>, vector<1024x128xf32>
    tpu.vector_store %arg5[%swap3A, %swap3A_20], %add3A_19 {strides = array<i32>} : memref<1024x128xf32, #tpu.memory_space<vmem>>, vector<1024x128xf32>,
    return
  }
  func.func @transform_0(%arg0: i32) -> (i32, i32) {
    %c0_i32 = arith.constant 0 : i32
    %c0_i32_0 = arith.constant 0 : i32
    return %arg0, %c0_i32 : i32, i32
  }
  func.func @transform_1(%arg0: i32) -> (i32, i32) {
    %c0_i32 = arith.constant 0 : i32
    %c0_i32_0 = arith.constant 0 : i32
    return %arg0, %c0_i32 : i32, i32
  }
  func.func @transform_2(%arg0: i32) -> (i32, i32) {
    %c0_i32 = arith.constant 0 : i32
    %c0_i32_0 = arith.constant 0 : i32
    %c0_i32_1 = arith.constant 0 : i32
    return %c0_i32, %c0_i32_0 : i32, i32
  }
  func.func @transform_3(%arg0: i32) -> (i32, i32) {
    %c0_i32 = arith.constant 0 : i32
    %c0_i32_0 = arith.constant 0 : i32
    %c0_i32_1 = arith.constant 0 : i32
    return %c0_i32, %c0_i32_0 : i32, i32
  }
  func.func @transform_4(%arg0: i32) -> (i32, i32) {
    %c0_i32 = arith.constant 0 : i32
    %c0_i32_0 = arith.constant 0 : i32
    return %arg0, %c0_i32 : i32, i32
  }
}

</mosaic_0001>

<sc_bundles>
// kernel: kernel.5.cloned.1.call-start
scs
__scs_entry_jumppad:
0x0: {  	(pc) =	sbr.rel $0x88, $3  }
0x1: {  	(tag) =	ssettag $0x0;
	lr =	simm.s32 $0x1  }
0x2: {  	[smem:$0x3F9D] =	sst lr;
	_ =	strace $0xD0000000  }
0x3: {  	_ = 	snop  }
0x4: {  	_ = 	snop  }
0x5: {  	_ = 	snop  }
0x6: {  	_ = 	snop  }
0x7: {  	_ = 	snop  }
__scs_overlays_trampoline_lowered:
0x8: {  	[smem:$0x3FAC] =	sst s0  }
0x9: {  	[smem:$0x3FAD] =	sst s1  }
0xa: {  	[smem:$0x3FAE] =	sst s2  }
0xb: {  	[smem:$0x3FAF] =	sst s3  }
0xc: {  	[smem:$0x3FB0] =	sst s4  }
0xd: {  	[smem:$0x3FB1] =	sst s5  }
0xe: {  	[smem:$0x3FB2] =	sst s6  }
0xf: {  	[smem:$0x3FB3] =	sst s7  }
0x10: {  	[smem:$0x3FB4] =	sst s8  }
0x11: {  	[smem:$0x3FB5] =	sst s9;
	s0 =	simm.s32 @!p0 $0x0  }
0x12: {  	s1 =	sld [smem:$0x3F9B];
	s0 =	simm.s32 @p0 $0x1  }
0x13: {  	[smem:$0x3FB6] =	sst s0;
	s0 =	simm.s32 @!p1 $0x0  }
0x14: {  	s2 =	sld [smem:$0x3F9A];
	s0 =	simm.s32 @p1 $0x1  }
0x15: {  	[smem:$0x3FB7] =	sst s0;
	s0 =	simm.s32 @!p2 $0x0  }
0x16: {  	s3 =	sld [smem:$0x3FDB];
	s0 =	simm.s32 @p2 $0x1  }
0x17: {  	s4 =	simm.s32 $0x1BF5;
	[smem:$0x3FB9] =	sst s0  }
0x18: {  	s0 =	sld [smem:$0x3F9C];
	_ =	swait.ge [sflag:s4], $0x0  }
0x19: {  	s7 =	sld [smem:$0x3F9D]  }
0x1a: {  	s8 =	sadd.s32 $0xFFFFE003, lr  }
0x1b: {  	s9 =	sadd.s32 $0xFFFFFEF7, lr;
	s5 =	simm.s32 $0xFFFFFFFF;
	p2 =	slt.u32 s8, $0xFFFFF086  }
0x1c: {  	p1 =	slt.u32 s9, $0xF7A;
	s5 =	simm.s32 @!p2 $0x0  }
0x1d: {  	s5 =	simm.s32 @p1 $0x1;
	p0 =	seq.s32 s7, s2  }
0x1e: {  	s7 =	smul.u32 @!p0 $0xF7A, s2;
	p2 =	seq.s32 @!p0 s5, $0x0  }
0x1f: {  	s9 =	smul.u32 $0xF7A, s1;
	s8 =	simm.s32 @!p0 $0x1BF5;
	p2 =	por !p2, p0  }
0x20: {  	[sflag:s8] =	ssyncset.s32 @!p0 $0xFFFFF086;
	s6 =	sadd.s32 @!p0 s3, s7;
	s7 =	simm.s32 @!p0 $0x108  }
0x21: {  	s3 =	sadd.s32 s3, s9;
	s6 =	sadd.s32 @!p0 $0x88, s6;
	s7 =	simm.s32 @p2 $0x1082  }
0x22: {  	[simem:s7], [sflag:s8] =	dma.local @!p0 [hbm:s6], $0xF7A  }
0x23: {  	s9 =	sor.u32 $0xD0000000, s2;
	s6 =	simm.s32 $0x108;
	_ =	swait.ge @!p0 [sflag:s8], $0x0  }
0x24: {  	s3 =	sadd.s32 $0x88, s3;
	s6 =	simm.s32 @!p1 $0x1082;
	[sflag:s4] =	ssyncset.s32 $0xFFFFF086  }
0x25: {  	[simem:s6], [sflag:s4] =	dma.local [hbm:s3], $0xF7A  }
0x26: {  	[smem:$0x3F9D] =	sst s1;
	(tag) =	ssettag s2;
	_ =	strace s9  }
0x27: {  	s1 =	sld [smem:$0x3FAD]  }
0x28: {  	s2 =	sld [smem:$0x3FAE]  }
0x29: {  	s4 =	sld [smem:$0x3FB0]  }
0x2a: {  	p0 =	seq.s32 s5, $0x0;
	s5 =	sld [smem:$0x3FB1]  }
0x2b: {  	s6 =	sld [smem:$0x3FB2]  }
0x2c: {  	s7 =	sld [smem:$0x3FB3]  }
0x2d: {  	s3 =	simm.s32 $0x108;
	s8 =	sld [smem:$0x3FB4]  }
0x2e: {  	s3 =	simm.s32 @!p0 $0x1082;
	s9 =	sld [smem:$0x3FB5]  }
0x2f: {  	lr =	sadd.s32 s0, s3;
	s0 =	sld [smem:$0x3FAC]  }
0x30: {  	s3 =	sld [smem:$0x3FAF]  }
0x31: {  	[smem:$0x3FB8] =	sst s10  }
0x32: {  	s10 =	sld [smem:$0x3FB6];
	_ =	sdelay $0x3  }
0x33: {  	p0 =	seq.s32 s10, $0x1;
	s10 =	sld [smem:$0x3FB8];
	_ =	sdelay $0x3  }
0x34: {  	[smem:$0x3FB8] =	sst s10  }
0x35: {  	s10 =	sld [smem:$0x3FB7];
	_ =	sdelay $0x3  }
0x36: {  	p1 =	seq.s32 s10, $0x1;
	s10 =	sld [smem:$0x3FB8];
	_ =	sdelay $0x3  }
0x37: {  	[smem:$0x3FB8] =	sst s10  }
0x38: {  	s10 =	sld [smem:$0x3FB9]  }
0x39: {  	_ = 	snop;
	(pc) =	sbr.ind lr, $3  }
0x3a: {  	_ = 	snop  }
0x3b: {  	_ = 	snop  }
0x3c: {  	p2 =	seq.s32 s10, $0x1;
	s10 =	sld [smem:$0x3FB8]  }
0x3d: {  	_ =	shalt  }
0x3e: {  	_ =	shalt  }
0x3f: {  	_ =	shalt  }
0x40: {  	_ =	shalt  }
0x41: {  	_ =	shalt  }
0x42: {  	_ =	shalt  }
0x43: {  	_ =	shalt  }
0x44: {  	_ =	shalt  }
0x45: {  	_ =	shalt  }
0x46: {  	_ =	shalt  }
0x47: {  	_ =	shalt  }
0x48: {  	_ =	shalt  }
0x49: {  	_ =	shalt  }
0x4a: {  	_ =	shalt  }
0x4b: {  	_ =	shalt  }
0x4c: {  	_ =	shalt  }
0x4d: {  	_ =	shalt  }
0x4e: {  	_ =	shalt  }
0x4f: {  	_ =	shalt  }
0x50: {  	_ =	shalt  }
0x51: {  	_ =	shalt  }
0x52: {  	_ =	shalt  }
0x53: {  	_ =	shalt  }
0x54: {  	_ =	shalt  }
0x55: {  	_ =	shalt  }
0x56: {  	_ =	shalt  }
0x57: {  	_ =	shalt  }
0x58: {  	_ =	shalt  }
0x59: {  	_ =	shalt  }
0x5a: {  	_ =	shalt  }
0x5b: {  	_ =	shalt  }
0x5c: {  	_ =	shalt  }
0x5d: {  	_ =	shalt  }
0x5e: {  	_ =	shalt  }
0x5f: {  	_ =	shalt  }
0x60: {  	_ =	shalt  }
0x61: {  	_ =	shalt  }
0x62: {  	_ =	shalt  }
0x63: {  	_ =	shalt  }
0x64: {  	_ =	shalt  }
0x65: {  	_ =	shalt  }
0x66: {  	_ =	shalt  }
0x67: {  	_ =	shalt  }
0x68: {  	_ =	shalt  }
0x69: {  	_ =	shalt  }
0x6a: {  	_ =	shalt  }
0x6b: {  	_ =	shalt  }
0x6c: {  	_ =	shalt  }
0x6d: {  	_ =	shalt  }
0x6e: {  	_ =	shalt  }
0x6f: {  	_ =	shalt  }
0x70: {  	_ =	shalt  }
0x71: {  	_ =	shalt  }
0x72: {  	_ =	shalt  }
0x73: {  	_ =	shalt  }
0x74: {  	_ =	shalt  }
0x75: {  	_ =	shalt  }
0x76: {  	_ =	shalt  }
0x77: {  	_ =	shalt  }
0x78: {  	_ =	shalt  }
0x79: {  	_ =	shalt  }
0x7a: {  	_ =	shalt  }
0x7b: {  	_ =	shalt  }
0x7c: {  	_ =	shalt  }
0x7d: {  	_ =	shalt  }
0x7e: {  	_ =	shalt  }
0x7f: {  	_ =	shalt  }
0x80: {  	_ =	shalt  }
0x81: {  	_ =	shalt  }
0x82: {  	_ =	shalt  }
0x83: {  	_ =	shalt  }
0x84: {  	_ =	shalt  }
0x85: {  	_ =	shalt  }
0x86: {  	_ =	shalt  }
0x87: {  	_ =	shalt  }
.Lfunc_end0:
.L_simem_size_0:
called_computation_lowered:
.L_overlay_start_0:
0x88: {  	s2 =	sld [smem:$0x3FD9]  }
0x89: {  	s3 =	sld [smem:$0x3FFE];
	_ =	sdelay $0x1  }
0x8a: {  	s1 =	srdreg.scid  }
0x8b: {  	s0 =	sand.u32 $0x1, s1  }
0x8c: {  	s17 =	sshll.u32 s0, $0xA;
	s2 =	sadd.s32 s3, s2  }
0x8d: {  	s2 =	sadd.s32 s2, s17  }
0x8e: {  	[smem:$0x3FC4] =	sst s2  }
0x8f: {  	_ = 	snop  }
0x90: {  	s2 =	sld [smem:$0x3FD0];
	(tm) =	ssettm $0x1  }
0x91: {  	s18 =	sld [smem:$0x3FFB];
	_ =	sdelay $0x3  }
0x92: {  	_ =	strace s18  }
0x93: {  	s3 =	sld [smem:$0x3FFC];
	_ =	sdelay $0x3  }
0x94: {  	_ =	strace s3  }
0x95: {  	s3 =	sld [smem:$0x3FFD];
	_ =	sdelay $0x3  }
0x96: {  	_ =	strace s3  }
0x97: {  	_ =	strace $0x8FFFFFFF  }
0x98: {  	s19 =	sld [smem:$0x3FDB];
	_ =	sdelay $0x1  }
0x99: {  	s4 =	simm.s32 $_scs_section_size  }
0x9a: {  	s5 =	simm.s32 $_size__tile_overlayer_lowered;
	s6 =	simm.s32 $_tile_overlayer_lowered  }
0x9b: {  	s22 =	simm.s32 $0x1BFF;
	s21 =	sshll.u32 s6, $0x1;
	s3 =	sadd.s32 s4, s19  }
0x9c: {  	s7 =	simm.s32 $0x0;
	s20 =	sshll.u32 s5, $0x1;
	s5 =	sadd.s32 s21, s3  }
0x9d: {  	[timem:s7], [sflag:s22] =	dma.local [hbm:s5], s20  }
0x9e: {  	_ =	swait.ge [sflag:s22], s20  }
0x9f: {  	s4 =	ssub.s32 $0x0, s20;
	[sflag:s22] =	ssyncset.done $0x0  }
0xa0: {  	[sflag:s22] =	ssyncadd.s32 s4;
	_ =	sdelay $0x1  }
0xa1: {  	s23 =	simm.s32 $0x1B8B  }
0xa2: {  	_ =	swait.ge [sflag:s23], $0x1  }
0xa3: {  	[sflag:s23] =	ssyncset.done $0x0  }
0xa4: {  	s25 =	simm.s32 $0x1B8E;
	s24 =	sld [smem:$0x3FFE];
	[sflag:s23] =	ssyncadd.s32 $0xFFFFFFFF  }
0xa5: {  	s26 =	simm.s32 $execute0_lowered;
	[smem:$0x3FD2] =	sst s25  }
0xa6: {  	s5 =	sshll.u32 s26, $0x1;
	_ =	strace $0x80000046;
	[dreg:$0x1] =	wrdreg $0xFFFFFFFF  }
0xa7: {  	s28 =	simm.s32 $_size_execute0_lowered;
	s3 =	sadd.s32 s3, s5;
	[dreg:$0x0] =	wrdreg $0x0  }
0xa8: {  	s5 =	sshll.u32 s28, $0x1;
	[dreg:$0x2] =	wrdreg s3  }
0xa9: {  	[dreg:$0x3] =	wrdreg s5  }
0xaa: {  	[dreg:$0x4] =	wrdreg $0xC0  }
0xab: {  	_ =	task [dreg:s7], $0x5FFFF  }
0xac: {  	[dreg:$0x1] =	wrdreg $0xFFFFFFFF  }
0xad: {  	[dreg:$0x0] =	wrdreg $0x60  }
0xae: {  	[dreg:$0x2] =	wrdreg s24  }
0xaf: {  	[dreg:$0x3] =	wrdreg s2  }
0xb0: {  	[dreg:$0x4] =	wrdreg $0x9  }
0xb1: {  	_ =	task.clear_ibuf [dreg:s7], $0x5FFFF;
	_ =	strace $0x90000046  }
0xb2: {  	s29 =	simm.s32 $0x9;
	_ =	strace $0x80000048  }
0xb3: {  	_ =	swait.ge [sflag:s29], $0x1  }
0xb4: {  	[sflag:s29] =	ssyncadd.s32 $0xFFFFFFFF  }
0xb5: {  	_ =	strace $0x90000048  }
0xb6: {  	_ =	sfence  }
0xb7: {  	s30 =	sld [smem:$0x0];
	_ =	sdelay $0x2  }
0xb8: {  	s31 =	sshll.u32 s1, $0xD;
	s1 =	sshrl.u32 s1, $0x2  }
0xb9: {  	s3 =	sand.u32 $0x4000, s31;
	s1 =	sadd.s32 s1, s30  }
0xba: {  	s0 =	sor.u32 s3, s0;
	s1 =	sshll.u32 s1, $0x11  }
0xbb: {  	s0 =	sor.u32 s1, s0  }
0xbc: {  	s0 =	sadd.s32 $0x8F2B, s0  }
0xbd: {  	[sflag:s0] =	ssyncadd.remote.s32 $0x1  }
0xbe: {  	_ =	sfence.sel $0xFFFF  }
0xbf: {  	[dreg:$0x0] =	wrdreg $0xFFFFFFFF;
	(pc) =	sbr.abs _section_cstart, $3  }
0xc0: {  	[dreg:$0x1] =	wrdreg $0xFFFFFFFF  }
0xc1: {  	_ =	task.clear_ibuf [dreg:s7], $0x2FFFF;
	_ =	strace $0x9FFFFFFF  }
0xc2: {  	(tm) =	ssettm $0x7FFFFFFF  }
0xc3: {  	_ =	shalt  }
tec
execute0_lowered:
.L_overlay_start_1:
0x0: {  	(tag) =	ssettag $0x1  }
0x1: {  	s0 =	rddreg [dreg:$0x0];
	s2 =	simm.s32 $0x0;
	s1 =	srdreg.scid  }
0x2: {  	s5 =	stileid.u32;
	s8 =	simm.s32 $0x9;
	s9 =	simm.s32 $0x64  }
0x3: {  	s16 =	simm.s32 $0x5980;
	s17 =	simm.s32 $0x1A0;
	s18 =	simm.s32 $0x6600  }
0x4: {  	s19 =	simm.s32 $0x208;
	s20 =	simm.s32 $0x7280;
	s21 =	simm.s32 $0x270  }
0x5: {  	s22 =	simm.s32 $0x7F00;
	s23 =	simm.s32 $0x2D8;
	s28 =	simm.s32 $0x3  }
0x6: {  	s29 =	simm.s32 $0x4;
	s30 =	simm.s32 $0x5;
	s31 =	simm.s32 $0x6  }
0x7: {  	s7 =	simm.s32 $0x9800;
	[smem:$0x7FF] =	sst s2;
	s1 =	sand.u32 $0x1, s1  }
0x8: {  	s4 =	sadd.s32 $0xC00, s0;
	s25 =	sshll.u32 s5, $0xB;
	s5 =	sadd.s32 $0x68C00, s0  }
.Ltmp0:
0x9: {  	s0 =	simm.s32 $0x7;
	s24 =	ssub.s32 $0x2, s1;
	(pc) =	sbr.rel .LBB2_1-.Ltmp0, $4  }
0xa: {  	_ =	strace $0x80000047;
	s1 =	sshll.u32 s1, $0xA;
	s3 =	sshrl.u32 s24, $0x1  }
0xb: {  	s6 =	sor.u32 s1, s25;
	s25 =	simm.s32 $0x1;
	s2 =	ssub.s32 s24, s3  }
0xc: {  	s24 =	simm.s32 $0x8B80;
	s3 =	simm.s32 $0x8;
	s26 =	smax.u32 s2, $0x1  }
0xd: {  	s2 =	simm.s32 $0x0;
	[dreg:$0x3] =	wrdreg s26;
	s26 =	simm.s32 $0x2  }
.LBB2_22:
0xe: {  	s2 =	rddreg [dreg:$0x4]  }
0xf: {  	s1 =	rddreg [dreg:$0x3];
	s2 =	sadd.s32 $0x1, s2  }
0x10: {  	p0 =	sne.s32 s2, s1  }
.Ltmp1:
0x11: {  	_ = 	snop;
	(pc) =	sbr.rel @!p0 .LBB2_23-.Ltmp1, $1  }
0x12: {  	_ =	sdelay $0x3  }
.LBB2_1:
.Ltmp2:
0x13: {  	(pc) =	sbr.rel .LBB2_2-.Ltmp2, $2  }
0x14: {  	_ =	sdelay $0x2  }
0x15: {  	[dreg:$0x4] =	wrdreg s2;
	s1 =	simm.s32 $0x0  }
.LBB2_21:
0x16: {  	[tilespmem:s11+$0x98C0] =	vst v3  }
0x17: {  	[tilespmem:s11+$0x98D0] =	vst v1;
	s1 =	sadd.s32 $0x1, s1  }
0x18: {  	[tilespmem:s11+$0x98E0] =	vst v2;
	s2 =	sshll.u32 s2, $0x2;
	s10 =	rddreg [dreg:$0x1];
	p0 =	sne.s32 s1, $0x8  }
.Ltmp3:
0x19: {  	[tilespmem:s11+$0x98F0] =	vst v0;
	s15 =	simm.s32 $0x0;
	s2 =	sadd.s32 s10, s2;
	(pc) =	sbr.rel @!p0 .LBB2_22-.Ltmp3, $4  }
0x1a: {  	[hbm4b:s2+s15] =	stream.linear.scatter [tilespmem:s7], [sflag:$0x9], $0x1000, $0x38;
	[tilespmem:$0xA800] =	vst v63  }
0x1b: {  	_ =	swait.ge [sflag:s8], $0x1000  }
0x1c: {  	[sflag:s8] =	ssyncset.done $0x0  }
0x1d: {  	[sflag:s8] =	ssyncadd.s32 $0xFFFFF000  }
.LBB2_2:
0x1e: {  	s2 =	sshll.u32 s1, $0x7  }
0x1f: {  	s2 =	sadd.s32 s6, s2  }
0x20: {  	s10 =	smul.u32 $0xD, s2;
	_ =	sdelay $0x1  }
0x21: {  	s11 =	sadd.s32 s4, s10;
	s10 =	simm.s32 $0x0  }
0x22: {  	[tilespmem:s10], [sflag:$0x9] =	stream.linear.gather [hbm4b:s11+s10], $0x3400, $0x38;
	[tilespmem:$0xA800] =	vst v63  }
0x23: {  	_ =	swait.ge [sflag:s8], $0x3400  }
0x24: {  	[sflag:s8] =	ssyncset.done $0x0  }
0x25: {  	s14 =	simm.s32 $0x3400;
	[sflag:s8] =	ssyncadd.s32 $0xFFFFCC00  }
0x26: {  	[tilespmem:s14], [sflag:$0x1] =	stream.indirect.gather [hbm4b:s5+s9], $0x20, s10, s9, $0xb8;
	[tilespmem:$0xA800] =	vst v63  }
0x27: {  	s15 =	simm.s32 $0x68;
	s12 =	simm.s32 $0x4080  }
0x28: {  	[tilespmem:s12], [sflag:$0x2] =	stream.indirect.gather [hbm4b:s5+s9], $0x20, s15, s9, $0xb8;
	[tilespmem:$0xA800] =	vst v63  }
0x29: {  	s13 =	simm.s32 $0xD0;
	s14 =	simm.s32 $0x4D00  }
0x2a: {  	[tilespmem:s14], [sflag:$0x3] =	stream.indirect.gather [hbm4b:s5+s9], $0x20, s13, s9, $0xb8;
	[tilespmem:$0xA800] =	vst v63  }
0x2b: {  	s15 =	simm.s32 $0x138  }
0x2c: {  	[tilespmem:s16], [sflag:$0x4] =	stream.indirect.gather [hbm4b:s5+s9], $0x20, s15, s9, $0xb8;
	[tilespmem:$0xA800] =	vst v63  }
0x2d: {  	_ = 	snop  }
0x2e: {  	[tilespmem:s18], [sflag:$0x5] =	stream.indirect.gather [hbm4b:s5+s9], $0x20, s17, s9, $0xb8;
	[tilespmem:$0xA800] =	vst v63  }
0x2f: {  	_ = 	snop  }
0x30: {  	[tilespmem:s20], [sflag:$0x6] =	stream.indirect.gather [hbm4b:s5+s9], $0x20, s19, s9, $0xb8;
	[tilespmem:$0xA800] =	vst v63  }
0x31: {  	_ = 	snop  }
0x32: {  	[tilespmem:s22], [sflag:$0x7] =	stream.indirect.gather [hbm4b:s5+s9], $0x20, s21, s9, $0xb8;
	[tilespmem:$0xA800] =	vst v63  }
0x33: {  	_ = 	snop  }
0x34: {  	[tilespmem:s24], [sflag:$0x8] =	stream.indirect.gather [hbm4b:s5+s9], $0x20, s23, s9, $0xb8;
	[tilespmem:$0xA800] =	vst v63  }
.LBB2_3:
0x35: {  	_ =	swait.ge [sflag:s25], $0xC80  }
0x36: {  	[sflag:s25] =	ssyncset.done $0x0  }
0x37: {  	s12 =	simm.s32 $0x0;
	[sflag:s25] =	ssyncadd.s32 $0xFFFFF380  }
0x38: {  	v1 =	vld [tilespmem:s12+$0x3460]  }
0x39: {  	v2 =	vld [tilespmem:s12+$0x3440]  }
0x3a: {  	v3 =	vld [tilespmem:s12+$0x3420]  }
0x3b: {  	v4 =	vld [tilespmem:s12+$0x3400]  }
0x3c: {  	v5 =	vld [tilespmem:s12+$0x3410];
	_ =	sdelay $0x1  }
0x3d: {  	v6 =	vimm.f32 $0.0e+00;
	v8 =	vld [tilespmem:s12+$0x3430]  }
0x3e: {  	v9 =	vshll.u32 v2, $0x10;
	v0 =	vshll.u32 v1, $0x10;
	v1 =	vand.u32 $0xFFFF0000, v1  }
0x3f: {  	v13 =	vld [tilespmem:s12+$0x3450];
	v10 =	vshll.u32 v3, $0x10;
	v11 =	vand.u32 $0xFFFF0000, v3;
	v12 =	vand.u32 $0xFFFF0000, v2  }
0x40: {  	v2 =	vshll.u32 v4, $0x10;
	v3 =	vand.u32 $0xFFFF0000, v4;
	v4 =	vshll.u32 v5, $0x10  }
0x41: {  	s11 =	simm.s32 $0x80;
	v7 =	vld [tilespmem:s12+$0x3470];
	v14 =	vadd.f32 v2, v6;
	v15 =	vadd.f32 v3, v6;
	v2 =	vand.u32 $0xFFFF0000, v5  }
0x42: {  	v16 =	vshll.u32 v8, $0x10;
	v3 =	vld [tilespmem:s11+$0x3460];
	v4 =	vadd.f32 v4, v6;
	v6 =	vadd.f32 v2, v6  }
0x43: {  	v8 =	vand.u32 $0xFFFF0000, v8;
	v5 =	vld [tilespmem:s11+$0x3420];
	v10 =	vadd.f32 v10, v14;
	v11 =	vadd.f32 v11, v15  }
0x44: {  	v63 =	vshll.u32 v13, $0x10;
	v2 =	vld [tilespmem:s11+$0x3440];
	v14 =	vadd.f32 v16, v4;
	v15 =	vadd.f32 v8, v6  }
0x45: {  	v4 =	vld [tilespmem:s11+$0x3410];
	v8 =	vadd.f32 v9, v10;
	v9 =	vadd.f32 v12, v11;
	v11 =	vand.u32 $0xFFFF0000, v13  }
0x46: {  	s12 =	simm.s32 $0x400;
	v6 =	vld [tilespmem:s11+$0x3400];
	v10 =	vadd.f32 v63, v14;
	v12 =	vshll.u32 v7, $0x10;
	v11 =	vadd.f32 v11, v15  }
.LBB2_4:
0x47: {  	p0 =	sne.s32 s12, $0x3000;
	v8 =	vadd.f32 v0, v8;
	v9 =	vadd.f32 v1, v9;
	v0 =	vand.u32 $0xFFFF0000, v7  }
0x48: {  	v13 =	vld [tilespmem:s11+$0x3430];
	v10 =	vadd.f32 v12, v10;
	v11 =	vadd.f32 v0, v11  }
0x49: {  	v1 =	vand.u32 $0xFFFF0000, v3;
	v12 =	vshll.u32 v2, $0x10;
	v0 =	vshll.u32 v3, $0x10  }
0x4a: {  	v15 =	vand.u32 $0xFFFF0000, v2;
	v14 =	vshll.u32 v5, $0x10;
	v5 =	vand.u32 $0xFFFF0000, v5;
	v16 =	vld [tilespmem:s11+$0x3450]  }
0x4b: {  	v2 =	vshll.u32 v6, $0x10;
	v3 =	vand.u32 $0xFFFF0000, v6;
	v6 =	vshll.u32 v4, $0x10  }
0x4c: {  	v8 =	vadd.f32 v2, v8;
	v9 =	vadd.f32 v3, v9;
	v2 =	vand.u32 $0xFFFF0000, v4;
	v7 =	vld [tilespmem:s11+$0x3470];
	s11 =	sshra.s32 s12, $0x2  }
.Ltmp4:
0x4d: {  	v4 =	vadd.f32 v6, v10;
	v6 =	vadd.f32 v2, v11;
	v3 =	vld [tilespmem:s11+$0x3460];
	v10 =	vshll.u32 v13, $0x10;
	(pc) =	sbr.rel @p0 .LBB2_4-.Ltmp4, $4  }
0x4e: {  	v8 =	vadd.f32 v14, v8;
	v9 =	vadd.f32 v5, v9;
	v11 =	vand.u32 $0xFFFF0000, v13;
	v2 =	vld [tilespmem:s11+$0x3440]  }
0x4f: {  	v10 =	vadd.f32 v10, v4;
	v11 =	vadd.f32 v11, v6;
	v5 =	vld [tilespmem:s11+$0x3420];
	v13 =	vshll.u32 v16, $0x10  }
0x50: {  	v8 =	vadd.f32 v12, v8;
	v9 =	vadd.f32 v15, v9;
	v12 =	vand.u32 $0xFFFF0000, v16;
	v6 =	vld [tilespmem:s11+$0x3400]  }
0x51: {  	s12 =	sadd.s32 $0x200, s12;
	v10 =	vadd.f32 v13, v10;
	v11 =	vadd.f32 v12, v11;
	v4 =	vld [tilespmem:s11+$0x3410];
	v12 =	vshll.u32 v7, $0x10  }
0x52: {  	p0 =	seq.s32 s10, $0xF  }
0x53: {  	s12 =	smul.u32 @!p0 $0xD00, s10  }
0x54: {  	v13 =	vld [tilespmem:s11+$0x3430]  }
0x55: {  	v0 =	vadd.f32 v0, v8;
	v1 =	vadd.f32 v1, v9;
	v7 =	vand.u32 $0xFFFF0000, v7;
	v8 =	vld [tilespmem:s11+$0x3450];
	s12 =	sshra.s32 @!p0 s12, $0x2  }
0x56: {  	v9 =	vadd.f32 v12, v10;
	v7 =	vadd.f32 v7, v11;
	v10 =	vld [tilespmem:s11+$0x3470];
	s13 =	simm.s32 @!p0 $0x64;
	s14 =	simm.s32 @!p0 $0x3400;
	s11 =	sadd.s32 @!p0 $0x340, s12  }
0x57: {  	v11 =	vshll.u32 v2, $0x10;
	v12 =	vshll.u32 v3, $0x10;
	v3 =	vand.u32 $0xFFFF0000, v3;
	[tilespmem:s14], [sflag:$0x1] =	stream.indirect.gather @!p0 [hbm4b:s5+s13], $0x20, s11, s13, $0xb8;
	[tilespmem:$0xA800] =	vst v63  }
0x58: {  	v2 =	vand.u32 $0xFFFF0000, v2;
	v14 =	vshll.u32 v5, $0x10;
	v15 =	vshll.u32 v6, $0x10;
	_ =	swait.ge [sflag:s26], $0xC80  }
0x59: {  	v5 =	vand.u32 $0xFFFF0000, v5;
	v6 =	vand.u32 $0xFFFF0000, v6;
	v0 =	vadd.f32 v15, v0;
	[sflag:s26] =	ssyncset.done $0x0  }
0x5a: {  	s15 =	simm.s32 $0x0;
	v15 =	vshll.u32 v4, $0x10;
	v1 =	vadd.f32 v6, v1;
	v4 =	vand.u32 $0xFFFF0000, v4;
	[sflag:s26] =	ssyncadd.s32 $0xFFFFF380  }
0x5b: {  	v6 =	vadd.f32 v15, v9;
	v4 =	vadd.f32 v4, v7;
	v7 =	vshll.u32 v13, $0x10;
	v9 =	vld [tilespmem:s15+$0x40E0]  }
0x5c: {  	v0 =	vadd.f32 v14, v0;
	v1 =	vadd.f32 v5, v1;
	v5 =	vand.u32 $0xFFFF0000, v13;
	v13 =	vld [tilespmem:s15+$0x40C0]  }
0x5d: {  	v6 =	vadd.f32 v7, v6;
	v4 =	vadd.f32 v5, v4;
	v5 =	vshll.u32 v8, $0x10;
	v7 =	vld [tilespmem:s15+$0x40A0]  }
0x5e: {  	v0 =	vadd.f32 v11, v0;
	v1 =	vadd.f32 v2, v1;
	v2 =	vand.u32 $0xFFFF0000, v8;
	v8 =	vld [tilespmem:s15+$0x4080]  }
0x5f: {  	v5 =	vadd.f32 v5, v6;
	v2 =	vadd.f32 v2, v4;
	v4 =	vshll.u32 v10, $0x10;
	v6 =	vld [tilespmem:s15+$0x4090]  }
0x60: {  	v11 =	vadd.f32 v12, v0;
	v3 =	vadd.f32 v3, v1;
	v0 =	vand.u32 $0xFFFF0000, v10  }
0x61: {  	v10 =	vld [tilespmem:s15+$0x40B0];
	v5 =	vadd.f32 v4, v5;
	v2 =	vadd.f32 v0, v2  }
0x62: {  	v12 =	vshll.u32 v13, $0x10;
	v0 =	vshll.u32 v9, $0x10;
	v1 =	vand.u32 $0xFFFF0000, v9  }
0x63: {  	v14 =	vld [tilespmem:s15+$0x40D0];
	v9 =	vshll.u32 v7, $0x10;
	v7 =	vand.u32 $0xFFFF0000, v7;
	v13 =	vand.u32 $0xFFFF0000, v13  }
0x64: {  	v4 =	vshll.u32 v8, $0x10;
	v8 =	vand.u32 $0xFFFF0000, v8;
	v15 =	vshll.u32 v6, $0x10  }
0x65: {  	s11 =	simm.s32 $0x80;
	v6 =	vand.u32 $0xFFFF0000, v6;
	v11 =	vadd.f32 v4, v11;
	v8 =	vadd.f32 v8, v3;
	v4 =	vld [tilespmem:s15+$0x40F0]  }
0x66: {  	v3 =	vld [tilespmem:s11+$0x40E0];
	v15 =	vadd.f32 v15, v5;
	v6 =	vadd.f32 v6, v2;
	v16 =	vshll.u32 v10, $0x10  }
0x67: {  	v2 =	vld [tilespmem:s11+$0x40C0];
	v9 =	vadd.f32 v9, v11;
	v11 =	vadd.f32 v7, v8;
	v7 =	vand.u32 $0xFFFF0000, v10  }
0x68: {  	v63 =	vshll.u32 v14, $0x10;
	v5 =	vld [tilespmem:s11+$0x40A0];
	v10 =	vadd.f32 v16, v15;
	v15 =	vadd.f32 v7, v6  }
0x69: {  	v7 =	vld [tilespmem:s11+$0x4080];
	v8 =	vadd.f32 v12, v9;
	v9 =	vadd.f32 v13, v11;
	v12 =	vand.u32 $0xFFFF0000, v14  }
0x6a: {  	s13 =	simm.s32 $0x400;
	v6 =	vld [tilespmem:s11+$0x4090];
	v11 =	vadd.f32 v63, v10;
	v10 =	vadd.f32 v12, v15;
	v12 =	vshll.u32 v4, $0x10  }
.LBB2_6:
0x6b: {  	p1 =	sne.s32 s13, $0x3000;
	v8 =	vadd.f32 v0, v8;
	v9 =	vadd.f32 v1, v9;
	v0 =	vand.u32 $0xFFFF0000, v4  }
0x6c: {  	v13 =	vld [tilespmem:s11+$0x40B0];
	v11 =	vadd.f32 v12, v11;
	v10 =	vadd.f32 v0, v10  }
0x6d: {  	v1 =	vand.u32 $0xFFFF0000, v3;
	v12 =	vshll.u32 v2, $0x10;
	v0 =	vshll.u32 v3, $0x10  }
0x6e: {  	v15 =	vand.u32 $0xFFFF0000, v2;
	v14 =	vshll.u32 v5, $0x10;
	v5 =	vand.u32 $0xFFFF0000, v5;
	v16 =	vld [tilespmem:s11+$0x40D0]  }
0x6f: {  	v2 =	vshll.u32 v7, $0x10;
	v3 =	vand.u32 $0xFFFF0000, v7;
	v7 =	vshll.u32 v6, $0x10  }
0x70: {  	v8 =	vadd.f32 v2, v8;
	v9 =	vadd.f32 v3, v9;
	v2 =	vand.u32 $0xFFFF0000, v6;
	v4 =	vld [tilespmem:s11+$0x40F0];
	s11 =	sshra.s32 s13, $0x2  }
.Ltmp5:
0x71: {  	v6 =	vadd.f32 v7, v11;
	v7 =	vadd.f32 v2, v10;
	v3 =	vld [tilespmem:s11+$0x40E0];
	v10 =	vshll.u32 v13, $0x10;
	(pc) =	sbr.rel @p1 .LBB2_6-.Ltmp5, $4  }
0x72: {  	v8 =	vadd.f32 v14, v8;
	v9 =	vadd.f32 v5, v9;
	v11 =	vand.u32 $0xFFFF0000, v13;
	v2 =	vld [tilespmem:s11+$0x40C0]  }
0x73: {  	v10 =	vadd.f32 v10, v6;
	v13 =	vadd.f32 v11, v7;
	v5 =	vld [tilespmem:s11+$0x40A0];
	v11 =	vshll.u32 v16, $0x10  }
0x74: {  	v8 =	vadd.f32 v12, v8;
	v9 =	vadd.f32 v15, v9;
	v12 =	vand.u32 $0xFFFF0000, v16;
	v7 =	vld [tilespmem:s11+$0x4080]  }
0x75: {  	s13 =	sadd.s32 $0x200, s13;
	v11 =	vadd.f32 v11, v10;
	v10 =	vadd.f32 v12, v13;
	v6 =	vld [tilespmem:s11+$0x4090];
	v12 =	vshll.u32 v4, $0x10  }
0x76: {  	v0 =	vadd.f32 v0, v8  }
0x77: {  	v1 =	vadd.f32 v1, v9;
	v4 =	vand.u32 $0xFFFF0000, v4;
	v8 =	vadd.f32 v12, v11  }
0x78: {  	v9 =	vld [tilespmem:s11+$0x40B0];
	v4 =	vadd.f32 v4, v10;
	v10 =	vshll.u32 v2, $0x10;
	v11 =	vshll.u32 v3, $0x10  }
0x79: {  	v3 =	vand.u32 $0xFFFF0000, v3;
	v2 =	vand.u32 $0xFFFF0000, v2;
	v13 =	vshll.u32 v7, $0x10  }
0x7a: {  	v14 =	vld [tilespmem:s11+$0x40D0];
	v12 =	vshll.u32 v5, $0x10;
	v7 =	vand.u32 $0xFFFF0000, v7;
	v0 =	vadd.f32 v13, v0  }
0x7b: {  	v5 =	vand.u32 $0xFFFF0000, v5;
	v13 =	vshll.u32 v6, $0x10;
	v1 =	vadd.f32 v7, v1  }
0x7c: {  	v6 =	vand.u32 $0xFFFF0000, v6;
	v7 =	vld [tilespmem:s11+$0x40F0];
	v8 =	vadd.f32 v13, v8;
	v0 =	vadd.f32 v12, v0  }
0x7d: {  	v4 =	vadd.f32 v6, v4;
	v6 =	vshll.u32 v9, $0x10;
	v1 =	vadd.f32 v5, v1  }
0x7e: {  	s13 =	simm.s32 @!p0 $0x64;
	s14 =	simm.s32 @!p0 $0x4080;
	s11 =	sadd.s32 @!p0 $0x3A8, s12;
	v5 =	vand.u32 $0xFFFF0000, v9;
	v6 =	vadd.f32 v6, v8;
	v0 =	vadd.f32 v10, v0  }
0x7f: {  	[tilespmem:s14], [sflag:$0x2] =	stream.indirect.gather @!p0 [hbm4b:s5+s13], $0x20, s11, s13, $0xb8;
	v4 =	vadd.f32 v5, v4;
	v5 =	vshll.u32 v14, $0x10;
	v1 =	vadd.f32 v2, v1;
	[tilespmem:$0xA800] =	vst v63  }
0x80: {  	s14 =	sshll.u32 s10, $0x8;
	v2 =	vand.u32 $0xFFFF0000, v14;
	v5 =	vadd.f32 v5, v6;
	v0 =	vadd.f32 v11, v0  }
0x81: {  	s11 =	sand.u32 $0x3FFFFF00, s14;
	v2 =	vadd.f32 v2, v4;
	v4 =	vshll.u32 v7, $0x10;
	v1 =	vadd.f32 v3, v1  }
0x82: {  	v3 =	vand.u32 $0xFFFF0000, v7;
	v4 =	vadd.f32 v4, v5;
	[tilespmem:s11+$0x9800] =	vst v0  }
0x83: {  	v0 =	vadd.f32 v3, v2;
	[tilespmem:s11+$0x9810] =	vst v1  }
0x84: {  	[tilespmem:s11+$0x9820] =	vst v4  }
0x85: {  	[tilespmem:s11+$0x9830] =	vst v0  }
0x86: {  	_ =	swait.ge [sflag:s28], $0xC80  }
0x87: {  	[sflag:s28] =	ssyncset.done $0x0  }
0x88: {  	s15 =	simm.s32 $0x0;
	[sflag:s28] =	ssyncadd.s32 $0xFFFFF380  }
0x89: {  	v1 =	vld [tilespmem:s15+$0x4D60]  }
0x8a: {  	v2 =	vld [tilespmem:s15+$0x4D40]  }
0x8b: {  	v3 =	vld [tilespmem:s15+$0x4D20]  }
0x8c: {  	v4 =	vld [tilespmem:s15+$0x4D00]  }
0x8d: {  	v5 =	vld [tilespmem:s15+$0x4D10];
	_ =	sdelay $0x1  }
0x8e: {  	v6 =	vimm.f32 $0.0e+00;
	v8 =	vld [tilespmem:s15+$0x4D30]  }
0x8f: {  	v9 =	vshll.u32 v2, $0x10;
	v0 =	vshll.u32 v1, $0x10;
	v1 =	vand.u32 $0xFFFF0000, v1  }
0x90: {  	v13 =	vld [tilespmem:s15+$0x4D50];
	v10 =	vshll.u32 v3, $0x10;
	v11 =	vand.u32 $0xFFFF0000, v3;
	v12 =	vand.u32 $0xFFFF0000, v2  }
0x91: {  	v2 =	vshll.u32 v4, $0x10;
	v3 =	vand.u32 $0xFFFF0000, v4;
	v4 =	vshll.u32 v5, $0x10  }
0x92: {  	s13 =	simm.s32 $0x80;
	v7 =	vld [tilespmem:s15+$0x4D70];
	v14 =	vadd.f32 v2, v6;
	v15 =	vadd.f32 v3, v6;
	v2 =	vand.u32 $0xFFFF0000, v5  }
0x93: {  	v16 =	vshll.u32 v8, $0x10;
	v3 =	vld [tilespmem:s13+$0x4D60];
	v4 =	vadd.f32 v4, v6;
	v6 =	vadd.f32 v2, v6  }
0x94: {  	v8 =	vand.u32 $0xFFFF0000, v8;
	v5 =	vld [tilespmem:s13+$0x4D20];
	v10 =	vadd.f32 v10, v14;
	v11 =	vadd.f32 v11, v15  }
0x95: {  	v63 =	vshll.u32 v13, $0x10;
	v2 =	vld [tilespmem:s13+$0x4D40];
	v14 =	vadd.f32 v16, v4;
	v15 =	vadd.f32 v8, v6  }
0x96: {  	v4 =	vld [tilespmem:s13+$0x4D10];
	v8 =	vadd.f32 v9, v10;
	v9 =	vadd.f32 v12, v11;
	v11 =	vand.u32 $0xFFFF0000, v13  }
0x97: {  	s14 =	simm.s32 $0x400;
	v6 =	vld [tilespmem:s13+$0x4D00];
	v10 =	vadd.f32 v63, v14;
	v12 =	vshll.u32 v7, $0x10;
	v11 =	vadd.f32 v11, v15  }
.LBB2_8:
0x98: {  	p1 =	sne.s32 s14, $0x3000;
	v8 =	vadd.f32 v0, v8;
	v9 =	vadd.f32 v1, v9;
	v0 =	vand.u32 $0xFFFF0000, v7  }
0x99: {  	v13 =	vld [tilespmem:s13+$0x4D30];
	v10 =	vadd.f32 v12, v10;
	v11 =	vadd.f32 v0, v11  }
0x9a: {  	v1 =	vand.u32 $0xFFFF0000, v3;
	v12 =	vshll.u32 v2, $0x10;
	v0 =	vshll.u32 v3, $0x10  }
0x9b: {  	v15 =	vand.u32 $0xFFFF0000, v2;
	v14 =	vshll.u32 v5, $0x10;
	v5 =	vand.u32 $0xFFFF0000, v5;
	v16 =	vld [tilespmem:s13+$0x4D50]  }
0x9c: {  	v2 =	vshll.u32 v6, $0x10;
	v3 =	vand.u32 $0xFFFF0000, v6;
	v6 =	vshll.u32 v4, $0x10  }
0x9d: {  	v8 =	vadd.f32 v2, v8;
	v9 =	vadd.f32 v3, v9;
	v2 =	vand.u32 $0xFFFF0000, v4;
	v7 =	vld [tilespmem:s13+$0x4D70];
	s13 =	sshra.s32 s14, $0x2  }
.Ltmp6:
0x9e: {  	v4 =	vadd.f32 v6, v10;
	v6 =	vadd.f32 v2, v11;
	v3 =	vld [tilespmem:s13+$0x4D60];
	v10 =	vshll.u32 v13, $0x10;
	(pc) =	sbr.rel @p1 .LBB2_8-.Ltmp6, $4  }
0x9f: {  	v8 =	vadd.f32 v14, v8;
	v9 =	vadd.f32 v5, v9;
	v11 =	vand.u32 $0xFFFF0000, v13;
	v2 =	vld [tilespmem:s13+$0x4D40]  }
0xa0: {  	v10 =	vadd.f32 v10, v4;
	v11 =	vadd.f32 v11, v6;
	v5 =	vld [tilespmem:s13+$0x4D20];
	v13 =	vshll.u32 v16, $0x10  }
0xa1: {  	v8 =	vadd.f32 v12, v8;
	v9 =	vadd.f32 v15, v9;
	v12 =	vand.u32 $0xFFFF0000, v16;
	v6 =	vld [tilespmem:s13+$0x4D00]  }
0xa2: {  	s14 =	sadd.s32 $0x200, s14;
	v10 =	vadd.f32 v13, v10;
	v11 =	vadd.f32 v12, v11;
	v4 =	vld [tilespmem:s13+$0x4D10];
	v12 =	vshll.u32 v7, $0x10  }
0xa3: {  	v13 =	vld [tilespmem:s13+$0x4D30]  }
0xa4: {  	v0 =	vadd.f32 v0, v8;
	v1 =	vadd.f32 v1, v9;
	v7 =	vand.u32 $0xFFFF0000, v7;
	v8 =	vld [tilespmem:s13+$0x4D50]  }
0xa5: {  	s14 =	simm.s32 @!p0 $0x64;
	s15 =	simm.s32 @!p0 $0x4D00;
	v9 =	vadd.f32 v12, v10;
	v7 =	vadd.f32 v7, v11;
	v10 =	vld [tilespmem:s13+$0x4D70];
	s13 =	sadd.s32 @!p0 $0x410, s12  }
0xa6: {  	v11 =	vshll.u32 v2, $0x10;
	v12 =	vshll.u32 v3, $0x10;
	v3 =	vand.u32 $0xFFFF0000, v3;
	[tilespmem:s15], [sflag:$0x3] =	stream.indirect.gather @!p0 [hbm4b:s5+s14], $0x20, s13, s14, $0xb8;
	[tilespmem:$0xA800] =	vst v63  }
0xa7: {  	v2 =	vand.u32 $0xFFFF0000, v2;
	v14 =	vshll.u32 v5, $0x10;
	v15 =	vshll.u32 v6, $0x10;
	_ =	swait.ge [sflag:s29], $0xC80  }
0xa8: {  	v5 =	vand.u32 $0xFFFF0000, v5;
	v6 =	vand.u32 $0xFFFF0000, v6;
	v0 =	vadd.f32 v15, v0;
	[sflag:s29] =	ssyncset.done $0x0  }
0xa9: {  	s15 =	simm.s32 $0x0;
	v15 =	vshll.u32 v4, $0x10;
	v1 =	vadd.f32 v6, v1;
	v4 =	vand.u32 $0xFFFF0000, v4;
	[sflag:s29] =	ssyncadd.s32 $0xFFFFF380  }
0xaa: {  	v6 =	vadd.f32 v15, v9;
	v4 =	vadd.f32 v4, v7;
	v7 =	vshll.u32 v13, $0x10;
	v9 =	vld [tilespmem:s15+$0x59E0]  }
0xab: {  	v0 =	vadd.f32 v14, v0;
	v1 =	vadd.f32 v5, v1;
	v5 =	vand.u32 $0xFFFF0000, v13;
	v13 =	vld [tilespmem:s15+$0x59C0]  }
0xac: {  	v6 =	vadd.f32 v7, v6;
	v4 =	vadd.f32 v5, v4;
	v5 =	vshll.u32 v8, $0x10;
	v7 =	vld [tilespmem:s15+$0x59A0]  }
0xad: {  	v0 =	vadd.f32 v11, v0;
	v1 =	vadd.f32 v2, v1;
	v2 =	vand.u32 $0xFFFF0000, v8;
	v8 =	vld [tilespmem:s15+$0x5980]  }
0xae: {  	v5 =	vadd.f32 v5, v6;
	v2 =	vadd.f32 v2, v4;
	v4 =	vshll.u32 v10, $0x10;
	v6 =	vld [tilespmem:s15+$0x5990]  }
0xaf: {  	v11 =	vadd.f32 v12, v0;
	v3 =	vadd.f32 v3, v1;
	v0 =	vand.u32 $0xFFFF0000, v10  }
0xb0: {  	v10 =	vld [tilespmem:s15+$0x59B0];
	v5 =	vadd.f32 v4, v5;
	v2 =	vadd.f32 v0, v2  }
0xb1: {  	v12 =	vshll.u32 v13, $0x10;
	v0 =	vshll.u32 v9, $0x10;
	v1 =	vand.u32 $0xFFFF0000, v9  }
0xb2: {  	v14 =	vld [tilespmem:s15+$0x59D0];
	v13 =	vand.u32 $0xFFFF0000, v13;
	v9 =	vshll.u32 v7, $0x10;
	v7 =	vand.u32 $0xFFFF0000, v7  }
0xb3: {  	v4 =	vshll.u32 v8, $0x10;
	v8 =	vand.u32 $0xFFFF0000, v8;
	v15 =	vshll.u32 v6, $0x10  }
0xb4: {  	s13 =	simm.s32 $0x80;
	v11 =	vadd.f32 v4, v11;
	v8 =	vadd.f32 v8, v3;
	v6 =	vand.u32 $0xFFFF0000, v6;
	v4 =	vld [tilespmem:s15+$0x59F0]  }
0xb5: {  	v3 =	vld [tilespmem:s13+$0x59E0];
	v15 =	vadd.f32 v15, v5;
	v6 =	vadd.f32 v6, v2;
	v16 =	vshll.u32 v10, $0x10  }
0xb6: {  	v2 =	vld [tilespmem:s13+$0x59C0];
	v9 =	vadd.f32 v9, v11;
	v11 =	vadd.f32 v7, v8;
	v7 =	vand.u32 $0xFFFF0000, v10  }
0xb7: {  	v63 =	vshll.u32 v14, $0x10;
	v5 =	vld [tilespmem:s13+$0x59A0];
	v10 =	vadd.f32 v16, v15;
	v15 =	vadd.f32 v7, v6  }
0xb8: {  	v7 =	vld [tilespmem:s13+$0x5980];
	v8 =	vadd.f32 v12, v9;
	v9 =	vadd.f32 v13, v11;
	v12 =	vand.u32 $0xFFFF0000, v14  }
0xb9: {  	s14 =	simm.s32 $0x400;
	v6 =	vld [tilespmem:s13+$0x5990];
	v11 =	vadd.f32 v63, v10;
	v10 =	vadd.f32 v12, v15;
	v12 =	vshll.u32 v4, $0x10  }
.LBB2_10:
0xba: {  	p1 =	sne.s32 s14, $0x3000;
	v8 =	vadd.f32 v0, v8;
	v9 =	vadd.f32 v1, v9;
	v0 =	vand.u32 $0xFFFF0000, v4  }
0xbb: {  	v13 =	vld [tilespmem:s13+$0x59B0];
	v11 =	vadd.f32 v12, v11;
	v10 =	vadd.f32 v0, v10  }
0xbc: {  	v1 =	vand.u32 $0xFFFF0000, v3;
	v12 =	vshll.u32 v2, $0x10;
	v0 =	vshll.u32 v3, $0x10  }
0xbd: {  	v15 =	vand.u32 $0xFFFF0000, v2;
	v14 =	vshll.u32 v5, $0x10;
	v5 =	vand.u32 $0xFFFF0000, v5;
	v16 =	vld [tilespmem:s13+$0x59D0]  }
0xbe: {  	v2 =	vshll.u32 v7, $0x10;
	v3 =	vand.u32 $0xFFFF0000, v7;
	v7 =	vshll.u32 v6, $0x10  }
0xbf: {  	v8 =	vadd.f32 v2, v8;
	v9 =	vadd.f32 v3, v9;
	v2 =	vand.u32 $0xFFFF0000, v6;
	v4 =	vld [tilespmem:s13+$0x59F0];
	s13 =	sshra.s32 s14, $0x2  }
.Ltmp7:
0xc0: {  	v6 =	vadd.f32 v7, v11;
	v7 =	vadd.f32 v2, v10;
	v3 =	vld [tilespmem:s13+$0x59E0];
	v10 =	vshll.u32 v13, $0x10;
	(pc) =	sbr.rel @p1 .LBB2_10-.Ltmp7, $4  }
0xc1: {  	v8 =	vadd.f32 v14, v8;
	v9 =	vadd.f32 v5, v9;
	v11 =	vand.u32 $0xFFFF0000, v13;
	v2 =	vld [tilespmem:s13+$0x59C0]  }
0xc2: {  	v10 =	vadd.f32 v10, v6;
	v13 =	vadd.f32 v11, v7;
	v5 =	vld [tilespmem:s13+$0x59A0];
	v11 =	vshll.u32 v16, $0x10  }
0xc3: {  	v8 =	vadd.f32 v12, v8;
	v9 =	vadd.f32 v15, v9;
	v12 =	vand.u32 $0xFFFF0000, v16;
	v7 =	vld [tilespmem:s13+$0x5980]  }
0xc4: {  	s14 =	sadd.s32 $0x200, s14;
	v11 =	vadd.f32 v11, v10;
	v10 =	vadd.f32 v12, v13;
	v6 =	vld [tilespmem:s13+$0x5990];
	v12 =	vshll.u32 v4, $0x10  }
0xc5: {  	v0 =	vadd.f32 v0, v8  }
0xc6: {  	v1 =	vadd.f32 v1, v9;
	v4 =	vand.u32 $0xFFFF0000, v4;
	v8 =	vadd.f32 v12, v11  }
0xc7: {  	v9 =	vld [tilespmem:s13+$0x59B0];
	v4 =	vadd.f32 v4, v10;
	v10 =	vshll.u32 v2, $0x10;
	v11 =	vshll.u32 v3, $0x10  }
0xc8: {  	v3 =	vand.u32 $0xFFFF0000, v3;
	v2 =	vand.u32 $0xFFFF0000, v2;
	v13 =	vshll.u32 v7, $0x10  }
0xc9: {  	v14 =	vld [tilespmem:s13+$0x59D0];
	v12 =	vshll.u32 v5, $0x10;
	v7 =	vand.u32 $0xFFFF0000, v7;
	v0 =	vadd.f32 v13, v0  }
0xca: {  	v5 =	vand.u32 $0xFFFF0000, v5;
	v13 =	vshll.u32 v6, $0x10;
	v1 =	vadd.f32 v7, v1  }
0xcb: {  	v6 =	vand.u32 $0xFFFF0000, v6;
	v7 =	vld [tilespmem:s13+$0x59F0];
	v8 =	vadd.f32 v13, v8;
	v0 =	vadd.f32 v12, v0  }
0xcc: {  	v4 =	vadd.f32 v6, v4;
	v6 =	vshll.u32 v9, $0x10;
	v1 =	vadd.f32 v5, v1  }
0xcd: {  	v5 =	vand.u32 $0xFFFF0000, v9;
	v6 =	vadd.f32 v6, v8;
	v0 =	vadd.f32 v10, v0  }
0xce: {  	v4 =	vadd.f32 v5, v4;
	v5 =	vshll.u32 v14, $0x10;
	v1 =	vadd.f32 v2, v1  }
0xcf: {  	s14 =	simm.s32 @!p0 $0x64;
	s15 =	simm.s32 @!p0 $0x5980;
	s13 =	sadd.s32 @!p0 $0x478, s12;
	v2 =	vand.u32 $0xFFFF0000, v14;
	v5 =	vadd.f32 v5, v6;
	v0 =	vadd.f32 v11, v0  }
0xd0: {  	[tilespmem:s15], [sflag:$0x4] =	stream.indirect.gather @!p0 [hbm4b:s5+s14], $0x20, s13, s14, $0xb8;
	v2 =	vadd.f32 v2, v4;
	v4 =	vshll.u32 v7, $0x10;
	v1 =	vadd.f32 v3, v1;
	[tilespmem:$0xA800] =	vst v63  }
0xd1: {  	v3 =	vand.u32 $0xFFFF0000, v7;
	v4 =	vadd.f32 v4, v5;
	[tilespmem:s11+$0x9840] =	vst v0  }
0xd2: {  	v0 =	vadd.f32 v3, v2;
	[tilespmem:s11+$0x9850] =	vst v1  }
0xd3: {  	[tilespmem:s11+$0x9860] =	vst v4  }
0xd4: {  	[tilespmem:s11+$0x9870] =	vst v0  }
0xd5: {  	_ =	swait.ge [sflag:s30], $0xC80  }
0xd6: {  	[sflag:s30] =	ssyncset.done $0x0  }
0xd7: {  	s15 =	simm.s32 $0x0;
	[sflag:s30] =	ssyncadd.s32 $0xFFFFF380  }
0xd8: {  	v1 =	vld [tilespmem:s15+$0x6660]  }
0xd9: {  	v2 =	vld [tilespmem:s15+$0x6640]  }
0xda: {  	v3 =	vld [tilespmem:s15+$0x6620]  }
0xdb: {  	v4 =	vld [tilespmem:s15+$0x6600]  }
0xdc: {  	v5 =	vld [tilespmem:s15+$0x6610];
	_ =	sdelay $0x1  }
0xdd: {  	v6 =	vimm.f32 $0.0e+00;
	v8 =	vld [tilespmem:s15+$0x6630]  }
0xde: {  	v9 =	vshll.u32 v2, $0x10;
	v0 =	vshll.u32 v1, $0x10;
	v1 =	vand.u32 $0xFFFF0000, v1  }
0xdf: {  	v13 =	vld [tilespmem:s15+$0x6650];
	v10 =	vshll.u32 v3, $0x10;
	v11 =	vand.u32 $0xFFFF0000, v3;
	v12 =	vand.u32 $0xFFFF0000, v2  }
0xe0: {  	v2 =	vshll.u32 v4, $0x10;
	v3 =	vand.u32 $0xFFFF0000, v4;
	v4 =	vshll.u32 v5, $0x10  }
0xe1: {  	s13 =	simm.s32 $0x80;
	v7 =	vld [tilespmem:s15+$0x6670];
	v14 =	vadd.f32 v2, v6;
	v15 =	vadd.f32 v3, v6;
	v2 =	vand.u32 $0xFFFF0000, v5  }
0xe2: {  	v16 =	vshll.u32 v8, $0x10;
	v3 =	vld [tilespmem:s13+$0x6660];
	v4 =	vadd.f32 v4, v6;
	v6 =	vadd.f32 v2, v6  }
0xe3: {  	v8 =	vand.u32 $0xFFFF0000, v8;
	v5 =	vld [tilespmem:s13+$0x6620];
	v10 =	vadd.f32 v10, v14;
	v11 =	vadd.f32 v11, v15  }
0xe4: {  	v63 =	vshll.u32 v13, $0x10;
	v2 =	vld [tilespmem:s13+$0x6640];
	v14 =	vadd.f32 v16, v4;
	v15 =	vadd.f32 v8, v6  }
0xe5: {  	v4 =	vld [tilespmem:s13+$0x6610];
	v8 =	vadd.f32 v9, v10;
	v9 =	vadd.f32 v12, v11;
	v11 =	vand.u32 $0xFFFF0000, v13  }
0xe6: {  	s14 =	simm.s32 $0x400;
	v6 =	vld [tilespmem:s13+$0x6600];
	v10 =	vadd.f32 v63, v14;
	v12 =	vshll.u32 v7, $0x10;
	v11 =	vadd.f32 v11, v15  }
.LBB2_12:
0xe7: {  	p1 =	sne.s32 s14, $0x3000;
	v8 =	vadd.f32 v0, v8;
	v9 =	vadd.f32 v1, v9;
	v0 =	vand.u32 $0xFFFF0000, v7  }
0xe8: {  	v13 =	vld [tilespmem:s13+$0x6630];
	v10 =	vadd.f32 v12, v10;
	v11 =	vadd.f32 v0, v11  }
0xe9: {  	v1 =	vand.u32 $0xFFFF0000, v3;
	v12 =	vshll.u32 v2, $0x10;
	v0 =	vshll.u32 v3, $0x10  }
0xea: {  	v15 =	vand.u32 $0xFFFF0000, v2;
	v14 =	vshll.u32 v5, $0x10;
	v5 =	vand.u32 $0xFFFF0000, v5;
	v16 =	vld [tilespmem:s13+$0x6650]  }
0xeb: {  	v2 =	vshll.u32 v6, $0x10;
	v3 =	vand.u32 $0xFFFF0000, v6;
	v6 =	vshll.u32 v4, $0x10  }
0xec: {  	v8 =	vadd.f32 v2, v8;
	v9 =	vadd.f32 v3, v9;
	v2 =	vand.u32 $0xFFFF0000, v4;
	v7 =	vld [tilespmem:s13+$0x6670];
	s13 =	sshra.s32 s14, $0x2  }
.Ltmp8:
0xed: {  	v4 =	vadd.f32 v6, v10;
	v6 =	vadd.f32 v2, v11;
	v3 =	vld [tilespmem:s13+$0x6660];
	v10 =	vshll.u32 v13, $0x10;
	(pc) =	sbr.rel @p1 .LBB2_12-.Ltmp8, $4  }
0xee: {  	v8 =	vadd.f32 v14, v8;
	v9 =	vadd.f32 v5, v9;
	v11 =	vand.u32 $0xFFFF0000, v13;
	v2 =	vld [tilespmem:s13+$0x6640]  }
0xef: {  	v10 =	vadd.f32 v10, v4;
	v11 =	vadd.f32 v11, v6;
	v5 =	vld [tilespmem:s13+$0x6620];
	v13 =	vshll.u32 v16, $0x10  }
0xf0: {  	v8 =	vadd.f32 v12, v8;
	v9 =	vadd.f32 v15, v9;
	v12 =	vand.u32 $0xFFFF0000, v16;
	v6 =	vld [tilespmem:s13+$0x6600]  }
0xf1: {  	s14 =	sadd.s32 $0x200, s14;
	v10 =	vadd.f32 v13, v10;
	v11 =	vadd.f32 v12, v11;
	v4 =	vld [tilespmem:s13+$0x6610];
	v12 =	vshll.u32 v7, $0x10  }
0xf2: {  	v13 =	vld [tilespmem:s13+$0x6630]  }
0xf3: {  	v0 =	vadd.f32 v0, v8;
	v1 =	vadd.f32 v1, v9;
	v7 =	vand.u32 $0xFFFF0000, v7;
	v8 =	vld [tilespmem:s13+$0x6650]  }
0xf4: {  	s14 =	simm.s32 @!p0 $0x64;
	s15 =	simm.s32 @!p0 $0x6600;
	v9 =	vadd.f32 v12, v10;
	v7 =	vadd.f32 v7, v11;
	v10 =	vld [tilespmem:s13+$0x6670];
	s13 =	sadd.s32 @!p0 $0x4E0, s12  }
0xf5: {  	v11 =	vshll.u32 v2, $0x10;
	v12 =	vshll.u32 v3, $0x10;
	v3 =	vand.u32 $0xFFFF0000, v3;
	[tilespmem:s15], [sflag:$0x5] =	stream.indirect.gather @!p0 [hbm4b:s5+s14], $0x20, s13, s14, $0xb8;
	[tilespmem:$0xA800] =	vst v63  }
0xf6: {  	v2 =	vand.u32 $0xFFFF0000, v2;
	v14 =	vshll.u32 v5, $0x10;
	v15 =	vshll.u32 v6, $0x10;
	_ =	swait.ge [sflag:s31], $0xC80  }
0xf7: {  	v5 =	vand.u32 $0xFFFF0000, v5;
	v6 =	vand.u32 $0xFFFF0000, v6;
	v0 =	vadd.f32 v15, v0;
	[sflag:s31] =	ssyncset.done $0x0  }
0xf8: {  	s15 =	simm.s32 $0x0;
	v15 =	vshll.u32 v4, $0x10;
	v1 =	vadd.f32 v6, v1;
	v4 =	vand.u32 $0xFFFF0000, v4;
	[sflag:s31] =	ssyncadd.s32 $0xFFFFF380  }
0xf9: {  	v6 =	vadd.f32 v15, v9;
	v4 =	vadd.f32 v4, v7;
	v7 =	vshll.u32 v13, $0x10;
	v9 =	vld [tilespmem:s15+$0x72E0]  }
0xfa: {  	v0 =	vadd.f32 v14, v0;
	v1 =	vadd.f32 v5, v1;
	v5 =	vand.u32 $0xFFFF0000, v13;
	v13 =	vld [tilespmem:s15+$0x72C0]  }
0xfb: {  	v6 =	vadd.f32 v7, v6;
	v4 =	vadd.f32 v5, v4;
	v5 =	vshll.u32 v8, $0x10;
	v7 =	vld [tilespmem:s15+$0x72A0]  }
0xfc: {  	v0 =	vadd.f32 v11, v0;
	v1 =	vadd.f32 v2, v1;
	v2 =	vand.u32 $0xFFFF0000, v8;
	v8 =	vld [tilespmem:s15+$0x7280]  }
0xfd: {  	v5 =	vadd.f32 v5, v6;
	v2 =	vadd.f32 v2, v4;
	v4 =	vshll.u32 v10, $0x10;
	v6 =	vld [tilespmem:s15+$0x7290]  }
0xfe: {  	v11 =	vadd.f32 v12, v0;
	v3 =	vadd.f32 v3, v1;
	v0 =	vand.u32 $0xFFFF0000, v10  }
0xff: {  	v10 =	vld [tilespmem:s15+$0x72B0];
	v5 =	vadd.f32 v4, v5;
	v2 =	vadd.f32 v0, v2  }
0x100: {  	v12 =	vshll.u32 v13, $0x10;
	v0 =	vshll.u32 v9, $0x10;
	v1 =	vand.u32 $0xFFFF0000, v9  }
0x101: {  	v14 =	vld [tilespmem:s15+$0x72D0];
	v13 =	vand.u32 $0xFFFF0000, v13;
	v9 =	vshll.u32 v7, $0x10;
	v7 =	vand.u32 $0xFFFF0000, v7  }
0x102: {  	v4 =	vshll.u32 v8, $0x10;
	v8 =	vand.u32 $0xFFFF0000, v8;
	v15 =	vshll.u32 v6, $0x10  }
0x103: {  	s13 =	simm.s32 $0x80;
	v11 =	vadd.f32 v4, v11;
	v8 =	vadd.f32 v8, v3;
	v6 =	vand.u32 $0xFFFF0000, v6;
	v4 =	vld [tilespmem:s15+$0x72F0]  }
0x104: {  	v3 =	vld [tilespmem:s13+$0x72E0];
	v15 =	vadd.f32 v15, v5;
	v6 =	vadd.f32 v6, v2;
	v16 =	vshll.u32 v10, $0x10  }
0x105: {  	v2 =	vld [tilespmem:s13+$0x72C0];
	v9 =	vadd.f32 v9, v11;
	v11 =	vadd.f32 v7, v8;
	v7 =	vand.u32 $0xFFFF0000, v10  }
0x106: {  	v63 =	vshll.u32 v14, $0x10;
	v5 =	vld [tilespmem:s13+$0x72A0];
	v10 =	vadd.f32 v16, v15;
	v15 =	vadd.f32 v7, v6  }
0x107: {  	v7 =	vld [tilespmem:s13+$0x7280];
	v8 =	vadd.f32 v12, v9;
	v9 =	vadd.f32 v13, v11;
	v12 =	vand.u32 $0xFFFF0000, v14  }
0x108: {  	s14 =	simm.s32 $0x400;
	v6 =	vld [tilespmem:s13+$0x7290];
	v11 =	vadd.f32 v63, v10;
	v10 =	vadd.f32 v12, v15;
	v12 =	vshll.u32 v4, $0x10  }
.LBB2_14:
0x109: {  	p1 =	sne.s32 s14, $0x3000;
	v8 =	vadd.f32 v0, v8;
	v9 =	vadd.f32 v1, v9;
	v0 =	vand.u32 $0xFFFF0000, v4  }
0x10a: {  	v13 =	vld [tilespmem:s13+$0x72B0];
	v11 =	vadd.f32 v12, v11;
	v10 =	vadd.f32 v0, v10  }
0x10b: {  	v1 =	vand.u32 $0xFFFF0000, v3;
	v12 =	vshll.u32 v2, $0x10;
	v0 =	vshll.u32 v3, $0x10  }
0x10c: {  	v15 =	vand.u32 $0xFFFF0000, v2;
	v14 =	vshll.u32 v5, $0x10;
	v5 =	vand.u32 $0xFFFF0000, v5;
	v16 =	vld [tilespmem:s13+$0x72D0]  }
0x10d: {  	v2 =	vshll.u32 v7, $0x10;
	v3 =	vand.u32 $0xFFFF0000, v7;
	v7 =	vshll.u32 v6, $0x10  }
0x10e: {  	v8 =	vadd.f32 v2, v8;
	v9 =	vadd.f32 v3, v9;
	v2 =	vand.u32 $0xFFFF0000, v6;
	v4 =	vld [tilespmem:s13+$0x72F0];
	s13 =	sshra.s32 s14, $0x2  }
.Ltmp9:
0x10f: {  	v6 =	vadd.f32 v7, v11;
	v7 =	vadd.f32 v2, v10;
	v3 =	vld [tilespmem:s13+$0x72E0];
	v10 =	vshll.u32 v13, $0x10;
	(pc) =	sbr.rel @p1 .LBB2_14-.Ltmp9, $4  }
0x110: {  	v8 =	vadd.f32 v14, v8;
	v9 =	vadd.f32 v5, v9;
	v11 =	vand.u32 $0xFFFF0000, v13;
	v2 =	vld [tilespmem:s13+$0x72C0]  }
0x111: {  	v10 =	vadd.f32 v10, v6;
	v13 =	vadd.f32 v11, v7;
	v5 =	vld [tilespmem:s13+$0x72A0];
	v11 =	vshll.u32 v16, $0x10  }
0x112: {  	v8 =	vadd.f32 v12, v8;
	v9 =	vadd.f32 v15, v9;
	v12 =	vand.u32 $0xFFFF0000, v16;
	v7 =	vld [tilespmem:s13+$0x7280]  }
0x113: {  	s14 =	sadd.s32 $0x200, s14;
	v11 =	vadd.f32 v11, v10;
	v10 =	vadd.f32 v12, v13;
	v6 =	vld [tilespmem:s13+$0x7290];
	v12 =	vshll.u32 v4, $0x10  }
0x114: {  	v0 =	vadd.f32 v0, v8  }
0x115: {  	v1 =	vadd.f32 v1, v9;
	v4 =	vand.u32 $0xFFFF0000, v4;
	v8 =	vadd.f32 v12, v11  }
0x116: {  	v9 =	vld [tilespmem:s13+$0x72B0];
	v4 =	vadd.f32 v4, v10;
	v10 =	vshll.u32 v2, $0x10;
	v11 =	vshll.u32 v3, $0x10  }
0x117: {  	v3 =	vand.u32 $0xFFFF0000, v3;
	v2 =	vand.u32 $0xFFFF0000, v2;
	v13 =	vshll.u32 v7, $0x10  }
0x118: {  	v14 =	vld [tilespmem:s13+$0x72D0];
	v12 =	vshll.u32 v5, $0x10;
	v7 =	vand.u32 $0xFFFF0000, v7;
	v0 =	vadd.f32 v13, v0  }
0x119: {  	v5 =	vand.u32 $0xFFFF0000, v5;
	v13 =	vshll.u32 v6, $0x10;
	v1 =	vadd.f32 v7, v1  }
0x11a: {  	v6 =	vand.u32 $0xFFFF0000, v6;
	v7 =	vld [tilespmem:s13+$0x72F0];
	v8 =	vadd.f32 v13, v8;
	v0 =	vadd.f32 v12, v0  }
0x11b: {  	v4 =	vadd.f32 v6, v4;
	v6 =	vshll.u32 v9, $0x10;
	v1 =	vadd.f32 v5, v1  }
0x11c: {  	v5 =	vand.u32 $0xFFFF0000, v9;
	v6 =	vadd.f32 v6, v8;
	v0 =	vadd.f32 v10, v0  }
0x11d: {  	v4 =	vadd.f32 v5, v4;
	v5 =	vshll.u32 v14, $0x10;
	v1 =	vadd.f32 v2, v1  }
0x11e: {  	s14 =	simm.s32 @!p0 $0x64;
	s15 =	simm.s32 @!p0 $0x7280;
	s13 =	sadd.s32 @!p0 $0x548, s12;
	v2 =	vand.u32 $0xFFFF0000, v14;
	v5 =	vadd.f32 v5, v6;
	v0 =	vadd.f32 v11, v0  }
0x11f: {  	[tilespmem:s15], [sflag:$0x6] =	stream.indirect.gather @!p0 [hbm4b:s5+s14], $0x20, s13, s14, $0xb8;
	v2 =	vadd.f32 v2, v4;
	v4 =	vshll.u32 v7, $0x10;
	v1 =	vadd.f32 v3, v1;
	[tilespmem:$0xA800] =	vst v63  }
0x120: {  	v3 =	vand.u32 $0xFFFF0000, v7;
	v4 =	vadd.f32 v4, v5;
	[tilespmem:s11+$0x9880] =	vst v0  }
0x121: {  	v0 =	vadd.f32 v3, v2;
	[tilespmem:s11+$0x9890] =	vst v1  }
0x122: {  	[tilespmem:s11+$0x98A0] =	vst v4  }
0x123: {  	[tilespmem:s11+$0x98B0] =	vst v0  }
0x124: {  	_ =	swait.ge [sflag:s0], $0xC80  }
0x125: {  	[sflag:s0] =	ssyncset.done $0x0  }
0x126: {  	s15 =	simm.s32 $0x0;
	[sflag:s0] =	ssyncadd.s32 $0xFFFFF380  }
0x127: {  	v1 =	vld [tilespmem:s15+$0x7F60]  }
0x128: {  	v2 =	vld [tilespmem:s15+$0x7F40]  }
0x129: {  	v3 =	vld [tilespmem:s15+$0x7F20]  }
0x12a: {  	v4 =	vld [tilespmem:s15+$0x7F00]  }
0x12b: {  	v5 =	vld [tilespmem:s15+$0x7F10];
	_ =	sdelay $0x1  }
0x12c: {  	v6 =	vimm.f32 $0.0e+00;
	v8 =	vld [tilespmem:s15+$0x7F30]  }
0x12d: {  	v9 =	vshll.u32 v2, $0x10;
	v0 =	vshll.u32 v1, $0x10;
	v1 =	vand.u32 $0xFFFF0000, v1  }
0x12e: {  	v13 =	vld [tilespmem:s15+$0x7F50];
	v10 =	vshll.u32 v3, $0x10;
	v11 =	vand.u32 $0xFFFF0000, v3;
	v12 =	vand.u32 $0xFFFF0000, v2  }
0x12f: {  	v2 =	vshll.u32 v4, $0x10;
	v3 =	vand.u32 $0xFFFF0000, v4;
	v4 =	vshll.u32 v5, $0x10  }
0x130: {  	s13 =	simm.s32 $0x80;
	v7 =	vld [tilespmem:s15+$0x7F70];
	v14 =	vadd.f32 v2, v6;
	v15 =	vadd.f32 v3, v6;
	v2 =	vand.u32 $0xFFFF0000, v5  }
0x131: {  	v16 =	vshll.u32 v8, $0x10;
	v3 =	vld [tilespmem:s13+$0x7F60];
	v4 =	vadd.f32 v4, v6;
	v6 =	vadd.f32 v2, v6  }
0x132: {  	v8 =	vand.u32 $0xFFFF0000, v8;
	v5 =	vld [tilespmem:s13+$0x7F20];
	v10 =	vadd.f32 v10, v14;
	v11 =	vadd.f32 v11, v15  }
0x133: {  	v63 =	vshll.u32 v13, $0x10;
	v2 =	vld [tilespmem:s13+$0x7F40];
	v14 =	vadd.f32 v16, v4;
	v15 =	vadd.f32 v8, v6  }
0x134: {  	v4 =	vld [tilespmem:s13+$0x7F10];
	v8 =	vadd.f32 v9, v10;
	v9 =	vadd.f32 v12, v11;
	v11 =	vand.u32 $0xFFFF0000, v13  }
0x135: {  	s14 =	simm.s32 $0x400;
	v6 =	vld [tilespmem:s13+$0x7F00];
	v10 =	vadd.f32 v63, v14;
	v12 =	vshll.u32 v7, $0x10;
	v11 =	vadd.f32 v11, v15  }
.LBB2_16:
0x136: {  	p1 =	sne.s32 s14, $0x3000;
	v8 =	vadd.f32 v0, v8;
	v9 =	vadd.f32 v1, v9;
	v0 =	vand.u32 $0xFFFF0000, v7  }
0x137: {  	v13 =	vld [tilespmem:s13+$0x7F30];
	v10 =	vadd.f32 v12, v10;
	v11 =	vadd.f32 v0, v11  }
0x138: {  	v1 =	vand.u32 $0xFFFF0000, v3;
	v12 =	vshll.u32 v2, $0x10;
	v0 =	vshll.u32 v3, $0x10  }
0x139: {  	v15 =	vand.u32 $0xFFFF0000, v2;
	v14 =	vshll.u32 v5, $0x10;
	v5 =	vand.u32 $0xFFFF0000, v5;
	v16 =	vld [tilespmem:s13+$0x7F50]  }
0x13a: {  	v2 =	vshll.u32 v6, $0x10;
	v3 =	vand.u32 $0xFFFF0000, v6;
	v6 =	vshll.u32 v4, $0x10  }
0x13b: {  	v8 =	vadd.f32 v2, v8;
	v9 =	vadd.f32 v3, v9;
	v2 =	vand.u32 $0xFFFF0000, v4;
	v7 =	vld [tilespmem:s13+$0x7F70];
	s13 =	sshra.s32 s14, $0x2  }
.Ltmp10:
0x13c: {  	v4 =	vadd.f32 v6, v10;
	v6 =	vadd.f32 v2, v11;
	v3 =	vld [tilespmem:s13+$0x7F60];
	v10 =	vshll.u32 v13, $0x10;
	(pc) =	sbr.rel @p1 .LBB2_16-.Ltmp10, $4  }
0x13d: {  	v8 =	vadd.f32 v14, v8;
	v9 =	vadd.f32 v5, v9;
	v11 =	vand.u32 $0xFFFF0000, v13;
	v2 =	vld [tilespmem:s13+$0x7F40]  }
0x13e: {  	v10 =	vadd.f32 v10, v4;
	v11 =	vadd.f32 v11, v6;
	v5 =	vld [tilespmem:s13+$0x7F20];
	v13 =	vshll.u32 v16, $0x10  }
0x13f: {  	v8 =	vadd.f32 v12, v8;
	v9 =	vadd.f32 v15, v9;
	v12 =	vand.u32 $0xFFFF0000, v16;
	v6 =	vld [tilespmem:s13+$0x7F00]  }
0x140: {  	s14 =	sadd.s32 $0x200, s14;
	v10 =	vadd.f32 v13, v10;
	v11 =	vadd.f32 v12, v11;
	v4 =	vld [tilespmem:s13+$0x7F10];
	v12 =	vshll.u32 v7, $0x10  }
0x141: {  	v13 =	vld [tilespmem:s13+$0x7F30]  }
0x142: {  	v0 =	vadd.f32 v0, v8;
	v1 =	vadd.f32 v1, v9;
	v7 =	vand.u32 $0xFFFF0000, v7;
	v8 =	vld [tilespmem:s13+$0x7F50]  }
0x143: {  	s12 =	sadd.s32 @!p0 $0x5B0, s12;
	s14 =	simm.s32 @!p0 $0x7F00;
	v9 =	vadd.f32 v12, v10;
	v7 =	vadd.f32 v7, v11;
	v10 =	vld [tilespmem:s13+$0x7F70];
	s13 =	simm.s32 @!p0 $0x64  }
0x144: {  	v11 =	vshll.u32 v2, $0x10;
	v12 =	vshll.u32 v3, $0x10;
	v3 =	vand.u32 $0xFFFF0000, v3;
	[tilespmem:s14], [sflag:$0x7] =	stream.indirect.gather @!p0 [hbm4b:s5+s13], $0x20, s12, s13, $0xb8;
	[tilespmem:$0xA800] =	vst v63  }
0x145: {  	v2 =	vand.u32 $0xFFFF0000, v2;
	v14 =	vshll.u32 v5, $0x10;
	v15 =	vshll.u32 v6, $0x10;
	_ =	swait.ge [sflag:s3], $0xC80  }
0x146: {  	v5 =	vand.u32 $0xFFFF0000, v5;
	v6 =	vand.u32 $0xFFFF0000, v6;
	v0 =	vadd.f32 v15, v0;
	[sflag:s3] =	ssyncset.done $0x0  }
0x147: {  	s15 =	simm.s32 $0x0;
	v15 =	vshll.u32 v4, $0x10;
	v1 =	vadd.f32 v6, v1;
	v4 =	vand.u32 $0xFFFF0000, v4;
	[sflag:s3] =	ssyncadd.s32 $0xFFFFF380  }
0x148: {  	v6 =	vadd.f32 v15, v9;
	v4 =	vadd.f32 v4, v7;
	v7 =	vshll.u32 v13, $0x10;
	v9 =	vld [tilespmem:s15+$0x8BE0]  }
0x149: {  	v0 =	vadd.f32 v14, v0;
	v1 =	vadd.f32 v5, v1;
	v5 =	vand.u32 $0xFFFF0000, v13;
	v13 =	vld [tilespmem:s15+$0x8BC0]  }
0x14a: {  	v6 =	vadd.f32 v7, v6;
	v4 =	vadd.f32 v5, v4;
	v5 =	vshll.u32 v8, $0x10;
	v7 =	vld [tilespmem:s15+$0x8BA0]  }
0x14b: {  	v0 =	vadd.f32 v11, v0;
	v1 =	vadd.f32 v2, v1;
	v2 =	vand.u32 $0xFFFF0000, v8;
	v8 =	vld [tilespmem:s15+$0x8B80]  }
0x14c: {  	v5 =	vadd.f32 v5, v6;
	v2 =	vadd.f32 v2, v4;
	v4 =	vshll.u32 v10, $0x10;
	v6 =	vld [tilespmem:s15+$0x8B90]  }
0x14d: {  	v11 =	vadd.f32 v12, v0;
	v3 =	vadd.f32 v3, v1;
	v0 =	vand.u32 $0xFFFF0000, v10  }
0x14e: {  	v12 =	vld [tilespmem:s15+$0x8BB0];
	v5 =	vadd.f32 v4, v5;
	v10 =	vadd.f32 v0, v2  }
0x14f: {  	v14 =	vshll.u32 v13, $0x10;
	v0 =	vshll.u32 v9, $0x10;
	v1 =	vand.u32 $0xFFFF0000, v9  }
0x150: {  	v15 =	vld [tilespmem:s15+$0x8BD0];
	v13 =	vand.u32 $0xFFFF0000, v13;
	v9 =	vshll.u32 v7, $0x10;
	v7 =	vand.u32 $0xFFFF0000, v7  }
0x151: {  	v2 =	vshll.u32 v8, $0x10;
	v4 =	vand.u32 $0xFFFF0000, v8;
	v8 =	vshll.u32 v6, $0x10  }
0x152: {  	s12 =	simm.s32 $0x80;
	v11 =	vadd.f32 v2, v11;
	v16 =	vadd.f32 v4, v3;
	v3 =	vand.u32 $0xFFFF0000, v6;
	v4 =	vld [tilespmem:s15+$0x8BF0]  }
0x153: {  	v2 =	vld [tilespmem:s12+$0x8BE0];
	v6 =	vadd.f32 v8, v5;
	v8 =	vadd.f32 v3, v10;
	v10 =	vshll.u32 v12, $0x10  }
0x154: {  	v3 =	vld [tilespmem:s12+$0x8BC0];
	v9 =	vadd.f32 v9, v11;
	v7 =	vadd.f32 v7, v16;
	v11 =	vand.u32 $0xFFFF0000, v12  }
0x155: {  	v5 =	vld [tilespmem:s12+$0x8BA0];
	v12 =	vshll.u32 v15, $0x10;
	v10 =	vadd.f32 v10, v6;
	v11 =	vadd.f32 v11, v8  }
0x156: {  	v6 =	vld [tilespmem:s12+$0x8B80];
	v8 =	vadd.f32 v14, v9;
	v9 =	vadd.f32 v13, v7;
	v13 =	vand.u32 $0xFFFF0000, v15  }
0x157: {  	s13 =	simm.s32 $0x400;
	v7 =	vld [tilespmem:s12+$0x8B90];
	v10 =	vadd.f32 v12, v10;
	v11 =	vadd.f32 v13, v11;
	v12 =	vshll.u32 v4, $0x10  }
.LBB2_18:
0x158: {  	p1 =	sne.s32 s13, $0x3000;
	v8 =	vadd.f32 v0, v8;
	v9 =	vadd.f32 v1, v9;
	v0 =	vand.u32 $0xFFFF0000, v4  }
0x159: {  	v13 =	vld [tilespmem:s12+$0x8BB0];
	v10 =	vadd.f32 v12, v10;
	v11 =	vadd.f32 v0, v11  }
0x15a: {  	v1 =	vand.u32 $0xFFFF0000, v2;
	v12 =	vshll.u32 v3, $0x10;
	v0 =	vshll.u32 v2, $0x10  }
0x15b: {  	v15 =	vand.u32 $0xFFFF0000, v3;
	v14 =	vshll.u32 v5, $0x10;
	v5 =	vand.u32 $0xFFFF0000, v5;
	v16 =	vld [tilespmem:s12+$0x8BD0]  }
0x15c: {  	v2 =	vshll.u32 v6, $0x10;
	v3 =	vand.u32 $0xFFFF0000, v6;
	v6 =	vshll.u32 v7, $0x10  }
0x15d: {  	v8 =	vadd.f32 v2, v8;
	v9 =	vadd.f32 v3, v9;
	v3 =	vand.u32 $0xFFFF0000, v7;
	v4 =	vld [tilespmem:s12+$0x8BF0];
	s12 =	sshra.s32 s13, $0x2  }
.Ltmp11:
0x15e: {  	v6 =	vadd.f32 v6, v10;
	v7 =	vadd.f32 v3, v11;
	v2 =	vld [tilespmem:s12+$0x8BE0];
	v10 =	vshll.u32 v13, $0x10;
	(pc) =	sbr.rel @p1 .LBB2_18-.Ltmp11, $4  }
0x15f: {  	v8 =	vadd.f32 v14, v8;
	v9 =	vadd.f32 v5, v9;
	v11 =	vand.u32 $0xFFFF0000, v13;
	v3 =	vld [tilespmem:s12+$0x8BC0]  }
0x160: {  	v10 =	vadd.f32 v10, v6;
	v11 =	vadd.f32 v11, v7;
	v5 =	vld [tilespmem:s12+$0x8BA0];
	v13 =	vshll.u32 v16, $0x10  }
0x161: {  	v8 =	vadd.f32 v12, v8;
	v9 =	vadd.f32 v15, v9;
	v12 =	vand.u32 $0xFFFF0000, v16;
	v6 =	vld [tilespmem:s12+$0x8B80]  }
0x162: {  	s13 =	sadd.s32 $0x200, s13;
	v10 =	vadd.f32 v13, v10;
	v11 =	vadd.f32 v12, v11;
	v7 =	vld [tilespmem:s12+$0x8B90];
	v12 =	vshll.u32 v4, $0x10  }
0x163: {  	v0 =	vadd.f32 v0, v8;
	v1 =	vadd.f32 v1, v9  }
0x164: {  	v4 =	vand.u32 $0xFFFF0000, v4;
	v54 =	vld [tilespmem:s12+$0x8BB0];
	v57 =	vshll.u32 v2, $0x10;
	v2 =	vand.u32 $0xFFFF0000, v2  }
0x165: {  	v55 =	vadd.f32 v12, v10;
	v4 =	vadd.f32 v4, v11;
	v56 =	vshll.u32 v3, $0x10  }
0x166: {  	v13 =	vld [tilespmem:s12+$0x8BD0];
	v3 =	vand.u32 $0xFFFF0000, v3;
	v58 =	vshll.u32 v5, $0x10;
	v5 =	vand.u32 $0xFFFF0000, v5  }
0x167: {  	v14 =	vshll.u32 v6, $0x10;
	v59 =	vand.u32 $0xFFFF0000, v6;
	v15 =	vshll.u32 v7, $0x10  }
0x168: {  	v61 =	vld [tilespmem:s12+$0x8BF0];
	v0 =	vadd.f32 v14, v0;
	v1 =	vadd.f32 v59, v1;
	v60 =	vand.u32 $0xFFFF0000, v7  }
0x169: {  	v9 =	vadd.f32 v15, v55;
	v4 =	vadd.f32 v60, v4;
	v62 =	vshll.u32 v54, $0x10  }
0x16a: {  	v0 =	vadd.f32 v58, v0;
	v1 =	vadd.f32 v5, v1;
	v5 =	vand.u32 $0xFFFF0000, v54  }
.Ltmp12:
0x16b: {  	v6 =	vadd.f32 v62, v9;
	v4 =	vadd.f32 v5, v4;
	v5 =	vshll.u32 v13, $0x10;
	(pc) =	sbr.rel @p0 .LBB2_21-.Ltmp12, $4  }
0x16c: {  	v0 =	vadd.f32 v56, v0;
	v1 =	vadd.f32 v3, v1;
	v3 =	vand.u32 $0xFFFF0000, v13  }
0x16d: {  	v63 =	vshll.u32 v61, $0x10;
	v5 =	vadd.f32 v5, v6;
	v4 =	vadd.f32 v3, v4  }
0x16e: {  	v3 =	vadd.f32 v57, v0;
	v1 =	vadd.f32 v2, v1;
	v0 =	vand.u32 $0xFFFF0000, v61  }
0x16f: {  	v2 =	vadd.f32 v63, v5;
	v0 =	vadd.f32 v0, v4  }
0x170: {  	s12 =	smul.u32 $0xD00, s10;
	_ =	sdelay $0x1  }
0x171: {  	s12 =	sshra.s32 s12, $0x2  }
0x172: {  	s12 =	sadd.s32 $0x618, s12  }
0x173: {  	[tilespmem:s24], [sflag:$0x8] =	stream.indirect.gather [hbm4b:s5+s9], $0x20, s12, s9, $0xb8;
	[tilespmem:$0xA800] =	vst v63  }
.Ltmp13:
0x174: {  	_ = 	snop;
	(pc) =	sbr.rel .LBB2_3-.Ltmp13, $4  }
0x175: {  	[tilespmem:s11+$0x98C0] =	vst v3  }
0x176: {  	[tilespmem:s11+$0x98D0] =	vst v1  }
0x177: {  	[tilespmem:s11+$0x98E0] =	vst v2  }
0x178: {  	s10 =	sadd.s32 $0x1, s10;
	[tilespmem:s11+$0x98F0] =	vst v0  }
.LBB2_23:
0x179: {  	_ =	sfence.sel $0x180000  }
0x17a: {  	[bflag:$0x0] =	sbarrier.arrive $0xFFFF  }
0x17b: {  	_ =	strace $0x90000047  }
0x17c: {  	s0 =	stileid.u32;
	[bflag:$0x2] =	sbarrier.arrive $0xFFFF  }
0x17d: {  	p0 =	sne.s32 s0, $0x0;
	s0 =	rddreg [dreg:$0x2]  }
0x17e: {  	s0 =	sadd.s32 @!p0 $0x100000, s0  }
0x17f: {  	[sflag:s0] =	ssyncadd.tile.s32 @!p0 $0x1;
	_ =	shalt  }
.Lfunc_end2:
_tile_overlayer_lowered:
.L_overlay_start_2:
0x180: {  	(tag) =	ssettag $0x2  }
0x181: {  	s0 =	rddreg [dreg:$0x0];
	s2 =	stileid.u32  }
0x182: {  	s1 =	rddreg [dreg:$0x1];
	p0 =	sne.s32 s2, $0x0  }
0x183: {  	s3 =	rddreg [dreg:$0x2];
	[bflag:$0x3] =	sbarrier.arrive $0xFFFF;
	s2 =	simm.s32 @!p0 $0x1C09  }
0x184: {  	[timem:s3], [sflag:s2] =	dma.local @!p0 [hbm:s0], s1  }
0x185: {  	s0 =	simm.s32 @!p0 $0x9  }
0x186: {  	_ =	swait.ge @!p0 [sflag:s0], s1  }
0x187: {  	s1 =	ssub.s32 @!p0 $0x0, s1;
	[sflag:s0] =	ssyncset.done @!p0 $0x0  }
0x188: {  	[sflag:s0] =	ssyncadd.s32 @!p0 s1  }
0x189: {  	[bflag:$0x3] =	sbarrier.arrive $0xFFFF  }
0x18a: {  	_ =	shalt  }

</sc_bundles>
